<compile_context>
chip_gen: v7x
topology: tpu7x:2x2x1
jax: 0.10.2.dev20260603
libtpu: 0.0.44.dev20260713+nightly
codegen_flags: <defaults>
</compile_context>

<pallas_src>
import functools

import jax
import jax.numpy as jnp
from jax import lax
from jax.experimental import pallas as pl
from jax.experimental.pallas import tpu as pltpu
from jax.experimental.pallas import tpu_sc as plsc

B, C, H, W = 64, 384, 28, 28
L = 16
NC, NS = 2, 16
NW = NC * NS
PR = H * W * B
RPW = PR // NW
CH = 56
NCH = RPW // CH
GROUPS = C // L

_mesh = plsc.VectorSubcoreMesh(
    core_axis_name="c", subcore_axis_name="s", num_cores=NC, num_subcores=NS
)


@functools.partial(
    pl.kernel,
    out_type=jax.ShapeDtypeStruct((PR, C), jnp.float32),
    mesh=_mesh,
    scratch_types=[
        pltpu.VMEM((C,), jnp.int32),
        [pltpu.VMEM((CH, C), jnp.float32)] * 2,
        [pltpu.VMEM((CH, C), jnp.float32)] * 2,
        [pltpu.SemaphoreType.DMA] * 2,
        [pltpu.SemaphoreType.DMA] * 2,
    ],
    compiler_params=pltpu.CompilerParams(needs_layout_passes=False),
)
def _lane_gather(x_hbm, idx_hbm, out_hbm, cidx_v, inbufs, outbufs, isems, osems):
    wid = lax.axis_index("s") * NC + lax.axis_index("c")
    base = wid * RPW

    pltpu.sync_copy(idx_hbm, cidx_v)
    colvs = [cidx_v[pl.ds(g * L, L)] for g in range(GROUPS)]

    NT = C // 128
    tile_used = []
    zeros = jnp.zeros((L,), jnp.int32)
    ones = jnp.ones((L,), jnp.int32)
    for t in range(NT):
        acc = zeros
        for g in range(GROUPS):
            acc = jnp.maximum(acc, jnp.where(colvs[g] >> 7 == t, ones, zeros))
        tile_used.append(jnp.max(acc) > 0)

    def din(ci, slot):
        for t in range(NT):
            @pl.when(tile_used[t])
            def _():
                pltpu.async_copy(
                    x_hbm.at[pl.ds(base + ci * CH, CH), pl.ds(128 * t, 128)],
                    inbufs[slot].at[pl.ds(0, CH), pl.ds(128 * t, 128)],
                    isems[slot],
                )

    def din_wait(slot):
        for t in range(NT):
            @pl.when(tile_used[t])
            def _():
                pltpu.make_async_copy(
                    x_hbm.at[pl.ds(0, CH), pl.ds(128 * t, 128)],
                    inbufs[slot].at[pl.ds(0, CH), pl.ds(128 * t, 128)],
                    isems[slot],
                ).wait()

    def dout(ci, slot):
        pltpu.async_copy(
            outbufs[slot], out_hbm.at[pl.ds(base + ci * CH, CH)], osems[slot]
        )

    def dout_wait(slot):
        pltpu.make_async_copy(
            outbufs[slot], out_hbm.at[pl.ds(0, CH)], osems[slot]
        ).wait()

    def compute(slot):
        ib, ob = inbufs[slot], outbufs[slot]

        @plsc.parallel_loop(0, CH, unroll=2)
        def _row(r):
            rowv = jnp.full((L,), r, jnp.int32)
            for g in range(GROUPS):
                ob[r, pl.ds(g * L, L)] = plsc.load_gather(ib, [rowv, colvs[g]])

    din(0, 0)
    din(1, 1)

    @pl.loop(0, NCH // 2)
    def _pair(p):
        for slot in range(2):
            ci = p * 2 + slot
            din_wait(slot)

            @pl.when(p >= 1)
            def _():
                dout_wait(slot)

            compute(slot)
            dout(ci, slot)

            @pl.when(ci + 2 < NCH)
            def _():
                din(ci + 2, slot)

    dout_wait(0)
    dout_wait(1)


@jax.jit
def kernel(x, indices):
    xt = jnp.transpose(x, (2, 3, 0, 1)).reshape(PR, C)
    out = _lane_gather(xt, indices)
    return jnp.transpose(out.reshape(H, W, B, C), (2, 3, 0, 1))

# --- scband reference (transcript-rebuilt; emitter-appended) ---
"""Pipeline reference for scband-feature-map-pruner-14465449853081 (READ-ONLY COPY).

The authoritative reference and input builder live on the scoring server;
editing this copy changes nothing except your own understanding.
"""

import jax, jax.numpy as jnp
import numpy as np


def setup_inputs(seed: int = 0) -> dict:
    key = jax.random.key(seed)
    x = jax.random.normal(key, (64, 384, 28, 28), dtype=jnp.float32)
    # Module buffer: torch.ones(num_features). Torch advanced indexing requires
    # integer indices, so the faithful-and-runnable interpretation is an index
    # vector of all ones (selects channel 1, repeated num_features times).
    indices = jnp.ones((384,), dtype=jnp.int32)
    return {"x": x, "indices": indices}


def reference(x, indices):
    # x[:, self.indices, :, :] -> gather along channel axis
    return x[:, indices, :, :]

if __name__ == "__main__":
    import jax
    _d = setup_inputs()
    print(jax.jit(kernel)(*tuple(_d.values())))

</pallas_src>

<mosaic_0001>
#map = affine_map<(d0, d1) -> (0, 0)>
#map1 = affine_map<(d0, d1) -> (0)>
module attributes {stable_mosaic.version = 14 : i64} {
  func.func @_lane_gather(%arg0: i32, %arg1: i32, %arg2: memref<50176x384xf32, #tpu.memory_space<hbm>>, %arg3: memref<384xi32, #tpu.memory_space<hbm>>, %arg4: memref<50176x384xf32, #tpu.memory_space<hbm>>, %arg5: memref<384xi32, #tpu.memory_space<vmem>>, %arg6: memref<56x384xf32, #tpu.memory_space<vmem>>, %arg7: memref<56x384xf32, #tpu.memory_space<vmem>>, %arg8: memref<56x384xf32, #tpu.memory_space<vmem>>, %arg9: memref<56x384xf32, #tpu.memory_space<vmem>>, %arg10: memref<!tpu.dma_semaphore, #tpu.memory_space<semaphore_mem>>, %arg11: memref<!tpu.dma_semaphore, #tpu.memory_space<semaphore_mem>>, %arg12: memref<!tpu.dma_semaphore, #tpu.memory_space<semaphore_mem>>, %arg13: memref<!tpu.dma_semaphore, #tpu.memory_space<semaphore_mem>>) attributes {dimension_semantics = [#tpu.dimension_semantics<core_parallel>, #tpu.dimension_semantics<subcore_parallel>], iteration_bounds = array<i64: 2, 16>, scalar_prefetch = 0 : i64, scratch_operands = 9 : i64, tpu.core_type = #tpu.core_type<sc_vector_subcore>, window_params = [{transform_indices = #map}, {transform_indices = #map1}, {transform_indices = #map}]} {
    %mul3A = arith.constant 2 : i32
    %mul3A_0 = arith.muli %arg1, %mul3A : i32
    %add3A = arith.addi %mul3A_0, %arg0 : i32
    %mul3A_1 = arith.constant 1568 : i32
    %mul3A_2 = arith.muli %add3A, %mul3A_1 : i32
    "tpu.region"() ({
      %run_scoped3A = tpu.sem_alloc : memref<!tpu.dma_semaphore, #tpu.memory_space<semaphore_mem>>
      tpu.enqueue_dma source(%arg3 : memref<384xi32, #tpu.memory_space<hbm>>) target(%arg5 : memref<384xi32, #tpu.memory_space<vmem>>) target_semaphore(%run_scoped3A : memref<!tpu.dma_semaphore, #tpu.memory_space<semaphore_mem>>)
      tpu.wait_dma2 semaphore(%run_scoped3A : memref<!tpu.dma_semaphore, #tpu.memory_space<semaphore_mem>>) src(%arg3 : memref<384xi32, #tpu.memory_space<hbm>>) dst(%arg5 : memref<384xi32, #tpu.memory_space<vmem>>)
      tpu.yield
    }) : () -> ()
    %get3A = arith.constant 0 : index
    %get3A_3 = tpu.vector_load %arg5[%get3A] {strides = array<i32>} : memref<384xi32, #tpu.memory_space<vmem>>, vector<16xi32>,
    %get3A_4 = arith.constant 16 : index
    %get3A_5 = tpu.vector_load %arg5[%get3A_4] {strides = array<i32>} : memref<384xi32, #tpu.memory_space<vmem>>, vector<16xi32>,
    %get3A_6 = arith.constant 32 : index
    %get3A_7 = tpu.vector_load %arg5[%get3A_6] {strides = array<i32>} : memref<384xi32, #tpu.memory_space<vmem>>, vector<16xi32>,
    %get3A_8 = arith.constant 48 : index
    %get3A_9 = tpu.vector_load %arg5[%get3A_8] {strides = array<i32>} : memref<384xi32, #tpu.memory_space<vmem>>, vector<16xi32>,
    %get3A_10 = arith.constant 64 : index
    %get3A_11 = tpu.vector_load %arg5[%get3A_10] {strides = array<i32>} : memref<384xi32, #tpu.memory_space<vmem>>, vector<16xi32>,
    %get3A_12 = arith.constant 80 : index
    %get3A_13 = tpu.vector_load %arg5[%get3A_12] {strides = array<i32>} : memref<384xi32, #tpu.memory_space<vmem>>, vector<16xi32>,
    %get3A_14 = arith.constant 96 : index
    %get3A_15 = tpu.vector_load %arg5[%get3A_14] {strides = array<i32>} : memref<384xi32, #tpu.memory_space<vmem>>, vector<16xi32>,
    %get3A_16 = arith.constant 112 : index
    %get3A_17 = tpu.vector_load %arg5[%get3A_16] {strides = array<i32>} : memref<384xi32, #tpu.memory_space<vmem>>, vector<16xi32>,
    %get3A_18 = arith.constant 128 : index
    %get3A_19 = tpu.vector_load %arg5[%get3A_18] {strides = array<i32>} : memref<384xi32, #tpu.memory_space<vmem>>, vector<16xi32>,
    %get3A_20 = arith.constant 144 : index
    %get3A_21 = tpu.vector_load %arg5[%get3A_20] {strides = array<i32>} : memref<384xi32, #tpu.memory_space<vmem>>, vector<16xi32>,
    %get3A_22 = arith.constant 160 : index
    %get3A_23 = tpu.vector_load %arg5[%get3A_22] {strides = array<i32>} : memref<384xi32, #tpu.memory_space<vmem>>, vector<16xi32>,
    %get3A_24 = arith.constant 176 : index
    %get3A_25 = tpu.vector_load %arg5[%get3A_24] {strides = array<i32>} : memref<384xi32, #tpu.memory_space<vmem>>, vector<16xi32>,
    %get3A_26 = arith.constant 192 : index
    %get3A_27 = tpu.vector_load %arg5[%get3A_26] {strides = array<i32>} : memref<384xi32, #tpu.memory_space<vmem>>, vector<16xi32>,
    %get3A_28 = arith.constant 208 : index
    %get3A_29 = tpu.vector_load %arg5[%get3A_28] {strides = array<i32>} : memref<384xi32, #tpu.memory_space<vmem>>, vector<16xi32>,
    %get3A_30 = arith.constant 224 : index
    %get3A_31 = tpu.vector_load %arg5[%get3A_30] {strides = array<i32>} : memref<384xi32, #tpu.memory_space<vmem>>, vector<16xi32>,
    %get3A_32 = arith.constant 240 : index
    %get3A_33 = tpu.vector_load %arg5[%get3A_32] {strides = array<i32>} : memref<384xi32, #tpu.memory_space<vmem>>, vector<16xi32>,
    %get3A_34 = arith.constant 256 : index
    %get3A_35 = tpu.vector_load %arg5[%get3A_34] {strides = array<i32>} : memref<384xi32, #tpu.memory_space<vmem>>, vector<16xi32>,
    %get3A_36 = arith.constant 272 : index
    %get3A_37 = tpu.vector_load %arg5[%get3A_36] {strides = array<i32>} : memref<384xi32, #tpu.memory_space<vmem>>, vector<16xi32>,
    %get3A_38 = arith.constant 288 : index
    %get3A_39 = tpu.vector_load %arg5[%get3A_38] {strides = array<i32>} : memref<384xi32, #tpu.memory_space<vmem>>, vector<16xi32>,
    %get3A_40 = arith.constant 304 : index
    %get3A_41 = tpu.vector_load %arg5[%get3A_40] {strides = array<i32>} : memref<384xi32, #tpu.memory_space<vmem>>, vector<16xi32>,
    %get3A_42 = arith.constant 320 : index
    %get3A_43 = tpu.vector_load %arg5[%get3A_42] {strides = array<i32>} : memref<384xi32, #tpu.memory_space<vmem>>, vector<16xi32>,
    %get3A_44 = arith.constant 336 : index
    %get3A_45 = tpu.vector_load %arg5[%get3A_44] {strides = array<i32>} : memref<384xi32, #tpu.memory_space<vmem>>, vector<16xi32>,
    %get3A_46 = arith.constant 352 : index
    %get3A_47 = tpu.vector_load %arg5[%get3A_46] {strides = array<i32>} : memref<384xi32, #tpu.memory_space<vmem>>, vector<16xi32>,
    %get3A_48 = arith.constant 368 : index
    %get3A_49 = tpu.vector_load %arg5[%get3A_48] {strides = array<i32>} : memref<384xi32, #tpu.memory_space<vmem>>, vector<16xi32>,
    %broadcast_in_dim3A = arith.constant 0 : i32
    %broadcast_in_dim3A_50 = vector.broadcast %broadcast_in_dim3A : i32 to vector<16xi32>
    %broadcast_in_dim3A_51 = arith.constant 1 : i32
    %broadcast_in_dim3A_52 = vector.broadcast %broadcast_in_dim3A_51 : i32 to vector<16xi32>
    %shift_right_arithmetic3A = arith.constant 7 : i32
    %shift_right_arithmetic3A_53 = vector.broadcast %shift_right_arithmetic3A : i32 to vector<16xi32>
    %shift_right_arithmetic3A_54 = arith.shrsi %get3A_3, %shift_right_arithmetic3A_53 : vector<16xi32>
    %eq3A = arith.constant 0 : i32
    %eq3A_55 = vector.broadcast %eq3A : i32 to vector<16xi32>
    %eq3A_56 = arith.cmpi eq, %shift_right_arithmetic3A_54, %eq3A_55 : vector<16xi32>
    %select_n3A = arith.select %eq3A_56, %broadcast_in_dim3A_52, %broadcast_in_dim3A_50 : vector<16xi1>, vector<16xi32>
    %max3A = arith.maxsi %broadcast_in_dim3A_50, %select_n3A : vector<16xi32>
    %shift_right_arithmetic3A_57 = arith.constant 7 : i32
    %shift_right_arithmetic3A_58 = vector.broadcast %shift_right_arithmetic3A_57 : i32 to vector<16xi32>
    %shift_right_arithmetic3A_59 = arith.shrsi %get3A_5, %shift_right_arithmetic3A_58 : vector<16xi32>
    %eq3A_60 = arith.constant 0 : i32
    %eq3A_61 = vector.broadcast %eq3A_60 : i32 to vector<16xi32>
    %eq3A_62 = arith.cmpi eq, %shift_right_arithmetic3A_59, %eq3A_61 : vector<16xi32>
    %select_n3A_63 = arith.select %eq3A_62, %broadcast_in_dim3A_52, %broadcast_in_dim3A_50 : vector<16xi1>, vector<16xi32>
    %max3A_64 = arith.maxsi %max3A, %select_n3A_63 : vector<16xi32>
    %shift_right_arithmetic3A_65 = arith.constant 7 : i32
    %shift_right_arithmetic3A_66 = vector.broadcast %shift_right_arithmetic3A_65 : i32 to vector<16xi32>
    %shift_right_arithmetic3A_67 = arith.shrsi %get3A_7, %shift_right_arithmetic3A_66 : vector<16xi32>
    %eq3A_68 = arith.constant 0 : i32
    %eq3A_69 = vector.broadcast %eq3A_68 : i32 to vector<16xi32>
    %eq3A_70 = arith.cmpi eq, %shift_right_arithmetic3A_67, %eq3A_69 : vector<16xi32>
    %select_n3A_71 = arith.select %eq3A_70, %broadcast_in_dim3A_52, %broadcast_in_dim3A_50 : vector<16xi1>, vector<16xi32>
    %max3A_72 = arith.maxsi %max3A_64, %select_n3A_71 : vector<16xi32>
    %shift_right_arithmetic3A_73 = arith.constant 7 : i32
    %shift_right_arithmetic3A_74 = vector.broadcast %shift_right_arithmetic3A_73 : i32 to vector<16xi32>
    %shift_right_arithmetic3A_75 = arith.shrsi %get3A_9, %shift_right_arithmetic3A_74 : vector<16xi32>
    %eq3A_76 = arith.constant 0 : i32
    %eq3A_77 = vector.broadcast %eq3A_76 : i32 to vector<16xi32>
    %eq3A_78 = arith.cmpi eq, %shift_right_arithmetic3A_75, %eq3A_77 : vector<16xi32>
    %select_n3A_79 = arith.select %eq3A_78, %broadcast_in_dim3A_52, %broadcast_in_dim3A_50 : vector<16xi1>, vector<16xi32>
    %max3A_80 = arith.maxsi %max3A_72, %select_n3A_79 : vector<16xi32>
    %shift_right_arithmetic3A_81 = arith.constant 7 : i32
    %shift_right_arithmetic3A_82 = vector.broadcast %shift_right_arithmetic3A_81 : i32 to vector<16xi32>
    %shift_right_arithmetic3A_83 = arith.shrsi %get3A_11, %shift_right_arithmetic3A_82 : vector<16xi32>
    %eq3A_84 = arith.constant 0 : i32
    %eq3A_85 = vector.broadcast %eq3A_84 : i32 to vector<16xi32>
    %eq3A_86 = arith.cmpi eq, %shift_right_arithmetic3A_83, %eq3A_85 : vector<16xi32>
    %select_n3A_87 = arith.select %eq3A_86, %broadcast_in_dim3A_52, %broadcast_in_dim3A_50 : vector<16xi1>, vector<16xi32>
    %max3A_88 = arith.maxsi %max3A_80, %select_n3A_87 : vector<16xi32>
    %shift_right_arithmetic3A_89 = arith.constant 7 : i32
    %shift_right_arithmetic3A_90 = vector.broadcast %shift_right_arithmetic3A_89 : i32 to vector<16xi32>
    %shift_right_arithmetic3A_91 = arith.shrsi %get3A_13, %shift_right_arithmetic3A_90 : vector<16xi32>
    %eq3A_92 = arith.constant 0 : i32
    %eq3A_93 = vector.broadcast %eq3A_92 : i32 to vector<16xi32>
    %eq3A_94 = arith.cmpi eq, %shift_right_arithmetic3A_91, %eq3A_93 : vector<16xi32>
    %select_n3A_95 = arith.select %eq3A_94, %broadcast_in_dim3A_52, %broadcast_in_dim3A_50 : vector<16xi1>, vector<16xi32>
    %max3A_96 = arith.maxsi %max3A_88, %select_n3A_95 : vector<16xi32>
    %shift_right_arithmetic3A_97 = arith.constant 7 : i32
    %shift_right_arithmetic3A_98 = vector.broadcast %shift_right_arithmetic3A_97 : i32 to vector<16xi32>
    %shift_right_arithmetic3A_99 = arith.shrsi %get3A_15, %shift_right_arithmetic3A_98 : vector<16xi32>
    %eq3A_100 = arith.constant 0 : i32
    %eq3A_101 = vector.broadcast %eq3A_100 : i32 to vector<16xi32>
    %eq3A_102 = arith.cmpi eq, %shift_right_arithmetic3A_99, %eq3A_101 : vector<16xi32>
    %select_n3A_103 = arith.select %eq3A_102, %broadcast_in_dim3A_52, %broadcast_in_dim3A_50 : vector<16xi1>, vector<16xi32>
    %max3A_104 = arith.maxsi %max3A_96, %select_n3A_103 : vector<16xi32>
    %shift_right_arithmetic3A_105 = arith.constant 7 : i32
    %shift_right_arithmetic3A_106 = vector.broadcast %shift_right_arithmetic3A_105 : i32 to vector<16xi32>
    %shift_right_arithmetic3A_107 = arith.shrsi %get3A_17, %shift_right_arithmetic3A_106 : vector<16xi32>
    %eq3A_108 = arith.constant 0 : i32
    %eq3A_109 = vector.broadcast %eq3A_108 : i32 to vector<16xi32>
    %eq3A_110 = arith.cmpi eq, %shift_right_arithmetic3A_107, %eq3A_109 : vector<16xi32>
    %select_n3A_111 = arith.select %eq3A_110, %broadcast_in_dim3A_52, %broadcast_in_dim3A_50 : vector<16xi1>, vector<16xi32>
    %max3A_112 = arith.maxsi %max3A_104, %select_n3A_111 : vector<16xi32>
    %shift_right_arithmetic3A_113 = arith.constant 7 : i32
    %shift_right_arithmetic3A_114 = vector.broadcast %shift_right_arithmetic3A_113 : i32 to vector<16xi32>
    %shift_right_arithmetic3A_115 = arith.shrsi %get3A_19, %shift_right_arithmetic3A_114 : vector<16xi32>
    %eq3A_116 = arith.constant 0 : i32
    %eq3A_117 = vector.broadcast %eq3A_116 : i32 to vector<16xi32>
    %eq3A_118 = arith.cmpi eq, %shift_right_arithmetic3A_115, %eq3A_117 : vector<16xi32>
    %select_n3A_119 = arith.select %eq3A_118, %broadcast_in_dim3A_52, %broadcast_in_dim3A_50 : vector<16xi1>, vector<16xi32>
    %max3A_120 = arith.maxsi %max3A_112, %select_n3A_119 : vector<16xi32>
    %shift_right_arithmetic3A_121 = arith.constant 7 : i32
    %shift_right_arithmetic3A_122 = vector.broadcast %shift_right_arithmetic3A_121 : i32 to vector<16xi32>
    %shift_right_arithmetic3A_123 = arith.shrsi %get3A_21, %shift_right_arithmetic3A_122 : vector<16xi32>
    %eq3A_124 = arith.constant 0 : i32
    %eq3A_125 = vector.broadcast %eq3A_124 : i32 to vector<16xi32>
    %eq3A_126 = arith.cmpi eq, %shift_right_arithmetic3A_123, %eq3A_125 : vector<16xi32>
    %select_n3A_127 = arith.select %eq3A_126, %broadcast_in_dim3A_52, %broadcast_in_dim3A_50 : vector<16xi1>, vector<16xi32>
    %max3A_128 = arith.maxsi %max3A_120, %select_n3A_127 : vector<16xi32>
    %shift_right_arithmetic3A_129 = arith.constant 7 : i32
    %shift_right_arithmetic3A_130 = vector.broadcast %shift_right_arithmetic3A_129 : i32 to vector<16xi32>
    %shift_right_arithmetic3A_131 = arith.shrsi %get3A_23, %shift_right_arithmetic3A_130 : vector<16xi32>
    %eq3A_132 = arith.constant 0 : i32
    %eq3A_133 = vector.broadcast %eq3A_132 : i32 to vector<16xi32>
    %eq3A_134 = arith.cmpi eq, %shift_right_arithmetic3A_131, %eq3A_133 : vector<16xi32>
    %select_n3A_135 = arith.select %eq3A_134, %broadcast_in_dim3A_52, %broadcast_in_dim3A_50 : vector<16xi1>, vector<16xi32>
    %max3A_136 = arith.maxsi %max3A_128, %select_n3A_135 : vector<16xi32>
    %shift_right_arithmetic3A_137 = arith.constant 7 : i32
    %shift_right_arithmetic3A_138 = vector.broadcast %shift_right_arithmetic3A_137 : i32 to vector<16xi32>
    %shift_right_arithmetic3A_139 = arith.shrsi %get3A_25, %shift_right_arithmetic3A_138 : vector<16xi32>
    %eq3A_140 = arith.constant 0 : i32
    %eq3A_141 = vector.broadcast %eq3A_140 : i32 to vector<16xi32>
    %eq3A_142 = arith.cmpi eq, %shift_right_arithmetic3A_139, %eq3A_141 : vector<16xi32>
    %select_n3A_143 = arith.select %eq3A_142, %broadcast_in_dim3A_52, %broadcast_in_dim3A_50 : vector<16xi1>, vector<16xi32>
    %max3A_144 = arith.maxsi %max3A_136, %select_n3A_143 : vector<16xi32>
    %shift_right_arithmetic3A_145 = arith.constant 7 : i32
    %shift_right_arithmetic3A_146 = vector.broadcast %shift_right_arithmetic3A_145 : i32 to vector<16xi32>
    %shift_right_arithmetic3A_147 = arith.shrsi %get3A_27, %shift_right_arithmetic3A_146 : vector<16xi32>
    %eq3A_148 = arith.constant 0 : i32
    %eq3A_149 = vector.broadcast %eq3A_148 : i32 to vector<16xi32>
    %eq3A_150 = arith.cmpi eq, %shift_right_arithmetic3A_147, %eq3A_149 : vector<16xi32>
    %select_n3A_151 = arith.select %eq3A_150, %broadcast_in_dim3A_52, %broadcast_in_dim3A_50 : vector<16xi1>, vector<16xi32>
    %max3A_152 = arith.maxsi %max3A_144, %select_n3A_151 : vector<16xi32>
    %shift_right_arithmetic3A_153 = arith.constant 7 : i32
    %shift_right_arithmetic3A_154 = vector.broadcast %shift_right_arithmetic3A_153 : i32 to vector<16xi32>
    %shift_right_arithmetic3A_155 = arith.shrsi %get3A_29, %shift_right_arithmetic3A_154 : vector<16xi32>
    %eq3A_156 = arith.constant 0 : i32
    %eq3A_157 = vector.broadcast %eq3A_156 : i32 to vector<16xi32>
    %eq3A_158 = arith.cmpi eq, %shift_right_arithmetic3A_155, %eq3A_157 : vector<16xi32>
    %select_n3A_159 = arith.select %eq3A_158, %broadcast_in_dim3A_52, %broadcast_in_dim3A_50 : vector<16xi1>, vector<16xi32>
    %max3A_160 = arith.maxsi %max3A_152, %select_n3A_159 : vector<16xi32>
    %shift_right_arithmetic3A_161 = arith.constant 7 : i32
    %shift_right_arithmetic3A_162 = vector.broadcast %shift_right_arithmetic3A_161 : i32 to vector<16xi32>
    %shift_right_arithmetic3A_163 = arith.shrsi %get3A_31, %shift_right_arithmetic3A_162 : vector<16xi32>
    %eq3A_164 = arith.constant 0 : i32
    %eq3A_165 = vector.broadcast %eq3A_164 : i32 to vector<16xi32>
    %eq3A_166 = arith.cmpi eq, %shift_right_arithmetic3A_163, %eq3A_165 : vector<16xi32>
    %select_n3A_167 = arith.select %eq3A_166, %broadcast_in_dim3A_52, %broadcast_in_dim3A_50 : vector<16xi1>, vector<16xi32>
    %max3A_168 = arith.maxsi %max3A_160, %select_n3A_167 : vector<16xi32>
    %shift_right_arithmetic3A_169 = arith.constant 7 : i32
    %shift_right_arithmetic3A_170 = vector.broadcast %shift_right_arithmetic3A_169 : i32 to vector<16xi32>
    %shift_right_arithmetic3A_171 = arith.shrsi %get3A_33, %shift_right_arithmetic3A_170 : vector<16xi32>
    %eq3A_172 = arith.constant 0 : i32
    %eq3A_173 = vector.broadcast %eq3A_172 : i32 to vector<16xi32>
    %eq3A_174 = arith.cmpi eq, %shift_right_arithmetic3A_171, %eq3A_173 : vector<16xi32>
    %select_n3A_175 = arith.select %eq3A_174, %broadcast_in_dim3A_52, %broadcast_in_dim3A_50 : vector<16xi1>, vector<16xi32>
    %max3A_176 = arith.maxsi %max3A_168, %select_n3A_175 : vector<16xi32>
    %shift_right_arithmetic3A_177 = arith.constant 7 : i32
    %shift_right_arithmetic3A_178 = vector.broadcast %shift_right_arithmetic3A_177 : i32 to vector<16xi32>
    %shift_right_arithmetic3A_179 = arith.shrsi %get3A_35, %shift_right_arithmetic3A_178 : vector<16xi32>
    %eq3A_180 = arith.constant 0 : i32
    %eq3A_181 = vector.broadcast %eq3A_180 : i32 to vector<16xi32>
    %eq3A_182 = arith.cmpi eq, %shift_right_arithmetic3A_179, %eq3A_181 : vector<16xi32>
    %select_n3A_183 = arith.select %eq3A_182, %broadcast_in_dim3A_52, %broadcast_in_dim3A_50 : vector<16xi1>, vector<16xi32>
    %max3A_184 = arith.maxsi %max3A_176, %select_n3A_183 : vector<16xi32>
    %shift_right_arithmetic3A_185 = arith.constant 7 : i32
    %shift_right_arithmetic3A_186 = vector.broadcast %shift_right_arithmetic3A_185 : i32 to vector<16xi32>
    %shift_right_arithmetic3A_187 = arith.shrsi %get3A_37, %shift_right_arithmetic3A_186 : vector<16xi32>
    %eq3A_188 = arith.constant 0 : i32
    %eq3A_189 = vector.broadcast %eq3A_188 : i32 to vector<16xi32>
    %eq3A_190 = arith.cmpi eq, %shift_right_arithmetic3A_187, %eq3A_189 : vector<16xi32>
    %select_n3A_191 = arith.select %eq3A_190, %broadcast_in_dim3A_52, %broadcast_in_dim3A_50 : vector<16xi1>, vector<16xi32>
    %max3A_192 = arith.maxsi %max3A_184, %select_n3A_191 : vector<16xi32>
    %shift_right_arithmetic3A_193 = arith.constant 7 : i32
    %shift_right_arithmetic3A_194 = vector.broadcast %shift_right_arithmetic3A_193 : i32 to vector<16xi32>
    %shift_right_arithmetic3A_195 = arith.shrsi %get3A_39, %shift_right_arithmetic3A_194 : vector<16xi32>
    %eq3A_196 = arith.constant 0 : i32
    %eq3A_197 = vector.broadcast %eq3A_196 : i32 to vector<16xi32>
    %eq3A_198 = arith.cmpi eq, %shift_right_arithmetic3A_195, %eq3A_197 : vector<16xi32>
    %select_n3A_199 = arith.select %eq3A_198, %broadcast_in_dim3A_52, %broadcast_in_dim3A_50 : vector<16xi1>, vector<16xi32>
    %max3A_200 = arith.maxsi %max3A_192, %select_n3A_199 : vector<16xi32>
    %shift_right_arithmetic3A_201 = arith.constant 7 : i32
    %shift_right_arithmetic3A_202 = vector.broadcast %shift_right_arithmetic3A_201 : i32 to vector<16xi32>
    %shift_right_arithmetic3A_203 = arith.shrsi %get3A_41, %shift_right_arithmetic3A_202 : vector<16xi32>
    %eq3A_204 = arith.constant 0 : i32
    %eq3A_205 = vector.broadcast %eq3A_204 : i32 to vector<16xi32>
    %eq3A_206 = arith.cmpi eq, %shift_right_arithmetic3A_203, %eq3A_205 : vector<16xi32>
    %select_n3A_207 = arith.select %eq3A_206, %broadcast_in_dim3A_52, %broadcast_in_dim3A_50 : vector<16xi1>, vector<16xi32>
    %max3A_208 = arith.maxsi %max3A_200, %select_n3A_207 : vector<16xi32>
    %shift_right_arithmetic3A_209 = arith.constant 7 : i32
    %shift_right_arithmetic3A_210 = vector.broadcast %shift_right_arithmetic3A_209 : i32 to vector<16xi32>
    %shift_right_arithmetic3A_211 = arith.shrsi %get3A_43, %shift_right_arithmetic3A_210 : vector<16xi32>
    %eq3A_212 = arith.constant 0 : i32
    %eq3A_213 = vector.broadcast %eq3A_212 : i32 to vector<16xi32>
    %eq3A_214 = arith.cmpi eq, %shift_right_arithmetic3A_211, %eq3A_213 : vector<16xi32>
    %select_n3A_215 = arith.select %eq3A_214, %broadcast_in_dim3A_52, %broadcast_in_dim3A_50 : vector<16xi1>, vector<16xi32>
    %max3A_216 = arith.maxsi %max3A_208, %select_n3A_215 : vector<16xi32>
    %shift_right_arithmetic3A_217 = arith.constant 7 : i32
    %shift_right_arithmetic3A_218 = vector.broadcast %shift_right_arithmetic3A_217 : i32 to vector<16xi32>
    %shift_right_arithmetic3A_219 = arith.shrsi %get3A_45, %shift_right_arithmetic3A_218 : vector<16xi32>
    %eq3A_220 = arith.constant 0 : i32
    %eq3A_221 = vector.broadcast %eq3A_220 : i32 to vector<16xi32>
    %eq3A_222 = arith.cmpi eq, %shift_right_arithmetic3A_219, %eq3A_221 : vector<16xi32>
    %select_n3A_223 = arith.select %eq3A_222, %broadcast_in_dim3A_52, %broadcast_in_dim3A_50 : vector<16xi1>, vector<16xi32>
    %max3A_224 = arith.maxsi %max3A_216, %select_n3A_223 : vector<16xi32>
    %shift_right_arithmetic3A_225 = arith.constant 7 : i32
    %shift_right_arithmetic3A_226 = vector.broadcast %shift_right_arithmetic3A_225 : i32 to vector<16xi32>
    %shift_right_arithmetic3A_227 = arith.shrsi %get3A_47, %shift_right_arithmetic3A_226 : vector<16xi32>
    %eq3A_228 = arith.constant 0 : i32
    %eq3A_229 = vector.broadcast %eq3A_228 : i32 to vector<16xi32>
    %eq3A_230 = arith.cmpi eq, %shift_right_arithmetic3A_227, %eq3A_229 : vector<16xi32>
    %select_n3A_231 = arith.select %eq3A_230, %broadcast_in_dim3A_52, %broadcast_in_dim3A_50 : vector<16xi1>, vector<16xi32>
    %max3A_232 = arith.maxsi %max3A_224, %select_n3A_231 : vector<16xi32>
    %shift_right_arithmetic3A_233 = arith.constant 7 : i32
    %shift_right_arithmetic3A_234 = vector.broadcast %shift_right_arithmetic3A_233 : i32 to vector<16xi32>
    %shift_right_arithmetic3A_235 = arith.shrsi %get3A_49, %shift_right_arithmetic3A_234 : vector<16xi32>
    %eq3A_236 = arith.constant 0 : i32
    %eq3A_237 = vector.broadcast %eq3A_236 : i32 to vector<16xi32>
    %eq3A_238 = arith.cmpi eq, %shift_right_arithmetic3A_235, %eq3A_237 : vector<16xi32>
    %select_n3A_239 = arith.select %eq3A_238, %broadcast_in_dim3A_52, %broadcast_in_dim3A_50 : vector<16xi1>, vector<16xi32>
    %max3A_240 = arith.maxsi %max3A_232, %select_n3A_239 : vector<16xi32>
    %reduce_max3A = arith.constant true
    %reduce_max3A_241 = vector.broadcast %reduce_max3A : i1 to vector<16xi1>
    %reduce_max3A_242 = arith.constant -2147483648 : i32
    %reduce_max3A_243 = vector.broadcast %reduce_max3A_242 : i32 to vector<16xi32>
    %reduce_max3A_244 = arith.xori %max3A_240, %reduce_max3A_243 : vector<16xi32>
    %reduce_max3A_245 = tpu.scan <max>, %reduce_max3A_244 masked %reduce_max3A_241 : vector<16xi32>, vector<16xi1> -> vector<16xi32>
    %reduce_max3A_246 = arith.xori %reduce_max3A_245, %reduce_max3A_243 : vector<16xi32>
    %reduce_max3A_247 = vector.extract %reduce_max3A_246[15] : i32 from vector<16xi32>
    %gt3A = arith.constant 0 : i32
    %gt3A_248 = arith.cmpi sgt, %reduce_max3A_247, %gt3A : i32
    %shift_right_arithmetic3A_249 = arith.constant 7 : i32
    %shift_right_arithmetic3A_250 = vector.broadcast %shift_right_arithmetic3A_249 : i32 to vector<16xi32>
    %shift_right_arithmetic3A_251 = arith.shrsi %get3A_3, %shift_right_arithmetic3A_250 : vector<16xi32>
    %eq3A_252 = arith.constant 1 : i32
    %eq3A_253 = vector.broadcast %eq3A_252 : i32 to vector<16xi32>
    %eq3A_254 = arith.cmpi eq, %shift_right_arithmetic3A_251, %eq3A_253 : vector<16xi32>
    %select_n3A_255 = arith.select %eq3A_254, %broadcast_in_dim3A_52, %broadcast_in_dim3A_50 : vector<16xi1>, vector<16xi32>
    %max3A_256 = arith.maxsi %broadcast_in_dim3A_50, %select_n3A_255 : vector<16xi32>
    %shift_right_arithmetic3A_257 = arith.constant 7 : i32
    %shift_right_arithmetic3A_258 = vector.broadcast %shift_right_arithmetic3A_257 : i32 to vector<16xi32>
    %shift_right_arithmetic3A_259 = arith.shrsi %get3A_5, %shift_right_arithmetic3A_258 : vector<16xi32>
    %eq3A_260 = arith.constant 1 : i32
    %eq3A_261 = vector.broadcast %eq3A_260 : i32 to vector<16xi32>
    %eq3A_262 = arith.cmpi eq, %shift_right_arithmetic3A_259, %eq3A_261 : vector<16xi32>
    %select_n3A_263 = arith.select %eq3A_262, %broadcast_in_dim3A_52, %broadcast_in_dim3A_50 : vector<16xi1>, vector<16xi32>
    %max3A_264 = arith.maxsi %max3A_256, %select_n3A_263 : vector<16xi32>
    %shift_right_arithmetic3A_265 = arith.constant 7 : i32
    %shift_right_arithmetic3A_266 = vector.broadcast %shift_right_arithmetic3A_265 : i32 to vector<16xi32>
    %shift_right_arithmetic3A_267 = arith.shrsi %get3A_7, %shift_right_arithmetic3A_266 : vector<16xi32>
    %eq3A_268 = arith.constant 1 : i32
    %eq3A_269 = vector.broadcast %eq3A_268 : i32 to vector<16xi32>
    %eq3A_270 = arith.cmpi eq, %shift_right_arithmetic3A_267, %eq3A_269 : vector<16xi32>
    %select_n3A_271 = arith.select %eq3A_270, %broadcast_in_dim3A_52, %broadcast_in_dim3A_50 : vector<16xi1>, vector<16xi32>
    %max3A_272 = arith.maxsi %max3A_264, %select_n3A_271 : vector<16xi32>
    %shift_right_arithmetic3A_273 = arith.constant 7 : i32
    %shift_right_arithmetic3A_274 = vector.broadcast %shift_right_arithmetic3A_273 : i32 to vector<16xi32>
    %shift_right_arithmetic3A_275 = arith.shrsi %get3A_9, %shift_right_arithmetic3A_274 : vector<16xi32>
    %eq3A_276 = arith.constant 1 : i32
    %eq3A_277 = vector.broadcast %eq3A_276 : i32 to vector<16xi32>
    %eq3A_278 = arith.cmpi eq, %shift_right_arithmetic3A_275, %eq3A_277 : vector<16xi32>
    %select_n3A_279 = arith.select %eq3A_278, %broadcast_in_dim3A_52, %broadcast_in_dim3A_50 : vector<16xi1>, vector<16xi32>
    %max3A_280 = arith.maxsi %max3A_272, %select_n3A_279 : vector<16xi32>
    %shift_right_arithmetic3A_281 = arith.constant 7 : i32
    %shift_right_arithmetic3A_282 = vector.broadcast %shift_right_arithmetic3A_281 : i32 to vector<16xi32>
    %shift_right_arithmetic3A_283 = arith.shrsi %get3A_11, %shift_right_arithmetic3A_282 : vector<16xi32>
    %eq3A_284 = arith.constant 1 : i32
    %eq3A_285 = vector.broadcast %eq3A_284 : i32 to vector<16xi32>
    %eq3A_286 = arith.cmpi eq, %shift_right_arithmetic3A_283, %eq3A_285 : vector<16xi32>
    %select_n3A_287 = arith.select %eq3A_286, %broadcast_in_dim3A_52, %broadcast_in_dim3A_50 : vector<16xi1>, vector<16xi32>
    %max3A_288 = arith.maxsi %max3A_280, %select_n3A_287 : vector<16xi32>
    %shift_right_arithmetic3A_289 = arith.constant 7 : i32
    %shift_right_arithmetic3A_290 = vector.broadcast %shift_right_arithmetic3A_289 : i32 to vector<16xi32>
    %shift_right_arithmetic3A_291 = arith.shrsi %get3A_13, %shift_right_arithmetic3A_290 : vector<16xi32>
    %eq3A_292 = arith.constant 1 : i32
    %eq3A_293 = vector.broadcast %eq3A_292 : i32 to vector<16xi32>
    %eq3A_294 = arith.cmpi eq, %shift_right_arithmetic3A_291, %eq3A_293 : vector<16xi32>
    %select_n3A_295 = arith.select %eq3A_294, %broadcast_in_dim3A_52, %broadcast_in_dim3A_50 : vector<16xi1>, vector<16xi32>
    %max3A_296 = arith.maxsi %max3A_288, %select_n3A_295 : vector<16xi32>
    %shift_right_arithmetic3A_297 = arith.constant 7 : i32
    %shift_right_arithmetic3A_298 = vector.broadcast %shift_right_arithmetic3A_297 : i32 to vector<16xi32>
    %shift_right_arithmetic3A_299 = arith.shrsi %get3A_15, %shift_right_arithmetic3A_298 : vector<16xi32>
    %eq3A_300 = arith.constant 1 : i32
    %eq3A_301 = vector.broadcast %eq3A_300 : i32 to vector<16xi32>
    %eq3A_302 = arith.cmpi eq, %shift_right_arithmetic3A_299, %eq3A_301 : vector<16xi32>
    %select_n3A_303 = arith.select %eq3A_302, %broadcast_in_dim3A_52, %broadcast_in_dim3A_50 : vector<16xi1>, vector<16xi32>
    %max3A_304 = arith.maxsi %max3A_296, %select_n3A_303 : vector<16xi32>
    %shift_right_arithmetic3A_305 = arith.constant 7 : i32
    %shift_right_arithmetic3A_306 = vector.broadcast %shift_right_arithmetic3A_305 : i32 to vector<16xi32>
    %shift_right_arithmetic3A_307 = arith.shrsi %get3A_17, %shift_right_arithmetic3A_306 : vector<16xi32>
    %eq3A_308 = arith.constant 1 : i32
    %eq3A_309 = vector.broadcast %eq3A_308 : i32 to vector<16xi32>
    %eq3A_310 = arith.cmpi eq, %shift_right_arithmetic3A_307, %eq3A_309 : vector<16xi32>
    %select_n3A_311 = arith.select %eq3A_310, %broadcast_in_dim3A_52, %broadcast_in_dim3A_50 : vector<16xi1>, vector<16xi32>
    %max3A_312 = arith.maxsi %max3A_304, %select_n3A_311 : vector<16xi32>
    %shift_right_arithmetic3A_313 = arith.constant 7 : i32
    %shift_right_arithmetic3A_314 = vector.broadcast %shift_right_arithmetic3A_313 : i32 to vector<16xi32>
    %shift_right_arithmetic3A_315 = arith.shrsi %get3A_19, %shift_right_arithmetic3A_314 : vector<16xi32>
    %eq3A_316 = arith.constant 1 : i32
    %eq3A_317 = vector.broadcast %eq3A_316 : i32 to vector<16xi32>
    %eq3A_318 = arith.cmpi eq, %shift_right_arithmetic3A_315, %eq3A_317 : vector<16xi32>
    %select_n3A_319 = arith.select %eq3A_318, %broadcast_in_dim3A_52, %broadcast_in_dim3A_50 : vector<16xi1>, vector<16xi32>
    %max3A_320 = arith.maxsi %max3A_312, %select_n3A_319 : vector<16xi32>
    %shift_right_arithmetic3A_321 = arith.constant 7 : i32
    %shift_right_arithmetic3A_322 = vector.broadcast %shift_right_arithmetic3A_321 : i32 to vector<16xi32>
    %shift_right_arithmetic3A_323 = arith.shrsi %get3A_21, %shift_right_arithmetic3A_322 : vector<16xi32>
    %eq3A_324 = arith.constant 1 : i32
    %eq3A_325 = vector.broadcast %eq3A_324 : i32 to vector<16xi32>
    %eq3A_326 = arith.cmpi eq, %shift_right_arithmetic3A_323, %eq3A_325 : vector<16xi32>
    %select_n3A_327 = arith.select %eq3A_326, %broadcast_in_dim3A_52, %broadcast_in_dim3A_50 : vector<16xi1>, vector<16xi32>
    %max3A_328 = arith.maxsi %max3A_320, %select_n3A_327 : vector<16xi32>
    %shift_right_arithmetic3A_329 = arith.constant 7 : i32
    %shift_right_arithmetic3A_330 = vector.broadcast %shift_right_arithmetic3A_329 : i32 to vector<16xi32>
    %shift_right_arithmetic3A_331 = arith.shrsi %get3A_23, %shift_right_arithmetic3A_330 : vector<16xi32>
    %eq3A_332 = arith.constant 1 : i32
    %eq3A_333 = vector.broadcast %eq3A_332 : i32 to vector<16xi32>
    %eq3A_334 = arith.cmpi eq, %shift_right_arithmetic3A_331, %eq3A_333 : vector<16xi32>
    %select_n3A_335 = arith.select %eq3A_334, %broadcast_in_dim3A_52, %broadcast_in_dim3A_50 : vector<16xi1>, vector<16xi32>
    %max3A_336 = arith.maxsi %max3A_328, %select_n3A_335 : vector<16xi32>
    %shift_right_arithmetic3A_337 = arith.constant 7 : i32
    %shift_right_arithmetic3A_338 = vector.broadcast %shift_right_arithmetic3A_337 : i32 to vector<16xi32>
    %shift_right_arithmetic3A_339 = arith.shrsi %get3A_25, %shift_right_arithmetic3A_338 : vector<16xi32>
    %eq3A_340 = arith.constant 1 : i32
    %eq3A_341 = vector.broadcast %eq3A_340 : i32 to vector<16xi32>
    %eq3A_342 = arith.cmpi eq, %shift_right_arithmetic3A_339, %eq3A_341 : vector<16xi32>
    %select_n3A_343 = arith.select %eq3A_342, %broadcast_in_dim3A_52, %broadcast_in_dim3A_50 : vector<16xi1>, vector<16xi32>
    %max3A_344 = arith.maxsi %max3A_336, %select_n3A_343 : vector<16xi32>
    %shift_right_arithmetic3A_345 = arith.constant 7 : i32
    %shift_right_arithmetic3A_346 = vector.broadcast %shift_right_arithmetic3A_345 : i32 to vector<16xi32>
    %shift_right_arithmetic3A_347 = arith.shrsi %get3A_27, %shift_right_arithmetic3A_346 : vector<16xi32>
    %eq3A_348 = arith.constant 1 : i32
    %eq3A_349 = vector.broadcast %eq3A_348 : i32 to vector<16xi32>
    %eq3A_350 = arith.cmpi eq, %shift_right_arithmetic3A_347, %eq3A_349 : vector<16xi32>
    %select_n3A_351 = arith.select %eq3A_350, %broadcast_in_dim3A_52, %broadcast_in_dim3A_50 : vector<16xi1>, vector<16xi32>
    %max3A_352 = arith.maxsi %max3A_344, %select_n3A_351 : vector<16xi32>
    %shift_right_arithmetic3A_353 = arith.constant 7 : i32
    %shift_right_arithmetic3A_354 = vector.broadcast %shift_right_arithmetic3A_353 : i32 to vector<16xi32>
    %shift_right_arithmetic3A_355 = arith.shrsi %get3A_29, %shift_right_arithmetic3A_354 : vector<16xi32>
    %eq3A_356 = arith.constant 1 : i32
    %eq3A_357 = vector.broadcast %eq3A_356 : i32 to vector<16xi32>
    %eq3A_358 = arith.cmpi eq, %shift_right_arithmetic3A_355, %eq3A_357 : vector<16xi32>
    %select_n3A_359 = arith.select %eq3A_358, %broadcast_in_dim3A_52, %broadcast_in_dim3A_50 : vector<16xi1>, vector<16xi32>
    %max3A_360 = arith.maxsi %max3A_352, %select_n3A_359 : vector<16xi32>
    %shift_right_arithmetic3A_361 = arith.constant 7 : i32
    %shift_right_arithmetic3A_362 = vector.broadcast %shift_right_arithmetic3A_361 : i32 to vector<16xi32>
    %shift_right_arithmetic3A_363 = arith.shrsi %get3A_31, %shift_right_arithmetic3A_362 : vector<16xi32>
    %eq3A_364 = arith.constant 1 : i32
    %eq3A_365 = vector.broadcast %eq3A_364 : i32 to vector<16xi32>
    %eq3A_366 = arith.cmpi eq, %shift_right_arithmetic3A_363, %eq3A_365 : vector<16xi32>
    %select_n3A_367 = arith.select %eq3A_366, %broadcast_in_dim3A_52, %broadcast_in_dim3A_50 : vector<16xi1>, vector<16xi32>
    %max3A_368 = arith.maxsi %max3A_360, %select_n3A_367 : vector<16xi32>
    %shift_right_arithmetic3A_369 = arith.constant 7 : i32
    %shift_right_arithmetic3A_370 = vector.broadcast %shift_right_arithmetic3A_369 : i32 to vector<16xi32>
    %shift_right_arithmetic3A_371 = arith.shrsi %get3A_33, %shift_right_arithmetic3A_370 : vector<16xi32>
    %eq3A_372 = arith.constant 1 : i32
    %eq3A_373 = vector.broadcast %eq3A_372 : i32 to vector<16xi32>
    %eq3A_374 = arith.cmpi eq, %shift_right_arithmetic3A_371, %eq3A_373 : vector<16xi32>
    %select_n3A_375 = arith.select %eq3A_374, %broadcast_in_dim3A_52, %broadcast_in_dim3A_50 : vector<16xi1>, vector<16xi32>
    %max3A_376 = arith.maxsi %max3A_368, %select_n3A_375 : vector<16xi32>
    %shift_right_arithmetic3A_377 = arith.constant 7 : i32
    %shift_right_arithmetic3A_378 = vector.broadcast %shift_right_arithmetic3A_377 : i32 to vector<16xi32>
    %shift_right_arithmetic3A_379 = arith.shrsi %get3A_35, %shift_right_arithmetic3A_378 : vector<16xi32>
    %eq3A_380 = arith.constant 1 : i32
    %eq3A_381 = vector.broadcast %eq3A_380 : i32 to vector<16xi32>
    %eq3A_382 = arith.cmpi eq, %shift_right_arithmetic3A_379, %eq3A_381 : vector<16xi32>
    %select_n3A_383 = arith.select %eq3A_382, %broadcast_in_dim3A_52, %broadcast_in_dim3A_50 : vector<16xi1>, vector<16xi32>
    %max3A_384 = arith.maxsi %max3A_376, %select_n3A_383 : vector<16xi32>
    %shift_right_arithmetic3A_385 = arith.constant 7 : i32
    %shift_right_arithmetic3A_386 = vector.broadcast %shift_right_arithmetic3A_385 : i32 to vector<16xi32>
    %shift_right_arithmetic3A_387 = arith.shrsi %get3A_37, %shift_right_arithmetic3A_386 : vector<16xi32>
    %eq3A_388 = arith.constant 1 : i32
    %eq3A_389 = vector.broadcast %eq3A_388 : i32 to vector<16xi32>
    %eq3A_390 = arith.cmpi eq, %shift_right_arithmetic3A_387, %eq3A_389 : vector<16xi32>
    %select_n3A_391 = arith.select %eq3A_390, %broadcast_in_dim3A_52, %broadcast_in_dim3A_50 : vector<16xi1>, vector<16xi32>
    %max3A_392 = arith.maxsi %max3A_384, %select_n3A_391 : vector<16xi32>
    %shift_right_arithmetic3A_393 = arith.constant 7 : i32
    %shift_right_arithmetic3A_394 = vector.broadcast %shift_right_arithmetic3A_393 : i32 to vector<16xi32>
    %shift_right_arithmetic3A_395 = arith.shrsi %get3A_39, %shift_right_arithmetic3A_394 : vector<16xi32>
    %eq3A_396 = arith.constant 1 : i32
    %eq3A_397 = vector.broadcast %eq3A_396 : i32 to vector<16xi32>
    %eq3A_398 = arith.cmpi eq, %shift_right_arithmetic3A_395, %eq3A_397 : vector<16xi32>
    %select_n3A_399 = arith.select %eq3A_398, %broadcast_in_dim3A_52, %broadcast_in_dim3A_50 : vector<16xi1>, vector<16xi32>
    %max3A_400 = arith.maxsi %max3A_392, %select_n3A_399 : vector<16xi32>
    %shift_right_arithmetic3A_401 = arith.constant 7 : i32
    %shift_right_arithmetic3A_402 = vector.broadcast %shift_right_arithmetic3A_401 : i32 to vector<16xi32>
    %shift_right_arithmetic3A_403 = arith.shrsi %get3A_41, %shift_right_arithmetic3A_402 : vector<16xi32>
    %eq3A_404 = arith.constant 1 : i32
    %eq3A_405 = vector.broadcast %eq3A_404 : i32 to vector<16xi32>
    %eq3A_406 = arith.cmpi eq, %shift_right_arithmetic3A_403, %eq3A_405 : vector<16xi32>
    %select_n3A_407 = arith.select %eq3A_406, %broadcast_in_dim3A_52, %broadcast_in_dim3A_50 : vector<16xi1>, vector<16xi32>
    %max3A_408 = arith.maxsi %max3A_400, %select_n3A_407 : vector<16xi32>
    %shift_right_arithmetic3A_409 = arith.constant 7 : i32
    %shift_right_arithmetic3A_410 = vector.broadcast %shift_right_arithmetic3A_409 : i32 to vector<16xi32>
    %shift_right_arithmetic3A_411 = arith.shrsi %get3A_43, %shift_right_arithmetic3A_410 : vector<16xi32>
    %eq3A_412 = arith.constant 1 : i32
    %eq3A_413 = vector.broadcast %eq3A_412 : i32 to vector<16xi32>
    %eq3A_414 = arith.cmpi eq, %shift_right_arithmetic3A_411, %eq3A_413 : vector<16xi32>
    %select_n3A_415 = arith.select %eq3A_414, %broadcast_in_dim3A_52, %broadcast_in_dim3A_50 : vector<16xi1>, vector<16xi32>
    %max3A_416 = arith.maxsi %max3A_408, %select_n3A_415 : vector<16xi32>
    %shift_right_arithmetic3A_417 = arith.constant 7 : i32
    %shift_right_arithmetic3A_418 = vector.broadcast %shift_right_arithmetic3A_417 : i32 to vector<16xi32>
    %shift_right_arithmetic3A_419 = arith.shrsi %get3A_45, %shift_right_arithmetic3A_418 : vector<16xi32>
    %eq3A_420 = arith.constant 1 : i32
    %eq3A_421 = vector.broadcast %eq3A_420 : i32 to vector<16xi32>
    %eq3A_422 = arith.cmpi eq, %shift_right_arithmetic3A_419, %eq3A_421 : vector<16xi32>
    %select_n3A_423 = arith.select %eq3A_422, %broadcast_in_dim3A_52, %broadcast_in_dim3A_50 : vector<16xi1>, vector<16xi32>
    %max3A_424 = arith.maxsi %max3A_416, %select_n3A_423 : vector<16xi32>
    %shift_right_arithmetic3A_425 = arith.constant 7 : i32
    %shift_right_arithmetic3A_426 = vector.broadcast %shift_right_arithmetic3A_425 : i32 to vector<16xi32>
    %shift_right_arithmetic3A_427 = arith.shrsi %get3A_47, %shift_right_arithmetic3A_426 : vector<16xi32>
    %eq3A_428 = arith.constant 1 : i32
    %eq3A_429 = vector.broadcast %eq3A_428 : i32 to vector<16xi32>
    %eq3A_430 = arith.cmpi eq, %shift_right_arithmetic3A_427, %eq3A_429 : vector<16xi32>
    %select_n3A_431 = arith.select %eq3A_430, %broadcast_in_dim3A_52, %broadcast_in_dim3A_50 : vector<16xi1>, vector<16xi32>
    %max3A_432 = arith.maxsi %max3A_424, %select_n3A_431 : vector<16xi32>
    %shift_right_arithmetic3A_433 = arith.constant 7 : i32
    %shift_right_arithmetic3A_434 = vector.broadcast %shift_right_arithmetic3A_433 : i32 to vector<16xi32>
    %shift_right_arithmetic3A_435 = arith.shrsi %get3A_49, %shift_right_arithmetic3A_434 : vector<16xi32>
    %eq3A_436 = arith.constant 1 : i32
    %eq3A_437 = vector.broadcast %eq3A_436 : i32 to vector<16xi32>
    %eq3A_438 = arith.cmpi eq, %shift_right_arithmetic3A_435, %eq3A_437 : vector<16xi32>
    %select_n3A_439 = arith.select %eq3A_438, %broadcast_in_dim3A_52, %broadcast_in_dim3A_50 : vector<16xi1>, vector<16xi32>
    %max3A_440 = arith.maxsi %max3A_432, %select_n3A_439 : vector<16xi32>
    %reduce_max3A_441 = arith.constant true
    %reduce_max3A_442 = vector.broadcast %reduce_max3A_441 : i1 to vector<16xi1>
    %reduce_max3A_443 = arith.constant -2147483648 : i32
    %reduce_max3A_444 = vector.broadcast %reduce_max3A_443 : i32 to vector<16xi32>
    %reduce_max3A_445 = arith.xori %max3A_440, %reduce_max3A_444 : vector<16xi32>
    %reduce_max3A_446 = tpu.scan <max>, %reduce_max3A_445 masked %reduce_max3A_442 : vector<16xi32>, vector<16xi1> -> vector<16xi32>
    %reduce_max3A_447 = arith.xori %reduce_max3A_446, %reduce_max3A_444 : vector<16xi32>
    %reduce_max3A_448 = vector.extract %reduce_max3A_447[15] : i32 from vector<16xi32>
    %gt3A_449 = arith.constant 0 : i32
    %gt3A_450 = arith.cmpi sgt, %reduce_max3A_448, %gt3A_449 : i32
    %shift_right_arithmetic3A_451 = arith.constant 7 : i32
    %shift_right_arithmetic3A_452 = vector.broadcast %shift_right_arithmetic3A_451 : i32 to vector<16xi32>
    %shift_right_arithmetic3A_453 = arith.shrsi %get3A_3, %shift_right_arithmetic3A_452 : vector<16xi32>
    %eq3A_454 = arith.constant 2 : i32
    %eq3A_455 = vector.broadcast %eq3A_454 : i32 to vector<16xi32>
    %eq3A_456 = arith.cmpi eq, %shift_right_arithmetic3A_453, %eq3A_455 : vector<16xi32>
    %select_n3A_457 = arith.select %eq3A_456, %broadcast_in_dim3A_52, %broadcast_in_dim3A_50 : vector<16xi1>, vector<16xi32>
    %max3A_458 = arith.maxsi %broadcast_in_dim3A_50, %select_n3A_457 : vector<16xi32>
    %shift_right_arithmetic3A_459 = arith.constant 7 : i32
    %shift_right_arithmetic3A_460 = vector.broadcast %shift_right_arithmetic3A_459 : i32 to vector<16xi32>
    %shift_right_arithmetic3A_461 = arith.shrsi %get3A_5, %shift_right_arithmetic3A_460 : vector<16xi32>
    %eq3A_462 = arith.constant 2 : i32
    %eq3A_463 = vector.broadcast %eq3A_462 : i32 to vector<16xi32>
    %eq3A_464 = arith.cmpi eq, %shift_right_arithmetic3A_461, %eq3A_463 : vector<16xi32>
    %select_n3A_465 = arith.select %eq3A_464, %broadcast_in_dim3A_52, %broadcast_in_dim3A_50 : vector<16xi1>, vector<16xi32>
    %max3A_466 = arith.maxsi %max3A_458, %select_n3A_465 : vector<16xi32>
    %shift_right_arithmetic3A_467 = arith.constant 7 : i32
    %shift_right_arithmetic3A_468 = vector.broadcast %shift_right_arithmetic3A_467 : i32 to vector<16xi32>
    %shift_right_arithmetic3A_469 = arith.shrsi %get3A_7, %shift_right_arithmetic3A_468 : vector<16xi32>
    %eq3A_470 = arith.constant 2 : i32
    %eq3A_471 = vector.broadcast %eq3A_470 : i32 to vector<16xi32>
    %eq3A_472 = arith.cmpi eq, %shift_right_arithmetic3A_469, %eq3A_471 : vector<16xi32>
    %select_n3A_473 = arith.select %eq3A_472, %broadcast_in_dim3A_52, %broadcast_in_dim3A_50 : vector<16xi1>, vector<16xi32>
    %max3A_474 = arith.maxsi %max3A_466, %select_n3A_473 : vector<16xi32>
    %shift_right_arithmetic3A_475 = arith.constant 7 : i32
    %shift_right_arithmetic3A_476 = vector.broadcast %shift_right_arithmetic3A_475 : i32 to vector<16xi32>
    %shift_right_arithmetic3A_477 = arith.shrsi %get3A_9, %shift_right_arithmetic3A_476 : vector<16xi32>
    %eq3A_478 = arith.constant 2 : i32
    %eq3A_479 = vector.broadcast %eq3A_478 : i32 to vector<16xi32>
    %eq3A_480 = arith.cmpi eq, %shift_right_arithmetic3A_477, %eq3A_479 : vector<16xi32>
    %select_n3A_481 = arith.select %eq3A_480, %broadcast_in_dim3A_52, %broadcast_in_dim3A_50 : vector<16xi1>, vector<16xi32>
    %max3A_482 = arith.maxsi %max3A_474, %select_n3A_481 : vector<16xi32>
    %shift_right_arithmetic3A_483 = arith.constant 7 : i32
    %shift_right_arithmetic3A_484 = vector.broadcast %shift_right_arithmetic3A_483 : i32 to vector<16xi32>
    %shift_right_arithmetic3A_485 = arith.shrsi %get3A_11, %shift_right_arithmetic3A_484 : vector<16xi32>
    %eq3A_486 = arith.constant 2 : i32
    %eq3A_487 = vector.broadcast %eq3A_486 : i32 to vector<16xi32>
    %eq3A_488 = arith.cmpi eq, %shift_right_arithmetic3A_485, %eq3A_487 : vector<16xi32>
    %select_n3A_489 = arith.select %eq3A_488, %broadcast_in_dim3A_52, %broadcast_in_dim3A_50 : vector<16xi1>, vector<16xi32>
    %max3A_490 = arith.maxsi %max3A_482, %select_n3A_489 : vector<16xi32>
    %shift_right_arithmetic3A_491 = arith.constant 7 : i32
    %shift_right_arithmetic3A_492 = vector.broadcast %shift_right_arithmetic3A_491 : i32 to vector<16xi32>
    %shift_right_arithmetic3A_493 = arith.shrsi %get3A_13, %shift_right_arithmetic3A_492 : vector<16xi32>
    %eq3A_494 = arith.constant 2 : i32
    %eq3A_495 = vector.broadcast %eq3A_494 : i32 to vector<16xi32>
    %eq3A_496 = arith.cmpi eq, %shift_right_arithmetic3A_493, %eq3A_495 : vector<16xi32>
    %select_n3A_497 = arith.select %eq3A_496, %broadcast_in_dim3A_52, %broadcast_in_dim3A_50 : vector<16xi1>, vector<16xi32>
    %max3A_498 = arith.maxsi %max3A_490, %select_n3A_497 : vector<16xi32>
    %shift_right_arithmetic3A_499 = arith.constant 7 : i32
    %shift_right_arithmetic3A_500 = vector.broadcast %shift_right_arithmetic3A_499 : i32 to vector<16xi32>
    %shift_right_arithmetic3A_501 = arith.shrsi %get3A_15, %shift_right_arithmetic3A_500 : vector<16xi32>
    %eq3A_502 = arith.constant 2 : i32
    %eq3A_503 = vector.broadcast %eq3A_502 : i32 to vector<16xi32>
    %eq3A_504 = arith.cmpi eq, %shift_right_arithmetic3A_501, %eq3A_503 : vector<16xi32>
    %select_n3A_505 = arith.select %eq3A_504, %broadcast_in_dim3A_52, %broadcast_in_dim3A_50 : vector<16xi1>, vector<16xi32>
    %max3A_506 = arith.maxsi %max3A_498, %select_n3A_505 : vector<16xi32>
    %shift_right_arithmetic3A_507 = arith.constant 7 : i32
    %shift_right_arithmetic3A_508 = vector.broadcast %shift_right_arithmetic3A_507 : i32 to vector<16xi32>
    %shift_right_arithmetic3A_509 = arith.shrsi %get3A_17, %shift_right_arithmetic3A_508 : vector<16xi32>
    %eq3A_510 = arith.constant 2 : i32
    %eq3A_511 = vector.broadcast %eq3A_510 : i32 to vector<16xi32>
    %eq3A_512 = arith.cmpi eq, %shift_right_arithmetic3A_509, %eq3A_511 : vector<16xi32>
    %select_n3A_513 = arith.select %eq3A_512, %broadcast_in_dim3A_52, %broadcast_in_dim3A_50 : vector<16xi1>, vector<16xi32>
    %max3A_514 = arith.maxsi %max3A_506, %select_n3A_513 : vector<16xi32>
    %shift_right_arithmetic3A_515 = arith.constant 7 : i32
    %shift_right_arithmetic3A_516 = vector.broadcast %shift_right_arithmetic3A_515 : i32 to vector<16xi32>
    %shift_right_arithmetic3A_517 = arith.shrsi %get3A_19, %shift_right_arithmetic3A_516 : vector<16xi32>
    %eq3A_518 = arith.constant 2 : i32
    %eq3A_519 = vector.broadcast %eq3A_518 : i32 to vector<16xi32>
    %eq3A_520 = arith.cmpi eq, %shift_right_arithmetic3A_517, %eq3A_519 : vector<16xi32>
    %select_n3A_521 = arith.select %eq3A_520, %broadcast_in_dim3A_52, %broadcast_in_dim3A_50 : vector<16xi1>, vector<16xi32>
    %max3A_522 = arith.maxsi %max3A_514, %select_n3A_521 : vector<16xi32>
    %shift_right_arithmetic3A_523 = arith.constant 7 : i32
    %shift_right_arithmetic3A_524 = vector.broadcast %shift_right_arithmetic3A_523 : i32 to vector<16xi32>
    %shift_right_arithmetic3A_525 = arith.shrsi %get3A_21, %shift_right_arithmetic3A_524 : vector<16xi32>
    %eq3A_526 = arith.constant 2 : i32
    %eq3A_527 = vector.broadcast %eq3A_526 : i32 to vector<16xi32>
    %eq3A_528 = arith.cmpi eq, %shift_right_arithmetic3A_525, %eq3A_527 : vector<16xi32>
    %select_n3A_529 = arith.select %eq3A_528, %broadcast_in_dim3A_52, %broadcast_in_dim3A_50 : vector<16xi1>, vector<16xi32>
    %max3A_530 = arith.maxsi %max3A_522, %select_n3A_529 : vector<16xi32>
    %shift_right_arithmetic3A_531 = arith.constant 7 : i32
    %shift_right_arithmetic3A_532 = vector.broadcast %shift_right_arithmetic3A_531 : i32 to vector<16xi32>
    %shift_right_arithmetic3A_533 = arith.shrsi %get3A_23, %shift_right_arithmetic3A_532 : vector<16xi32>
    %eq3A_534 = arith.constant 2 : i32
    %eq3A_535 = vector.broadcast %eq3A_534 : i32 to vector<16xi32>
    %eq3A_536 = arith.cmpi eq, %shift_right_arithmetic3A_533, %eq3A_535 : vector<16xi32>
    %select_n3A_537 = arith.select %eq3A_536, %broadcast_in_dim3A_52, %broadcast_in_dim3A_50 : vector<16xi1>, vector<16xi32>
    %max3A_538 = arith.maxsi %max3A_530, %select_n3A_537 : vector<16xi32>
    %shift_right_arithmetic3A_539 = arith.constant 7 : i32
    %shift_right_arithmetic3A_540 = vector.broadcast %shift_right_arithmetic3A_539 : i32 to vector<16xi32>
    %shift_right_arithmetic3A_541 = arith.shrsi %get3A_25, %shift_right_arithmetic3A_540 : vector<16xi32>
    %eq3A_542 = arith.constant 2 : i32
    %eq3A_543 = vector.broadcast %eq3A_542 : i32 to vector<16xi32>
    %eq3A_544 = arith.cmpi eq, %shift_right_arithmetic3A_541, %eq3A_543 : vector<16xi32>
    %select_n3A_545 = arith.select %eq3A_544, %broadcast_in_dim3A_52, %broadcast_in_dim3A_50 : vector<16xi1>, vector<16xi32>
    %max3A_546 = arith.maxsi %max3A_538, %select_n3A_545 : vector<16xi32>
    %shift_right_arithmetic3A_547 = arith.constant 7 : i32
    %shift_right_arithmetic3A_548 = vector.broadcast %shift_right_arithmetic3A_547 : i32 to vector<16xi32>
    %shift_right_arithmetic3A_549 = arith.shrsi %get3A_27, %shift_right_arithmetic3A_548 : vector<16xi32>
    %eq3A_550 = arith.constant 2 : i32
    %eq3A_551 = vector.broadcast %eq3A_550 : i32 to vector<16xi32>
    %eq3A_552 = arith.cmpi eq, %shift_right_arithmetic3A_549, %eq3A_551 : vector<16xi32>
    %select_n3A_553 = arith.select %eq3A_552, %broadcast_in_dim3A_52, %broadcast_in_dim3A_50 : vector<16xi1>, vector<16xi32>
    %max3A_554 = arith.maxsi %max3A_546, %select_n3A_553 : vector<16xi32>
    %shift_right_arithmetic3A_555 = arith.constant 7 : i32
    %shift_right_arithmetic3A_556 = vector.broadcast %shift_right_arithmetic3A_555 : i32 to vector<16xi32>
    %shift_right_arithmetic3A_557 = arith.shrsi %get3A_29, %shift_right_arithmetic3A_556 : vector<16xi32>
    %eq3A_558 = arith.constant 2 : i32
    %eq3A_559 = vector.broadcast %eq3A_558 : i32 to vector<16xi32>
    %eq3A_560 = arith.cmpi eq, %shift_right_arithmetic3A_557, %eq3A_559 : vector<16xi32>
    %select_n3A_561 = arith.select %eq3A_560, %broadcast_in_dim3A_52, %broadcast_in_dim3A_50 : vector<16xi1>, vector<16xi32>
    %max3A_562 = arith.maxsi %max3A_554, %select_n3A_561 : vector<16xi32>
    %shift_right_arithmetic3A_563 = arith.constant 7 : i32
    %shift_right_arithmetic3A_564 = vector.broadcast %shift_right_arithmetic3A_563 : i32 to vector<16xi32>
    %shift_right_arithmetic3A_565 = arith.shrsi %get3A_31, %shift_right_arithmetic3A_564 : vector<16xi32>
    %eq3A_566 = arith.constant 2 : i32
    %eq3A_567 = vector.broadcast %eq3A_566 : i32 to vector<16xi32>
    %eq3A_568 = arith.cmpi eq, %shift_right_arithmetic3A_565, %eq3A_567 : vector<16xi32>
    %select_n3A_569 = arith.select %eq3A_568, %broadcast_in_dim3A_52, %broadcast_in_dim3A_50 : vector<16xi1>, vector<16xi32>
    %max3A_570 = arith.maxsi %max3A_562, %select_n3A_569 : vector<16xi32>
    %shift_right_arithmetic3A_571 = arith.constant 7 : i32
    %shift_right_arithmetic3A_572 = vector.broadcast %shift_right_arithmetic3A_571 : i32 to vector<16xi32>
    %shift_right_arithmetic3A_573 = arith.shrsi %get3A_33, %shift_right_arithmetic3A_572 : vector<16xi32>
    %eq3A_574 = arith.constant 2 : i32
    %eq3A_575 = vector.broadcast %eq3A_574 : i32 to vector<16xi32>
    %eq3A_576 = arith.cmpi eq, %shift_right_arithmetic3A_573, %eq3A_575 : vector<16xi32>
    %select_n3A_577 = arith.select %eq3A_576, %broadcast_in_dim3A_52, %broadcast_in_dim3A_50 : vector<16xi1>, vector<16xi32>
    %max3A_578 = arith.maxsi %max3A_570, %select_n3A_577 : vector<16xi32>
    %shift_right_arithmetic3A_579 = arith.constant 7 : i32
    %shift_right_arithmetic3A_580 = vector.broadcast %shift_right_arithmetic3A_579 : i32 to vector<16xi32>
    %shift_right_arithmetic3A_581 = arith.shrsi %get3A_35, %shift_right_arithmetic3A_580 : vector<16xi32>
    %eq3A_582 = arith.constant 2 : i32
    %eq3A_583 = vector.broadcast %eq3A_582 : i32 to vector<16xi32>
    %eq3A_584 = arith.cmpi eq, %shift_right_arithmetic3A_581, %eq3A_583 : vector<16xi32>
    %select_n3A_585 = arith.select %eq3A_584, %broadcast_in_dim3A_52, %broadcast_in_dim3A_50 : vector<16xi1>, vector<16xi32>
    %max3A_586 = arith.maxsi %max3A_578, %select_n3A_585 : vector<16xi32>
    %shift_right_arithmetic3A_587 = arith.constant 7 : i32
    %shift_right_arithmetic3A_588 = vector.broadcast %shift_right_arithmetic3A_587 : i32 to vector<16xi32>
    %shift_right_arithmetic3A_589 = arith.shrsi %get3A_37, %shift_right_arithmetic3A_588 : vector<16xi32>
    %eq3A_590 = arith.constant 2 : i32
    %eq3A_591 = vector.broadcast %eq3A_590 : i32 to vector<16xi32>
    %eq3A_592 = arith.cmpi eq, %shift_right_arithmetic3A_589, %eq3A_591 : vector<16xi32>
    %select_n3A_593 = arith.select %eq3A_592, %broadcast_in_dim3A_52, %broadcast_in_dim3A_50 : vector<16xi1>, vector<16xi32>
    %max3A_594 = arith.maxsi %max3A_586, %select_n3A_593 : vector<16xi32>
    %shift_right_arithmetic3A_595 = arith.constant 7 : i32
    %shift_right_arithmetic3A_596 = vector.broadcast %shift_right_arithmetic3A_595 : i32 to vector<16xi32>
    %shift_right_arithmetic3A_597 = arith.shrsi %get3A_39, %shift_right_arithmetic3A_596 : vector<16xi32>
    %eq3A_598 = arith.constant 2 : i32
    %eq3A_599 = vector.broadcast %eq3A_598 : i32 to vector<16xi32>
    %eq3A_600 = arith.cmpi eq, %shift_right_arithmetic3A_597, %eq3A_599 : vector<16xi32>
    %select_n3A_601 = arith.select %eq3A_600, %broadcast_in_dim3A_52, %broadcast_in_dim3A_50 : vector<16xi1>, vector<16xi32>
    %max3A_602 = arith.maxsi %max3A_594, %select_n3A_601 : vector<16xi32>
    %shift_right_arithmetic3A_603 = arith.constant 7 : i32
    %shift_right_arithmetic3A_604 = vector.broadcast %shift_right_arithmetic3A_603 : i32 to vector<16xi32>
    %shift_right_arithmetic3A_605 = arith.shrsi %get3A_41, %shift_right_arithmetic3A_604 : vector<16xi32>
    %eq3A_606 = arith.constant 2 : i32
    %eq3A_607 = vector.broadcast %eq3A_606 : i32 to vector<16xi32>
    %eq3A_608 = arith.cmpi eq, %shift_right_arithmetic3A_605, %eq3A_607 : vector<16xi32>
    %select_n3A_609 = arith.select %eq3A_608, %broadcast_in_dim3A_52, %broadcast_in_dim3A_50 : vector<16xi1>, vector<16xi32>
    %max3A_610 = arith.maxsi %max3A_602, %select_n3A_609 : vector<16xi32>
    %shift_right_arithmetic3A_611 = arith.constant 7 : i32
    %shift_right_arithmetic3A_612 = vector.broadcast %shift_right_arithmetic3A_611 : i32 to vector<16xi32>
    %shift_right_arithmetic3A_613 = arith.shrsi %get3A_43, %shift_right_arithmetic3A_612 : vector<16xi32>
    %eq3A_614 = arith.constant 2 : i32
    %eq3A_615 = vector.broadcast %eq3A_614 : i32 to vector<16xi32>
    %eq3A_616 = arith.cmpi eq, %shift_right_arithmetic3A_613, %eq3A_615 : vector<16xi32>
    %select_n3A_617 = arith.select %eq3A_616, %broadcast_in_dim3A_52, %broadcast_in_dim3A_50 : vector<16xi1>, vector<16xi32>
    %max3A_618 = arith.maxsi %max3A_610, %select_n3A_617 : vector<16xi32>
    %shift_right_arithmetic3A_619 = arith.constant 7 : i32
    %shift_right_arithmetic3A_620 = vector.broadcast %shift_right_arithmetic3A_619 : i32 to vector<16xi32>
    %shift_right_arithmetic3A_621 = arith.shrsi %get3A_45, %shift_right_arithmetic3A_620 : vector<16xi32>
    %eq3A_622 = arith.constant 2 : i32
    %eq3A_623 = vector.broadcast %eq3A_622 : i32 to vector<16xi32>
    %eq3A_624 = arith.cmpi eq, %shift_right_arithmetic3A_621, %eq3A_623 : vector<16xi32>
    %select_n3A_625 = arith.select %eq3A_624, %broadcast_in_dim3A_52, %broadcast_in_dim3A_50 : vector<16xi1>, vector<16xi32>
    %max3A_626 = arith.maxsi %max3A_618, %select_n3A_625 : vector<16xi32>
    %shift_right_arithmetic3A_627 = arith.constant 7 : i32
    %shift_right_arithmetic3A_628 = vector.broadcast %shift_right_arithmetic3A_627 : i32 to vector<16xi32>
    %shift_right_arithmetic3A_629 = arith.shrsi %get3A_47, %shift_right_arithmetic3A_628 : vector<16xi32>
    %eq3A_630 = arith.constant 2 : i32
    %eq3A_631 = vector.broadcast %eq3A_630 : i32 to vector<16xi32>
    %eq3A_632 = arith.cmpi eq, %shift_right_arithmetic3A_629, %eq3A_631 : vector<16xi32>
    %select_n3A_633 = arith.select %eq3A_632, %broadcast_in_dim3A_52, %broadcast_in_dim3A_50 : vector<16xi1>, vector<16xi32>
    %max3A_634 = arith.maxsi %max3A_626, %select_n3A_633 : vector<16xi32>
    %shift_right_arithmetic3A_635 = arith.constant 7 : i32
    %shift_right_arithmetic3A_636 = vector.broadcast %shift_right_arithmetic3A_635 : i32 to vector<16xi32>
    %shift_right_arithmetic3A_637 = arith.shrsi %get3A_49, %shift_right_arithmetic3A_636 : vector<16xi32>
    %eq3A_638 = arith.constant 2 : i32
    %eq3A_639 = vector.broadcast %eq3A_638 : i32 to vector<16xi32>
    %eq3A_640 = arith.cmpi eq, %shift_right_arithmetic3A_637, %eq3A_639 : vector<16xi32>
    %select_n3A_641 = arith.select %eq3A_640, %broadcast_in_dim3A_52, %broadcast_in_dim3A_50 : vector<16xi1>, vector<16xi32>
    %max3A_642 = arith.maxsi %max3A_634, %select_n3A_641 : vector<16xi32>
    %reduce_max3A_643 = arith.constant true
    %reduce_max3A_644 = vector.broadcast %reduce_max3A_643 : i1 to vector<16xi1>
    %reduce_max3A_645 = arith.constant -2147483648 : i32
    %reduce_max3A_646 = vector.broadcast %reduce_max3A_645 : i32 to vector<16xi32>
    %reduce_max3A_647 = arith.xori %max3A_642, %reduce_max3A_646 : vector<16xi32>
    %reduce_max3A_648 = tpu.scan <max>, %reduce_max3A_647 masked %reduce_max3A_644 : vector<16xi32>, vector<16xi1> -> vector<16xi32>
    %reduce_max3A_649 = arith.xori %reduce_max3A_648, %reduce_max3A_646 : vector<16xi32>
    %reduce_max3A_650 = vector.extract %reduce_max3A_649[15] : i32 from vector<16xi32>
    %gt3A_651 = arith.constant 0 : i32
    %gt3A_652 = arith.cmpi sgt, %reduce_max3A_650, %gt3A_651 : i32
    %convert_element_type3A = arith.extui %gt3A_248 : i1 to i32
    %cond3A = arith.constant 0 : i32
    %cond3A_653 = arith.cmpi ne, %convert_element_type3A, %cond3A : i32
    scf.if %cond3A_653 {
      %add3A_684 = arith.constant 0 : i32
      %add3A_685 = arith.addi %mul3A_2, %add3A_684 : i32
      %dma_start3A = arith.constant 0 : i32
      %dma_start3A_686 = arith.constant 0 : i32
      %dma_start3A_687 = tpu.memref_slice %arg6[%dma_start3A, %dma_start3A_686] : memref<56x384xf32, #tpu.memory_space<vmem>> -> memref<56x128xf32, #tpu.memory_space<vmem>>
      %dma_start3A_688 = arith.constant 0 : i32
      %dma_start3A_689 = tpu.memref_slice %arg2[%add3A_685, %dma_start3A_688] : memref<50176x384xf32, #tpu.memory_space<hbm>> -> memref<56x128xf32, #tpu.memory_space<hbm>>
      %dma_start3A_690 = arith.constant 0 : i32
      %dma_start3A_691 = arith.constant 0 : i32
      %dma_start3A_692 = tpu.memref_slice %arg6[%dma_start3A_690, %dma_start3A_691] : memref<56x384xf32, #tpu.memory_space<vmem>> -> memref<56x128xf32, #tpu.memory_space<vmem>>
      %dma_start3A_693 = arith.constant 0 : i32
      %dma_start3A_694 = tpu.memref_slice %arg2[%add3A_685, %dma_start3A_693] : memref<50176x384xf32, #tpu.memory_space<hbm>> -> memref<56x128xf32, #tpu.memory_space<hbm>>
      tpu.enqueue_dma source(%dma_start3A_694 : memref<56x128xf32, #tpu.memory_space<hbm>>) target(%dma_start3A_692 : memref<56x128xf32, #tpu.memory_space<vmem>>) target_semaphore(%arg10 : memref<!tpu.dma_semaphore, #tpu.memory_space<semaphore_mem>>)
    } else {
    }
    %convert_element_type3A_654 = arith.extui %gt3A_450 : i1 to i32
    %cond3A_655 = arith.constant 0 : i32
    %cond3A_656 = arith.cmpi ne, %convert_element_type3A_654, %cond3A_655 : i32
    scf.if %cond3A_656 {
      %add3A_684 = arith.constant 0 : i32
      %add3A_685 = arith.addi %mul3A_2, %add3A_684 : i32
      %dma_start3A = arith.constant 0 : i32
      %dma_start3A_686 = arith.constant 128 : i32
      %dma_start3A_687 = tpu.memref_slice %arg6[%dma_start3A, %dma_start3A_686] : memref<56x384xf32, #tpu.memory_space<vmem>> -> memref<56x128xf32, #tpu.memory_space<vmem>>
      %dma_start3A_688 = arith.constant 128 : i32
      %dma_start3A_689 = tpu.memref_slice %arg2[%add3A_685, %dma_start3A_688] : memref<50176x384xf32, #tpu.memory_space<hbm>> -> memref<56x128xf32, #tpu.memory_space<hbm>>
      %dma_start3A_690 = arith.constant 0 : i32
      %dma_start3A_691 = arith.constant 128 : i32
      %dma_start3A_692 = tpu.memref_slice %arg6[%dma_start3A_690, %dma_start3A_691] : memref<56x384xf32, #tpu.memory_space<vmem>> -> memref<56x128xf32, #tpu.memory_space<vmem>>
      %dma_start3A_693 = arith.constant 128 : i32
      %dma_start3A_694 = tpu.memref_slice %arg2[%add3A_685, %dma_start3A_693] : memref<50176x384xf32, #tpu.memory_space<hbm>> -> memref<56x128xf32, #tpu.memory_space<hbm>>
      tpu.enqueue_dma source(%dma_start3A_694 : memref<56x128xf32, #tpu.memory_space<hbm>>) target(%dma_start3A_692 : memref<56x128xf32, #tpu.memory_space<vmem>>) target_semaphore(%arg10 : memref<!tpu.dma_semaphore, #tpu.memory_space<semaphore_mem>>)
    } else {
    }
    %convert_element_type3A_657 = arith.extui %gt3A_652 : i1 to i32
    %cond3A_658 = arith.constant 0 : i32
    %cond3A_659 = arith.cmpi ne, %convert_element_type3A_657, %cond3A_658 : i32
    scf.if %cond3A_659 {
      %add3A_684 = arith.constant 0 : i32
      %add3A_685 = arith.addi %mul3A_2, %add3A_684 : i32
      %dma_start3A = arith.constant 0 : i32
      %dma_start3A_686 = arith.constant 256 : i32
      %dma_start3A_687 = tpu.memref_slice %arg6[%dma_start3A, %dma_start3A_686] : memref<56x384xf32, #tpu.memory_space<vmem>> -> memref<56x128xf32, #tpu.memory_space<vmem>>
      %dma_start3A_688 = arith.constant 256 : i32
      %dma_start3A_689 = tpu.memref_slice %arg2[%add3A_685, %dma_start3A_688] : memref<50176x384xf32, #tpu.memory_space<hbm>> -> memref<56x128xf32, #tpu.memory_space<hbm>>
      %dma_start3A_690 = arith.constant 0 : i32
      %dma_start3A_691 = arith.constant 256 : i32
      %dma_start3A_692 = tpu.memref_slice %arg6[%dma_start3A_690, %dma_start3A_691] : memref<56x384xf32, #tpu.memory_space<vmem>> -> memref<56x128xf32, #tpu.memory_space<vmem>>
      %dma_start3A_693 = arith.constant 256 : i32
      %dma_start3A_694 = tpu.memref_slice %arg2[%add3A_685, %dma_start3A_693] : memref<50176x384xf32, #tpu.memory_space<hbm>> -> memref<56x128xf32, #tpu.memory_space<hbm>>
      tpu.enqueue_dma source(%dma_start3A_694 : memref<56x128xf32, #tpu.memory_space<hbm>>) target(%dma_start3A_692 : memref<56x128xf32, #tpu.memory_space<vmem>>) target_semaphore(%arg10 : memref<!tpu.dma_semaphore, #tpu.memory_space<semaphore_mem>>)
    } else {
    }
    %convert_element_type3A_660 = arith.extui %gt3A_248 : i1 to i32
    %cond3A_661 = arith.constant 0 : i32
    %cond3A_662 = arith.cmpi ne, %convert_element_type3A_660, %cond3A_661 : i32
    scf.if %cond3A_662 {
      %add3A_684 = arith.constant 56 : i32
      %add3A_685 = arith.addi %mul3A_2, %add3A_684 : i32
      %dma_start3A = arith.constant 0 : i32
      %dma_start3A_686 = arith.constant 0 : i32
      %dma_start3A_687 = tpu.memref_slice %arg7[%dma_start3A, %dma_start3A_686] : memref<56x384xf32, #tpu.memory_space<vmem>> -> memref<56x128xf32, #tpu.memory_space<vmem>>
      %dma_start3A_688 = arith.constant 0 : i32
      %dma_start3A_689 = tpu.memref_slice %arg2[%add3A_685, %dma_start3A_688] : memref<50176x384xf32, #tpu.memory_space<hbm>> -> memref<56x128xf32, #tpu.memory_space<hbm>>
      %dma_start3A_690 = arith.constant 0 : i32
      %dma_start3A_691 = arith.constant 0 : i32
      %dma_start3A_692 = tpu.memref_slice %arg7[%dma_start3A_690, %dma_start3A_691] : memref<56x384xf32, #tpu.memory_space<vmem>> -> memref<56x128xf32, #tpu.memory_space<vmem>>
      %dma_start3A_693 = arith.constant 0 : i32
      %dma_start3A_694 = tpu.memref_slice %arg2[%add3A_685, %dma_start3A_693] : memref<50176x384xf32, #tpu.memory_space<hbm>> -> memref<56x128xf32, #tpu.memory_space<hbm>>
      tpu.enqueue_dma source(%dma_start3A_694 : memref<56x128xf32, #tpu.memory_space<hbm>>) target(%dma_start3A_692 : memref<56x128xf32, #tpu.memory_space<vmem>>) target_semaphore(%arg11 : memref<!tpu.dma_semaphore, #tpu.memory_space<semaphore_mem>>)
    } else {
    }
    %convert_element_type3A_663 = arith.extui %gt3A_450 : i1 to i32
    %cond3A_664 = arith.constant 0 : i32
    %cond3A_665 = arith.cmpi ne, %convert_element_type3A_663, %cond3A_664 : i32
    scf.if %cond3A_665 {
      %add3A_684 = arith.constant 56 : i32
      %add3A_685 = arith.addi %mul3A_2, %add3A_684 : i32
      %dma_start3A = arith.constant 0 : i32
      %dma_start3A_686 = arith.constant 128 : i32
      %dma_start3A_687 = tpu.memref_slice %arg7[%dma_start3A, %dma_start3A_686] : memref<56x384xf32, #tpu.memory_space<vmem>> -> memref<56x128xf32, #tpu.memory_space<vmem>>
      %dma_start3A_688 = arith.constant 128 : i32
      %dma_start3A_689 = tpu.memref_slice %arg2[%add3A_685, %dma_start3A_688] : memref<50176x384xf32, #tpu.memory_space<hbm>> -> memref<56x128xf32, #tpu.memory_space<hbm>>
      %dma_start3A_690 = arith.constant 0 : i32
      %dma_start3A_691 = arith.constant 128 : i32
      %dma_start3A_692 = tpu.memref_slice %arg7[%dma_start3A_690, %dma_start3A_691] : memref<56x384xf32, #tpu.memory_space<vmem>> -> memref<56x128xf32, #tpu.memory_space<vmem>>
      %dma_start3A_693 = arith.constant 128 : i32
      %dma_start3A_694 = tpu.memref_slice %arg2[%add3A_685, %dma_start3A_693] : memref<50176x384xf32, #tpu.memory_space<hbm>> -> memref<56x128xf32, #tpu.memory_space<hbm>>
      tpu.enqueue_dma source(%dma_start3A_694 : memref<56x128xf32, #tpu.memory_space<hbm>>) target(%dma_start3A_692 : memref<56x128xf32, #tpu.memory_space<vmem>>) target_semaphore(%arg11 : memref<!tpu.dma_semaphore, #tpu.memory_space<semaphore_mem>>)
    } else {
    }
    %convert_element_type3A_666 = arith.extui %gt3A_652 : i1 to i32
    %cond3A_667 = arith.constant 0 : i32
    %cond3A_668 = arith.cmpi ne, %convert_element_type3A_666, %cond3A_667 : i32
    scf.if %cond3A_668 {
      %add3A_684 = arith.constant 56 : i32
      %add3A_685 = arith.addi %mul3A_2, %add3A_684 : i32
      %dma_start3A = arith.constant 0 : i32
      %dma_start3A_686 = arith.constant 256 : i32
      %dma_start3A_687 = tpu.memref_slice %arg7[%dma_start3A, %dma_start3A_686] : memref<56x384xf32, #tpu.memory_space<vmem>> -> memref<56x128xf32, #tpu.memory_space<vmem>>
      %dma_start3A_688 = arith.constant 256 : i32
      %dma_start3A_689 = tpu.memref_slice %arg2[%add3A_685, %dma_start3A_688] : memref<50176x384xf32, #tpu.memory_space<hbm>> -> memref<56x128xf32, #tpu.memory_space<hbm>>
      %dma_start3A_690 = arith.constant 0 : i32
      %dma_start3A_691 = arith.constant 256 : i32
      %dma_start3A_692 = tpu.memref_slice %arg7[%dma_start3A_690, %dma_start3A_691] : memref<56x384xf32, #tpu.memory_space<vmem>> -> memref<56x128xf32, #tpu.memory_space<vmem>>
      %dma_start3A_693 = arith.constant 256 : i32
      %dma_start3A_694 = tpu.memref_slice %arg2[%add3A_685, %dma_start3A_693] : memref<50176x384xf32, #tpu.memory_space<hbm>> -> memref<56x128xf32, #tpu.memory_space<hbm>>
      tpu.enqueue_dma source(%dma_start3A_694 : memref<56x128xf32, #tpu.memory_space<hbm>>) target(%dma_start3A_692 : memref<56x128xf32, #tpu.memory_space<vmem>>) target_semaphore(%arg11 : memref<!tpu.dma_semaphore, #tpu.memory_space<semaphore_mem>>)
    } else {
    }
    %scan3A = arith.constant 0 : i32
    %scan3A_669 = arith.constant 14 : i32
    %scan3A_670 = arith.addi %scan3A, %scan3A_669 : i32
    %scan3A_671 = arith.constant 1 : i32
    scf.for %scan3A_684 = %scan3A to %scan3A_670 step %scan3A_671  : i32 {
      %mul3A_685 = arith.constant 1 : i32
      %mul3A_686 = arith.muli %scan3A_684, %mul3A_685 : i32
      %add3A_687 = arith.constant 0 : i32
      %add3A_688 = arith.addi %add3A_687, %mul3A_686 : i32
      %mul3A_689 = arith.constant 2 : i32
      %mul3A_690 = arith.muli %add3A_688, %mul3A_689 : i32
      %add3A_691 = arith.constant 0 : i32
      %add3A_692 = arith.addi %mul3A_690, %add3A_691 : i32
      %convert_element_type3A_693 = arith.extui %gt3A_248 : i1 to i32
      %cond3A_694 = arith.constant 0 : i32
      %cond3A_695 = arith.cmpi ne, %convert_element_type3A_693, %cond3A_694 : i32
      scf.if %cond3A_695 {
        %dma_wait3A_755 = arith.constant 0 : i32
        %dma_wait3A_756 = arith.constant 0 : i32
        %dma_wait3A_757 = tpu.memref_slice %arg6[%dma_wait3A_755, %dma_wait3A_756] : memref<56x384xf32, #tpu.memory_space<vmem>> -> memref<56x128xf32, #tpu.memory_space<vmem>>
        %dma_wait3A_758 = arith.constant 0 : i32
        %dma_wait3A_759 = arith.constant 0 : i32
        %dma_wait3A_760 = tpu.memref_slice %arg2[%dma_wait3A_758, %dma_wait3A_759] : memref<50176x384xf32, #tpu.memory_space<hbm>> -> memref<56x128xf32, #tpu.memory_space<hbm>>
        %dma_wait3A_761 = arith.constant 0 : i32
        %dma_wait3A_762 = arith.constant 0 : i32
        %dma_wait3A_763 = tpu.memref_slice %arg6[%dma_wait3A_761, %dma_wait3A_762] : memref<56x384xf32, #tpu.memory_space<vmem>> -> memref<56x128xf32, #tpu.memory_space<vmem>>
        %dma_wait3A_764 = arith.constant 0 : i32
        %dma_wait3A_765 = arith.constant 0 : i32
        %dma_wait3A_766 = tpu.memref_slice %arg2[%dma_wait3A_764, %dma_wait3A_765] : memref<50176x384xf32, #tpu.memory_space<hbm>> -> memref<56x128xf32, #tpu.memory_space<hbm>>
        tpu.wait_dma2 semaphore(%arg10 : memref<!tpu.dma_semaphore, #tpu.memory_space<semaphore_mem>>) src(%dma_wait3A_766 : memref<56x128xf32, #tpu.memory_space<hbm>>) dst(%dma_wait3A_763 : memref<56x128xf32, #tpu.memory_space<vmem>>)
      } else {
      }
      %convert_element_type3A_696 = arith.extui %gt3A_450 : i1 to i32
      %cond3A_697 = arith.constant 0 : i32
      %cond3A_698 = arith.cmpi ne, %convert_element_type3A_696, %cond3A_697 : i32
      scf.if %cond3A_698 {
        %dma_wait3A_755 = arith.constant 0 : i32
        %dma_wait3A_756 = arith.constant 128 : i32
        %dma_wait3A_757 = tpu.memref_slice %arg6[%dma_wait3A_755, %dma_wait3A_756] : memref<56x384xf32, #tpu.memory_space<vmem>> -> memref<56x128xf32, #tpu.memory_space<vmem>>
        %dma_wait3A_758 = arith.constant 0 : i32
        %dma_wait3A_759 = arith.constant 128 : i32
        %dma_wait3A_760 = tpu.memref_slice %arg2[%dma_wait3A_758, %dma_wait3A_759] : memref<50176x384xf32, #tpu.memory_space<hbm>> -> memref<56x128xf32, #tpu.memory_space<hbm>>
        %dma_wait3A_761 = arith.constant 0 : i32
        %dma_wait3A_762 = arith.constant 128 : i32
        %dma_wait3A_763 = tpu.memref_slice %arg6[%dma_wait3A_761, %dma_wait3A_762] : memref<56x384xf32, #tpu.memory_space<vmem>> -> memref<56x128xf32, #tpu.memory_space<vmem>>
        %dma_wait3A_764 = arith.constant 0 : i32
        %dma_wait3A_765 = arith.constant 128 : i32
        %dma_wait3A_766 = tpu.memref_slice %arg2[%dma_wait3A_764, %dma_wait3A_765] : memref<50176x384xf32, #tpu.memory_space<hbm>> -> memref<56x128xf32, #tpu.memory_space<hbm>>
        tpu.wait_dma2 semaphore(%arg10 : memref<!tpu.dma_semaphore, #tpu.memory_space<semaphore_mem>>) src(%dma_wait3A_766 : memref<56x128xf32, #tpu.memory_space<hbm>>) dst(%dma_wait3A_763 : memref<56x128xf32, #tpu.memory_space<vmem>>)
      } else {
      }
      %convert_element_type3A_699 = arith.extui %gt3A_652 : i1 to i32
      %cond3A_700 = arith.constant 0 : i32
      %cond3A_701 = arith.cmpi ne, %convert_element_type3A_699, %cond3A_700 : i32
      scf.if %cond3A_701 {
        %dma_wait3A_755 = arith.constant 0 : i32
        %dma_wait3A_756 = arith.constant 256 : i32
        %dma_wait3A_757 = tpu.memref_slice %arg6[%dma_wait3A_755, %dma_wait3A_756] : memref<56x384xf32, #tpu.memory_space<vmem>> -> memref<56x128xf32, #tpu.memory_space<vmem>>
        %dma_wait3A_758 = arith.constant 0 : i32
        %dma_wait3A_759 = arith.constant 256 : i32
        %dma_wait3A_760 = tpu.memref_slice %arg2[%dma_wait3A_758, %dma_wait3A_759] : memref<50176x384xf32, #tpu.memory_space<hbm>> -> memref<56x128xf32, #tpu.memory_space<hbm>>
        %dma_wait3A_761 = arith.constant 0 : i32
        %dma_wait3A_762 = arith.constant 256 : i32
        %dma_wait3A_763 = tpu.memref_slice %arg6[%dma_wait3A_761, %dma_wait3A_762] : memref<56x384xf32, #tpu.memory_space<vmem>> -> memref<56x128xf32, #tpu.memory_space<vmem>>
        %dma_wait3A_764 = arith.constant 0 : i32
        %dma_wait3A_765 = arith.constant 256 : i32
        %dma_wait3A_766 = tpu.memref_slice %arg2[%dma_wait3A_764, %dma_wait3A_765] : memref<50176x384xf32, #tpu.memory_space<hbm>> -> memref<56x128xf32, #tpu.memory_space<hbm>>
        tpu.wait_dma2 semaphore(%arg10 : memref<!tpu.dma_semaphore, #tpu.memory_space<semaphore_mem>>) src(%dma_wait3A_766 : memref<56x128xf32, #tpu.memory_space<hbm>>) dst(%dma_wait3A_763 : memref<56x128xf32, #tpu.memory_space<vmem>>)
      } else {
      }
      %ge3A = arith.constant 1 : i32
      %ge3A_702 = arith.cmpi sge, %add3A_688, %ge3A : i32
      %convert_element_type3A_703 = arith.extui %ge3A_702 : i1 to i32
      %cond3A_704 = arith.constant 0 : i32
      %cond3A_705 = arith.cmpi ne, %convert_element_type3A_703, %cond3A_704 : i32
      scf.if %cond3A_705 {
        %dma_wait3A_755 = arith.constant 0 : i32
        %dma_wait3A_756 = arith.constant 0 : i32
        %dma_wait3A_757 = tpu.memref_slice %arg4[%dma_wait3A_755, %dma_wait3A_756] : memref<50176x384xf32, #tpu.memory_space<hbm>> -> memref<56x384xf32, #tpu.memory_space<hbm>>
        %dma_wait3A_758 = arith.constant 0 : i32
        %dma_wait3A_759 = arith.constant 0 : i32
        %dma_wait3A_760 = tpu.memref_slice %arg4[%dma_wait3A_758, %dma_wait3A_759] : memref<50176x384xf32, #tpu.memory_space<hbm>> -> memref<56x384xf32, #tpu.memory_space<hbm>>
        tpu.wait_dma2 semaphore(%arg12 : memref<!tpu.dma_semaphore, #tpu.memory_space<semaphore_mem>>) src(%arg8 : memref<56x384xf32, #tpu.memory_space<vmem>>) dst(%dma_wait3A_760 : memref<56x384xf32, #tpu.memory_space<hbm>>)
      } else {
      }
      %parallel_loop3A = arith.constant 0 : i32
      %parallel_loop3A_706 = arith.constant 56 : i32
      %parallel_loop3A_707 = arith.constant 1 : i32
      scf.for %parallel_loop3A_755 = %parallel_loop3A to %parallel_loop3A_706 step %parallel_loop3A_707  : i32 {
        %parallel_loop3A_756 = vector.broadcast %parallel_loop3A_755 : i32 to vector<16xi32>
        %parallel_loop3A_757 = tpu.vector_load_idx %arg6[%parallel_loop3A_756, %get3A_3] : memref<56x384xf32, #tpu.memory_space<vmem>>[vector<16xi32>, vector<16xi32>], vector<16xf32>,
        %parallel_loop3A_758 = arith.index_cast %parallel_loop3A_755 : i32 to index
        %parallel_loop3A_759 = arith.constant 0 : index
        %parallel_loop3A_760 = tpu.vector_load %arg8[%parallel_loop3A_758, %parallel_loop3A_759] {strides = array<i32>} : memref<56x384xf32, #tpu.memory_space<vmem>>, vector<16xf32>,
        tpu.vector_store %arg8[%parallel_loop3A_758, %parallel_loop3A_759], %parallel_loop3A_757 {strides = array<i32>} : memref<56x384xf32, #tpu.memory_space<vmem>>, vector<16xf32>,
        %parallel_loop3A_761 = tpu.vector_load_idx %arg6[%parallel_loop3A_756, %get3A_5] : memref<56x384xf32, #tpu.memory_space<vmem>>[vector<16xi32>, vector<16xi32>], vector<16xf32>,
        %parallel_loop3A_762 = arith.index_cast %parallel_loop3A_755 : i32 to index
        %parallel_loop3A_763 = arith.constant 16 : index
        %parallel_loop3A_764 = tpu.vector_load %arg8[%parallel_loop3A_762, %parallel_loop3A_763] {strides = array<i32>} : memref<56x384xf32, #tpu.memory_space<vmem>>, vector<16xf32>,
        tpu.vector_store %arg8[%parallel_loop3A_762, %parallel_loop3A_763], %parallel_loop3A_761 {strides = array<i32>} : memref<56x384xf32, #tpu.memory_space<vmem>>, vector<16xf32>,
        %parallel_loop3A_765 = tpu.vector_load_idx %arg6[%parallel_loop3A_756, %get3A_7] : memref<56x384xf32, #tpu.memory_space<vmem>>[vector<16xi32>, vector<16xi32>], vector<16xf32>,
        %parallel_loop3A_766 = arith.index_cast %parallel_loop3A_755 : i32 to index
        %parallel_loop3A_767 = arith.constant 32 : index
        %parallel_loop3A_768 = tpu.vector_load %arg8[%parallel_loop3A_766, %parallel_loop3A_767] {strides = array<i32>} : memref<56x384xf32, #tpu.memory_space<vmem>>, vector<16xf32>,
        tpu.vector_store %arg8[%parallel_loop3A_766, %parallel_loop3A_767], %parallel_loop3A_765 {strides = array<i32>} : memref<56x384xf32, #tpu.memory_space<vmem>>, vector<16xf32>,
        %parallel_loop3A_769 = tpu.vector_load_idx %arg6[%parallel_loop3A_756, %get3A_9] : memref<56x384xf32, #tpu.memory_space<vmem>>[vector<16xi32>, vector<16xi32>], vector<16xf32>,
        %parallel_loop3A_770 = arith.index_cast %parallel_loop3A_755 : i32 to index
        %parallel_loop3A_771 = arith.constant 48 : index
        %parallel_loop3A_772 = tpu.vector_load %arg8[%parallel_loop3A_770, %parallel_loop3A_771] {strides = array<i32>} : memref<56x384xf32, #tpu.memory_space<vmem>>, vector<16xf32>,
        tpu.vector_store %arg8[%parallel_loop3A_770, %parallel_loop3A_771], %parallel_loop3A_769 {strides = array<i32>} : memref<56x384xf32, #tpu.memory_space<vmem>>, vector<16xf32>,
        %parallel_loop3A_773 = tpu.vector_load_idx %arg6[%parallel_loop3A_756, %get3A_11] : memref<56x384xf32, #tpu.memory_space<vmem>>[vector<16xi32>, vector<16xi32>], vector<16xf32>,
        %parallel_loop3A_774 = arith.index_cast %parallel_loop3A_755 : i32 to index
        %parallel_loop3A_775 = arith.constant 64 : index
        %parallel_loop3A_776 = tpu.vector_load %arg8[%parallel_loop3A_774, %parallel_loop3A_775] {strides = array<i32>} : memref<56x384xf32, #tpu.memory_space<vmem>>, vector<16xf32>,
        tpu.vector_store %arg8[%parallel_loop3A_774, %parallel_loop3A_775], %parallel_loop3A_773 {strides = array<i32>} : memref<56x384xf32, #tpu.memory_space<vmem>>, vector<16xf32>,
        %parallel_loop3A_777 = tpu.vector_load_idx %arg6[%parallel_loop3A_756, %get3A_13] : memref<56x384xf32, #tpu.memory_space<vmem>>[vector<16xi32>, vector<16xi32>], vector<16xf32>,
        %parallel_loop3A_778 = arith.index_cast %parallel_loop3A_755 : i32 to index
        %parallel_loop3A_779 = arith.constant 80 : index
        %parallel_loop3A_780 = tpu.vector_load %arg8[%parallel_loop3A_778, %parallel_loop3A_779] {strides = array<i32>} : memref<56x384xf32, #tpu.memory_space<vmem>>, vector<16xf32>,
        tpu.vector_store %arg8[%parallel_loop3A_778, %parallel_loop3A_779], %parallel_loop3A_777 {strides = array<i32>} : memref<56x384xf32, #tpu.memory_space<vmem>>, vector<16xf32>,
        %parallel_loop3A_781 = tpu.vector_load_idx %arg6[%parallel_loop3A_756, %get3A_15] : memref<56x384xf32, #tpu.memory_space<vmem>>[vector<16xi32>, vector<16xi32>], vector<16xf32>,
        %parallel_loop3A_782 = arith.index_cast %parallel_loop3A_755 : i32 to index
        %parallel_loop3A_783 = arith.constant 96 : index
        %parallel_loop3A_784 = tpu.vector_load %arg8[%parallel_loop3A_782, %parallel_loop3A_783] {strides = array<i32>} : memref<56x384xf32, #tpu.memory_space<vmem>>, vector<16xf32>,
        tpu.vector_store %arg8[%parallel_loop3A_782, %parallel_loop3A_783], %parallel_loop3A_781 {strides = array<i32>} : memref<56x384xf32, #tpu.memory_space<vmem>>, vector<16xf32>,
        %parallel_loop3A_785 = tpu.vector_load_idx %arg6[%parallel_loop3A_756, %get3A_17] : memref<56x384xf32, #tpu.memory_space<vmem>>[vector<16xi32>, vector<16xi32>], vector<16xf32>,
        %parallel_loop3A_786 = arith.index_cast %parallel_loop3A_755 : i32 to index
        %parallel_loop3A_787 = arith.constant 112 : index
        %parallel_loop3A_788 = tpu.vector_load %arg8[%parallel_loop3A_786, %parallel_loop3A_787] {strides = array<i32>} : memref<56x384xf32, #tpu.memory_space<vmem>>, vector<16xf32>,
        tpu.vector_store %arg8[%parallel_loop3A_786, %parallel_loop3A_787], %parallel_loop3A_785 {strides = array<i32>} : memref<56x384xf32, #tpu.memory_space<vmem>>, vector<16xf32>,
        %parallel_loop3A_789 = tpu.vector_load_idx %arg6[%parallel_loop3A_756, %get3A_19] : memref<56x384xf32, #tpu.memory_space<vmem>>[vector<16xi32>, vector<16xi32>], vector<16xf32>,
        %parallel_loop3A_790 = arith.index_cast %parallel_loop3A_755 : i32 to index
        %parallel_loop3A_791 = arith.constant 128 : index
        %parallel_loop3A_792 = tpu.vector_load %arg8[%parallel_loop3A_790, %parallel_loop3A_791] {strides = array<i32>} : memref<56x384xf32, #tpu.memory_space<vmem>>, vector<16xf32>,
        tpu.vector_store %arg8[%parallel_loop3A_790, %parallel_loop3A_791], %parallel_loop3A_789 {strides = array<i32>} : memref<56x384xf32, #tpu.memory_space<vmem>>, vector<16xf32>,
        %parallel_loop3A_793 = tpu.vector_load_idx %arg6[%parallel_loop3A_756, %get3A_21] : memref<56x384xf32, #tpu.memory_space<vmem>>[vector<16xi32>, vector<16xi32>], vector<16xf32>,
        %parallel_loop3A_794 = arith.index_cast %parallel_loop3A_755 : i32 to index
        %parallel_loop3A_795 = arith.constant 144 : index
        %parallel_loop3A_796 = tpu.vector_load %arg8[%parallel_loop3A_794, %parallel_loop3A_795] {strides = array<i32>} : memref<56x384xf32, #tpu.memory_space<vmem>>, vector<16xf32>,
        tpu.vector_store %arg8[%parallel_loop3A_794, %parallel_loop3A_795], %parallel_loop3A_793 {strides = array<i32>} : memref<56x384xf32, #tpu.memory_space<vmem>>, vector<16xf32>,
        %parallel_loop3A_797 = tpu.vector_load_idx %arg6[%parallel_loop3A_756, %get3A_23] : memref<56x384xf32, #tpu.memory_space<vmem>>[vector<16xi32>, vector<16xi32>], vector<16xf32>,
        %parallel_loop3A_798 = arith.index_cast %parallel_loop3A_755 : i32 to index
        %parallel_loop3A_799 = arith.constant 160 : index
        %parallel_loop3A_800 = tpu.vector_load %arg8[%parallel_loop3A_798, %parallel_loop3A_799] {strides = array<i32>} : memref<56x384xf32, #tpu.memory_space<vmem>>, vector<16xf32>,
        tpu.vector_store %arg8[%parallel_loop3A_798, %parallel_loop3A_799], %parallel_loop3A_797 {strides = array<i32>} : memref<56x384xf32, #tpu.memory_space<vmem>>, vector<16xf32>,
        %parallel_loop3A_801 = tpu.vector_load_idx %arg6[%parallel_loop3A_756, %get3A_25] : memref<56x384xf32, #tpu.memory_space<vmem>>[vector<16xi32>, vector<16xi32>], vector<16xf32>,
        %parallel_loop3A_802 = arith.index_cast %parallel_loop3A_755 : i32 to index
        %parallel_loop3A_803 = arith.constant 176 : index
        %parallel_loop3A_804 = tpu.vector_load %arg8[%parallel_loop3A_802, %parallel_loop3A_803] {strides = array<i32>} : memref<56x384xf32, #tpu.memory_space<vmem>>, vector<16xf32>,
        tpu.vector_store %arg8[%parallel_loop3A_802, %parallel_loop3A_803], %parallel_loop3A_801 {strides = array<i32>} : memref<56x384xf32, #tpu.memory_space<vmem>>, vector<16xf32>,
        %parallel_loop3A_805 = tpu.vector_load_idx %arg6[%parallel_loop3A_756, %get3A_27] : memref<56x384xf32, #tpu.memory_space<vmem>>[vector<16xi32>, vector<16xi32>], vector<16xf32>,
        %parallel_loop3A_806 = arith.index_cast %parallel_loop3A_755 : i32 to index
        %parallel_loop3A_807 = arith.constant 192 : index
        %parallel_loop3A_808 = tpu.vector_load %arg8[%parallel_loop3A_806, %parallel_loop3A_807] {strides = array<i32>} : memref<56x384xf32, #tpu.memory_space<vmem>>, vector<16xf32>,
        tpu.vector_store %arg8[%parallel_loop3A_806, %parallel_loop3A_807], %parallel_loop3A_805 {strides = array<i32>} : memref<56x384xf32, #tpu.memory_space<vmem>>, vector<16xf32>,
        %parallel_loop3A_809 = tpu.vector_load_idx %arg6[%parallel_loop3A_756, %get3A_29] : memref<56x384xf32, #tpu.memory_space<vmem>>[vector<16xi32>, vector<16xi32>], vector<16xf32>,
        %parallel_loop3A_810 = arith.index_cast %parallel_loop3A_755 : i32 to index
        %parallel_loop3A_811 = arith.constant 208 : index
        %parallel_loop3A_812 = tpu.vector_load %arg8[%parallel_loop3A_810, %parallel_loop3A_811] {strides = array<i32>} : memref<56x384xf32, #tpu.memory_space<vmem>>, vector<16xf32>,
        tpu.vector_store %arg8[%parallel_loop3A_810, %parallel_loop3A_811], %parallel_loop3A_809 {strides = array<i32>} : memref<56x384xf32, #tpu.memory_space<vmem>>, vector<16xf32>,
        %parallel_loop3A_813 = tpu.vector_load_idx %arg6[%parallel_loop3A_756, %get3A_31] : memref<56x384xf32, #tpu.memory_space<vmem>>[vector<16xi32>, vector<16xi32>], vector<16xf32>,
        %parallel_loop3A_814 = arith.index_cast %parallel_loop3A_755 : i32 to index
        %parallel_loop3A_815 = arith.constant 224 : index
        %parallel_loop3A_816 = tpu.vector_load %arg8[%parallel_loop3A_814, %parallel_loop3A_815] {strides = array<i32>} : memref<56x384xf32, #tpu.memory_space<vmem>>, vector<16xf32>,
        tpu.vector_store %arg8[%parallel_loop3A_814, %parallel_loop3A_815], %parallel_loop3A_813 {strides = array<i32>} : memref<56x384xf32, #tpu.memory_space<vmem>>, vector<16xf32>,
        %parallel_loop3A_817 = tpu.vector_load_idx %arg6[%parallel_loop3A_756, %get3A_33] : memref<56x384xf32, #tpu.memory_space<vmem>>[vector<16xi32>, vector<16xi32>], vector<16xf32>,
        %parallel_loop3A_818 = arith.index_cast %parallel_loop3A_755 : i32 to index
        %parallel_loop3A_819 = arith.constant 240 : index
        %parallel_loop3A_820 = tpu.vector_load %arg8[%parallel_loop3A_818, %parallel_loop3A_819] {strides = array<i32>} : memref<56x384xf32, #tpu.memory_space<vmem>>, vector<16xf32>,
        tpu.vector_store %arg8[%parallel_loop3A_818, %parallel_loop3A_819], %parallel_loop3A_817 {strides = array<i32>} : memref<56x384xf32, #tpu.memory_space<vmem>>, vector<16xf32>,
        %parallel_loop3A_821 = tpu.vector_load_idx %arg6[%parallel_loop3A_756, %get3A_35] : memref<56x384xf32, #tpu.memory_space<vmem>>[vector<16xi32>, vector<16xi32>], vector<16xf32>,
        %parallel_loop3A_822 = arith.index_cast %parallel_loop3A_755 : i32 to index
        %parallel_loop3A_823 = arith.constant 256 : index
        %parallel_loop3A_824 = tpu.vector_load %arg8[%parallel_loop3A_822, %parallel_loop3A_823] {strides = array<i32>} : memref<56x384xf32, #tpu.memory_space<vmem>>, vector<16xf32>,
        tpu.vector_store %arg8[%parallel_loop3A_822, %parallel_loop3A_823], %parallel_loop3A_821 {strides = array<i32>} : memref<56x384xf32, #tpu.memory_space<vmem>>, vector<16xf32>,
        %parallel_loop3A_825 = tpu.vector_load_idx %arg6[%parallel_loop3A_756, %get3A_37] : memref<56x384xf32, #tpu.memory_space<vmem>>[vector<16xi32>, vector<16xi32>], vector<16xf32>,
        %parallel_loop3A_826 = arith.index_cast %parallel_loop3A_755 : i32 to index
        %parallel_loop3A_827 = arith.constant 272 : index
        %parallel_loop3A_828 = tpu.vector_load %arg8[%parallel_loop3A_826, %parallel_loop3A_827] {strides = array<i32>} : memref<56x384xf32, #tpu.memory_space<vmem>>, vector<16xf32>,
        tpu.vector_store %arg8[%parallel_loop3A_826, %parallel_loop3A_827], %parallel_loop3A_825 {strides = array<i32>} : memref<56x384xf32, #tpu.memory_space<vmem>>, vector<16xf32>,
        %parallel_loop3A_829 = tpu.vector_load_idx %arg6[%parallel_loop3A_756, %get3A_39] : memref<56x384xf32, #tpu.memory_space<vmem>>[vector<16xi32>, vector<16xi32>], vector<16xf32>,
        %parallel_loop3A_830 = arith.index_cast %parallel_loop3A_755 : i32 to index
        %parallel_loop3A_831 = arith.constant 288 : index
        %parallel_loop3A_832 = tpu.vector_load %arg8[%parallel_loop3A_830, %parallel_loop3A_831] {strides = array<i32>} : memref<56x384xf32, #tpu.memory_space<vmem>>, vector<16xf32>,
        tpu.vector_store %arg8[%parallel_loop3A_830, %parallel_loop3A_831], %parallel_loop3A_829 {strides = array<i32>} : memref<56x384xf32, #tpu.memory_space<vmem>>, vector<16xf32>,
        %parallel_loop3A_833 = tpu.vector_load_idx %arg6[%parallel_loop3A_756, %get3A_41] : memref<56x384xf32, #tpu.memory_space<vmem>>[vector<16xi32>, vector<16xi32>], vector<16xf32>,
        %parallel_loop3A_834 = arith.index_cast %parallel_loop3A_755 : i32 to index
        %parallel_loop3A_835 = arith.constant 304 : index
        %parallel_loop3A_836 = tpu.vector_load %arg8[%parallel_loop3A_834, %parallel_loop3A_835] {strides = array<i32>} : memref<56x384xf32, #tpu.memory_space<vmem>>, vector<16xf32>,
        tpu.vector_store %arg8[%parallel_loop3A_834, %parallel_loop3A_835], %parallel_loop3A_833 {strides = array<i32>} : memref<56x384xf32, #tpu.memory_space<vmem>>, vector<16xf32>,
        %parallel_loop3A_837 = tpu.vector_load_idx %arg6[%parallel_loop3A_756, %get3A_43] : memref<56x384xf32, #tpu.memory_space<vmem>>[vector<16xi32>, vector<16xi32>], vector<16xf32>,
        %parallel_loop3A_838 = arith.index_cast %parallel_loop3A_755 : i32 to index
        %parallel_loop3A_839 = arith.constant 320 : index
        %parallel_loop3A_840 = tpu.vector_load %arg8[%parallel_loop3A_838, %parallel_loop3A_839] {strides = array<i32>} : memref<56x384xf32, #tpu.memory_space<vmem>>, vector<16xf32>,
        tpu.vector_store %arg8[%parallel_loop3A_838, %parallel_loop3A_839], %parallel_loop3A_837 {strides = array<i32>} : memref<56x384xf32, #tpu.memory_space<vmem>>, vector<16xf32>,
        %parallel_loop3A_841 = tpu.vector_load_idx %arg6[%parallel_loop3A_756, %get3A_45] : memref<56x384xf32, #tpu.memory_space<vmem>>[vector<16xi32>, vector<16xi32>], vector<16xf32>,
        %parallel_loop3A_842 = arith.index_cast %parallel_loop3A_755 : i32 to index
        %parallel_loop3A_843 = arith.constant 336 : index
        %parallel_loop3A_844 = tpu.vector_load %arg8[%parallel_loop3A_842, %parallel_loop3A_843] {strides = array<i32>} : memref<56x384xf32, #tpu.memory_space<vmem>>, vector<16xf32>,
        tpu.vector_store %arg8[%parallel_loop3A_842, %parallel_loop3A_843], %parallel_loop3A_841 {strides = array<i32>} : memref<56x384xf32, #tpu.memory_space<vmem>>, vector<16xf32>,
        %parallel_loop3A_845 = tpu.vector_load_idx %arg6[%parallel_loop3A_756, %get3A_47] : memref<56x384xf32, #tpu.memory_space<vmem>>[vector<16xi32>, vector<16xi32>], vector<16xf32>,
        %parallel_loop3A_846 = arith.index_cast %parallel_loop3A_755 : i32 to index
        %parallel_loop3A_847 = arith.constant 352 : index
        %parallel_loop3A_848 = tpu.vector_load %arg8[%parallel_loop3A_846, %parallel_loop3A_847] {strides = array<i32>} : memref<56x384xf32, #tpu.memory_space<vmem>>, vector<16xf32>,
        tpu.vector_store %arg8[%parallel_loop3A_846, %parallel_loop3A_847], %parallel_loop3A_845 {strides = array<i32>} : memref<56x384xf32, #tpu.memory_space<vmem>>, vector<16xf32>,
        %parallel_loop3A_849 = tpu.vector_load_idx %arg6[%parallel_loop3A_756, %get3A_49] : memref<56x384xf32, #tpu.memory_space<vmem>>[vector<16xi32>, vector<16xi32>], vector<16xf32>,
        %parallel_loop3A_850 = arith.index_cast %parallel_loop3A_755 : i32 to index
        %parallel_loop3A_851 = arith.constant 368 : index
        %parallel_loop3A_852 = tpu.vector_load %arg8[%parallel_loop3A_850, %parallel_loop3A_851] {strides = array<i32>} : memref<56x384xf32, #tpu.memory_space<vmem>>, vector<16xf32>,
        tpu.vector_store %arg8[%parallel_loop3A_850, %parallel_loop3A_851], %parallel_loop3A_849 {strides = array<i32>} : memref<56x384xf32, #tpu.memory_space<vmem>>, vector<16xf32>,
      } {sc.loop_unroll_factor = 2 : i64, sc.parallel_access}
      %mul3A_708 = arith.constant 56 : i32
      %mul3A_709 = arith.muli %add3A_692, %mul3A_708 : i32
      %add3A_710 = arith.addi %mul3A_2, %mul3A_709 : i32
      %dma_start3A = arith.constant 0 : i32
      %dma_start3A_711 = tpu.memref_slice %arg4[%add3A_710, %dma_start3A] : memref<50176x384xf32, #tpu.memory_space<hbm>> -> memref<56x384xf32, #tpu.memory_space<hbm>>
      %dma_start3A_712 = arith.constant 0 : i32
      %dma_start3A_713 = tpu.memref_slice %arg4[%add3A_710, %dma_start3A_712] : memref<50176x384xf32, #tpu.memory_space<hbm>> -> memref<56x384xf32, #tpu.memory_space<hbm>>
      tpu.enqueue_dma source(%arg8 : memref<56x384xf32, #tpu.memory_space<vmem>>) target(%dma_start3A_713 : memref<56x384xf32, #tpu.memory_space<hbm>>) target_semaphore(%arg12 : memref<!tpu.dma_semaphore, #tpu.memory_space<semaphore_mem>>)
      %add3A_714 = arith.constant 2 : i32
      %add3A_715 = arith.addi %add3A_692, %add3A_714 : i32
      %lt3A = arith.constant 28 : i32
      %lt3A_716 = arith.cmpi slt, %add3A_715, %lt3A : i32
      %convert_element_type3A_717 = arith.extui %lt3A_716 : i1 to i32
      %cond3A_718 = arith.constant 0 : i32
      %cond3A_719 = arith.cmpi ne, %convert_element_type3A_717, %cond3A_718 : i32
      scf.if %cond3A_719 {
        %add3A_755 = arith.constant 2 : i32
        %add3A_756 = arith.addi %add3A_692, %add3A_755 : i32
        %convert_element_type3A_757 = arith.extui %gt3A_248 : i1 to i32
        %cond3A_758 = arith.constant 0 : i32
        %cond3A_759 = arith.cmpi ne, %convert_element_type3A_757, %cond3A_758 : i32
        scf.if %cond3A_759 {
          %mul3A_766 = arith.constant 56 : i32
          %mul3A_767 = arith.muli %add3A_756, %mul3A_766 : i32
          %add3A_768 = arith.addi %mul3A_2, %mul3A_767 : i32
          %dma_start3A_769 = arith.constant 0 : i32
          %dma_start3A_770 = arith.constant 0 : i32
          %dma_start3A_771 = tpu.memref_slice %arg6[%dma_start3A_769, %dma_start3A_770] : memref<56x384xf32, #tpu.memory_space<vmem>> -> memref<56x128xf32, #tpu.memory_space<vmem>>
          %dma_start3A_772 = arith.constant 0 : i32
          %dma_start3A_773 = tpu.memref_slice %arg2[%add3A_768, %dma_start3A_772] : memref<50176x384xf32, #tpu.memory_space<hbm>> -> memref<56x128xf32, #tpu.memory_space<hbm>>
          %dma_start3A_774 = arith.constant 0 : i32
          %dma_start3A_775 = arith.constant 0 : i32
          %dma_start3A_776 = tpu.memref_slice %arg6[%dma_start3A_774, %dma_start3A_775] : memref<56x384xf32, #tpu.memory_space<vmem>> -> memref<56x128xf32, #tpu.memory_space<vmem>>
          %dma_start3A_777 = arith.constant 0 : i32
          %dma_start3A_778 = tpu.memref_slice %arg2[%add3A_768, %dma_start3A_777] : memref<50176x384xf32, #tpu.memory_space<hbm>> -> memref<56x128xf32, #tpu.memory_space<hbm>>
          tpu.enqueue_dma source(%dma_start3A_778 : memref<56x128xf32, #tpu.memory_space<hbm>>) target(%dma_start3A_776 : memref<56x128xf32, #tpu.memory_space<vmem>>) target_semaphore(%arg10 : memref<!tpu.dma_semaphore, #tpu.memory_space<semaphore_mem>>)
        } else {
        }
        %convert_element_type3A_760 = arith.extui %gt3A_450 : i1 to i32
        %cond3A_761 = arith.constant 0 : i32
        %cond3A_762 = arith.cmpi ne, %convert_element_type3A_760, %cond3A_761 : i32
        scf.if %cond3A_762 {
          %mul3A_766 = arith.constant 56 : i32
          %mul3A_767 = arith.muli %add3A_756, %mul3A_766 : i32
          %add3A_768 = arith.addi %mul3A_2, %mul3A_767 : i32
          %dma_start3A_769 = arith.constant 0 : i32
          %dma_start3A_770 = arith.constant 128 : i32
          %dma_start3A_771 = tpu.memref_slice %arg6[%dma_start3A_769, %dma_start3A_770] : memref<56x384xf32, #tpu.memory_space<vmem>> -> memref<56x128xf32, #tpu.memory_space<vmem>>
          %dma_start3A_772 = arith.constant 128 : i32
          %dma_start3A_773 = tpu.memref_slice %arg2[%add3A_768, %dma_start3A_772] : memref<50176x384xf32, #tpu.memory_space<hbm>> -> memref<56x128xf32, #tpu.memory_space<hbm>>
          %dma_start3A_774 = arith.constant 0 : i32
          %dma_start3A_775 = arith.constant 128 : i32
          %dma_start3A_776 = tpu.memref_slice %arg6[%dma_start3A_774, %dma_start3A_775] : memref<56x384xf32, #tpu.memory_space<vmem>> -> memref<56x128xf32, #tpu.memory_space<vmem>>
          %dma_start3A_777 = arith.constant 128 : i32
          %dma_start3A_778 = tpu.memref_slice %arg2[%add3A_768, %dma_start3A_777] : memref<50176x384xf32, #tpu.memory_space<hbm>> -> memref<56x128xf32, #tpu.memory_space<hbm>>
          tpu.enqueue_dma source(%dma_start3A_778 : memref<56x128xf32, #tpu.memory_space<hbm>>) target(%dma_start3A_776 : memref<56x128xf32, #tpu.memory_space<vmem>>) target_semaphore(%arg10 : memref<!tpu.dma_semaphore, #tpu.memory_space<semaphore_mem>>)
        } else {
        }
        %convert_element_type3A_763 = arith.extui %gt3A_652 : i1 to i32
        %cond3A_764 = arith.constant 0 : i32
        %cond3A_765 = arith.cmpi ne, %convert_element_type3A_763, %cond3A_764 : i32
        scf.if %cond3A_765 {
          %mul3A_766 = arith.constant 56 : i32
          %mul3A_767 = arith.muli %add3A_756, %mul3A_766 : i32
          %add3A_768 = arith.addi %mul3A_2, %mul3A_767 : i32
          %dma_start3A_769 = arith.constant 0 : i32
          %dma_start3A_770 = arith.constant 256 : i32
          %dma_start3A_771 = tpu.memref_slice %arg6[%dma_start3A_769, %dma_start3A_770] : memref<56x384xf32, #tpu.memory_space<vmem>> -> memref<56x128xf32, #tpu.memory_space<vmem>>
          %dma_start3A_772 = arith.constant 256 : i32
          %dma_start3A_773 = tpu.memref_slice %arg2[%add3A_768, %dma_start3A_772] : memref<50176x384xf32, #tpu.memory_space<hbm>> -> memref<56x128xf32, #tpu.memory_space<hbm>>
          %dma_start3A_774 = arith.constant 0 : i32
          %dma_start3A_775 = arith.constant 256 : i32
          %dma_start3A_776 = tpu.memref_slice %arg6[%dma_start3A_774, %dma_start3A_775] : memref<56x384xf32, #tpu.memory_space<vmem>> -> memref<56x128xf32, #tpu.memory_space<vmem>>
          %dma_start3A_777 = arith.constant 256 : i32
          %dma_start3A_778 = tpu.memref_slice %arg2[%add3A_768, %dma_start3A_777] : memref<50176x384xf32, #tpu.memory_space<hbm>> -> memref<56x128xf32, #tpu.memory_space<hbm>>
          tpu.enqueue_dma source(%dma_start3A_778 : memref<56x128xf32, #tpu.memory_space<hbm>>) target(%dma_start3A_776 : memref<56x128xf32, #tpu.memory_space<vmem>>) target_semaphore(%arg10 : memref<!tpu.dma_semaphore, #tpu.memory_space<semaphore_mem>>)
        } else {
        }
      } else {
      }
      %mul3A_720 = arith.constant 2 : i32
      %mul3A_721 = arith.muli %add3A_688, %mul3A_720 : i32
      %add3A_722 = arith.constant 1 : i32
      %add3A_723 = arith.addi %mul3A_721, %add3A_722 : i32
      %convert_element_type3A_724 = arith.extui %gt3A_248 : i1 to i32
      %cond3A_725 = arith.constant 0 : i32
      %cond3A_726 = arith.cmpi ne, %convert_element_type3A_724, %cond3A_725 : i32
      scf.if %cond3A_726 {
        %dma_wait3A_755 = arith.constant 0 : i32
        %dma_wait3A_756 = arith.constant 0 : i32
        %dma_wait3A_757 = tpu.memref_slice %arg7[%dma_wait3A_755, %dma_wait3A_756] : memref<56x384xf32, #tpu.memory_space<vmem>> -> memref<56x128xf32, #tpu.memory_space<vmem>>
        %dma_wait3A_758 = arith.constant 0 : i32
        %dma_wait3A_759 = arith.constant 0 : i32
        %dma_wait3A_760 = tpu.memref_slice %arg2[%dma_wait3A_758, %dma_wait3A_759] : memref<50176x384xf32, #tpu.memory_space<hbm>> -> memref<56x128xf32, #tpu.memory_space<hbm>>
        %dma_wait3A_761 = arith.constant 0 : i32
        %dma_wait3A_762 = arith.constant 0 : i32
        %dma_wait3A_763 = tpu.memref_slice %arg7[%dma_wait3A_761, %dma_wait3A_762] : memref<56x384xf32, #tpu.memory_space<vmem>> -> memref<56x128xf32, #tpu.memory_space<vmem>>
        %dma_wait3A_764 = arith.constant 0 : i32
        %dma_wait3A_765 = arith.constant 0 : i32
        %dma_wait3A_766 = tpu.memref_slice %arg2[%dma_wait3A_764, %dma_wait3A_765] : memref<50176x384xf32, #tpu.memory_space<hbm>> -> memref<56x128xf32, #tpu.memory_space<hbm>>
        tpu.wait_dma2 semaphore(%arg11 : memref<!tpu.dma_semaphore, #tpu.memory_space<semaphore_mem>>) src(%dma_wait3A_766 : memref<56x128xf32, #tpu.memory_space<hbm>>) dst(%dma_wait3A_763 : memref<56x128xf32, #tpu.memory_space<vmem>>)
      } else {
      }
      %convert_element_type3A_727 = arith.extui %gt3A_450 : i1 to i32
      %cond3A_728 = arith.constant 0 : i32
      %cond3A_729 = arith.cmpi ne, %convert_element_type3A_727, %cond3A_728 : i32
      scf.if %cond3A_729 {
        %dma_wait3A_755 = arith.constant 0 : i32
        %dma_wait3A_756 = arith.constant 128 : i32
        %dma_wait3A_757 = tpu.memref_slice %arg7[%dma_wait3A_755, %dma_wait3A_756] : memref<56x384xf32, #tpu.memory_space<vmem>> -> memref<56x128xf32, #tpu.memory_space<vmem>>
        %dma_wait3A_758 = arith.constant 0 : i32
        %dma_wait3A_759 = arith.constant 128 : i32
        %dma_wait3A_760 = tpu.memref_slice %arg2[%dma_wait3A_758, %dma_wait3A_759] : memref<50176x384xf32, #tpu.memory_space<hbm>> -> memref<56x128xf32, #tpu.memory_space<hbm>>
        %dma_wait3A_761 = arith.constant 0 : i32
        %dma_wait3A_762 = arith.constant 128 : i32
        %dma_wait3A_763 = tpu.memref_slice %arg7[%dma_wait3A_761, %dma_wait3A_762] : memref<56x384xf32, #tpu.memory_space<vmem>> -> memref<56x128xf32, #tpu.memory_space<vmem>>
        %dma_wait3A_764 = arith.constant 0 : i32
        %dma_wait3A_765 = arith.constant 128 : i32
        %dma_wait3A_766 = tpu.memref_slice %arg2[%dma_wait3A_764, %dma_wait3A_765] : memref<50176x384xf32, #tpu.memory_space<hbm>> -> memref<56x128xf32, #tpu.memory_space<hbm>>
        tpu.wait_dma2 semaphore(%arg11 : memref<!tpu.dma_semaphore, #tpu.memory_space<semaphore_mem>>) src(%dma_wait3A_766 : memref<56x128xf32, #tpu.memory_space<hbm>>) dst(%dma_wait3A_763 : memref<56x128xf32, #tpu.memory_space<vmem>>)
      } else {
      }
      %convert_element_type3A_730 = arith.extui %gt3A_652 : i1 to i32
      %cond3A_731 = arith.constant 0 : i32
      %cond3A_732 = arith.cmpi ne, %convert_element_type3A_730, %cond3A_731 : i32
      scf.if %cond3A_732 {
        %dma_wait3A_755 = arith.constant 0 : i32
        %dma_wait3A_756 = arith.constant 256 : i32
        %dma_wait3A_757 = tpu.memref_slice %arg7[%dma_wait3A_755, %dma_wait3A_756] : memref<56x384xf32, #tpu.memory_space<vmem>> -> memref<56x128xf32, #tpu.memory_space<vmem>>
        %dma_wait3A_758 = arith.constant 0 : i32
        %dma_wait3A_759 = arith.constant 256 : i32
        %dma_wait3A_760 = tpu.memref_slice %arg2[%dma_wait3A_758, %dma_wait3A_759] : memref<50176x384xf32, #tpu.memory_space<hbm>> -> memref<56x128xf32, #tpu.memory_space<hbm>>
        %dma_wait3A_761 = arith.constant 0 : i32
        %dma_wait3A_762 = arith.constant 256 : i32
        %dma_wait3A_763 = tpu.memref_slice %arg7[%dma_wait3A_761, %dma_wait3A_762] : memref<56x384xf32, #tpu.memory_space<vmem>> -> memref<56x128xf32, #tpu.memory_space<vmem>>
        %dma_wait3A_764 = arith.constant 0 : i32
        %dma_wait3A_765 = arith.constant 256 : i32
        %dma_wait3A_766 = tpu.memref_slice %arg2[%dma_wait3A_764, %dma_wait3A_765] : memref<50176x384xf32, #tpu.memory_space<hbm>> -> memref<56x128xf32, #tpu.memory_space<hbm>>
        tpu.wait_dma2 semaphore(%arg11 : memref<!tpu.dma_semaphore, #tpu.memory_space<semaphore_mem>>) src(%dma_wait3A_766 : memref<56x128xf32, #tpu.memory_space<hbm>>) dst(%dma_wait3A_763 : memref<56x128xf32, #tpu.memory_space<vmem>>)
      } else {
      }
      %ge3A_733 = arith.constant 1 : i32
      %ge3A_734 = arith.cmpi sge, %add3A_688, %ge3A_733 : i32
      %convert_element_type3A_735 = arith.extui %ge3A_734 : i1 to i32
      %cond3A_736 = arith.constant 0 : i32
      %cond3A_737 = arith.cmpi ne, %convert_element_type3A_735, %cond3A_736 : i32
      scf.if %cond3A_737 {
        %dma_wait3A_755 = arith.constant 0 : i32
        %dma_wait3A_756 = arith.constant 0 : i32
        %dma_wait3A_757 = tpu.memref_slice %arg4[%dma_wait3A_755, %dma_wait3A_756] : memref<50176x384xf32, #tpu.memory_space<hbm>> -> memref<56x384xf32, #tpu.memory_space<hbm>>
        %dma_wait3A_758 = arith.constant 0 : i32
        %dma_wait3A_759 = arith.constant 0 : i32
        %dma_wait3A_760 = tpu.memref_slice %arg4[%dma_wait3A_758, %dma_wait3A_759] : memref<50176x384xf32, #tpu.memory_space<hbm>> -> memref<56x384xf32, #tpu.memory_space<hbm>>
        tpu.wait_dma2 semaphore(%arg13 : memref<!tpu.dma_semaphore, #tpu.memory_space<semaphore_mem>>) src(%arg9 : memref<56x384xf32, #tpu.memory_space<vmem>>) dst(%dma_wait3A_760 : memref<56x384xf32, #tpu.memory_space<hbm>>)
      } else {
      }
      %parallel_loop3A_738 = arith.constant 0 : i32
      %parallel_loop3A_739 = arith.constant 56 : i32
      %parallel_loop3A_740 = arith.constant 1 : i32
      scf.for %parallel_loop3A_755 = %parallel_loop3A_738 to %parallel_loop3A_739 step %parallel_loop3A_740  : i32 {
        %parallel_loop3A_756 = vector.broadcast %parallel_loop3A_755 : i32 to vector<16xi32>
        %parallel_loop3A_757 = tpu.vector_load_idx %arg7[%parallel_loop3A_756, %get3A_3] : memref<56x384xf32, #tpu.memory_space<vmem>>[vector<16xi32>, vector<16xi32>], vector<16xf32>,
        %parallel_loop3A_758 = arith.index_cast %parallel_loop3A_755 : i32 to index
        %parallel_loop3A_759 = arith.constant 0 : index
        %parallel_loop3A_760 = tpu.vector_load %arg9[%parallel_loop3A_758, %parallel_loop3A_759] {strides = array<i32>} : memref<56x384xf32, #tpu.memory_space<vmem>>, vector<16xf32>,
        tpu.vector_store %arg9[%parallel_loop3A_758, %parallel_loop3A_759], %parallel_loop3A_757 {strides = array<i32>} : memref<56x384xf32, #tpu.memory_space<vmem>>, vector<16xf32>,
        %parallel_loop3A_761 = tpu.vector_load_idx %arg7[%parallel_loop3A_756, %get3A_5] : memref<56x384xf32, #tpu.memory_space<vmem>>[vector<16xi32>, vector<16xi32>], vector<16xf32>,
        %parallel_loop3A_762 = arith.index_cast %parallel_loop3A_755 : i32 to index
        %parallel_loop3A_763 = arith.constant 16 : index
        %parallel_loop3A_764 = tpu.vector_load %arg9[%parallel_loop3A_762, %parallel_loop3A_763] {strides = array<i32>} : memref<56x384xf32, #tpu.memory_space<vmem>>, vector<16xf32>,
        tpu.vector_store %arg9[%parallel_loop3A_762, %parallel_loop3A_763], %parallel_loop3A_761 {strides = array<i32>} : memref<56x384xf32, #tpu.memory_space<vmem>>, vector<16xf32>,
        %parallel_loop3A_765 = tpu.vector_load_idx %arg7[%parallel_loop3A_756, %get3A_7] : memref<56x384xf32, #tpu.memory_space<vmem>>[vector<16xi32>, vector<16xi32>], vector<16xf32>,
        %parallel_loop3A_766 = arith.index_cast %parallel_loop3A_755 : i32 to index
        %parallel_loop3A_767 = arith.constant 32 : index
        %parallel_loop3A_768 = tpu.vector_load %arg9[%parallel_loop3A_766, %parallel_loop3A_767] {strides = array<i32>} : memref<56x384xf32, #tpu.memory_space<vmem>>, vector<16xf32>,
        tpu.vector_store %arg9[%parallel_loop3A_766, %parallel_loop3A_767], %parallel_loop3A_765 {strides = array<i32>} : memref<56x384xf32, #tpu.memory_space<vmem>>, vector<16xf32>,
        %parallel_loop3A_769 = tpu.vector_load_idx %arg7[%parallel_loop3A_756, %get3A_9] : memref<56x384xf32, #tpu.memory_space<vmem>>[vector<16xi32>, vector<16xi32>], vector<16xf32>,
        %parallel_loop3A_770 = arith.index_cast %parallel_loop3A_755 : i32 to index
        %parallel_loop3A_771 = arith.constant 48 : index
        %parallel_loop3A_772 = tpu.vector_load %arg9[%parallel_loop3A_770, %parallel_loop3A_771] {strides = array<i32>} : memref<56x384xf32, #tpu.memory_space<vmem>>, vector<16xf32>,
        tpu.vector_store %arg9[%parallel_loop3A_770, %parallel_loop3A_771], %parallel_loop3A_769 {strides = array<i32>} : memref<56x384xf32, #tpu.memory_space<vmem>>, vector<16xf32>,
        %parallel_loop3A_773 = tpu.vector_load_idx %arg7[%parallel_loop3A_756, %get3A_11] : memref<56x384xf32, #tpu.memory_space<vmem>>[vector<16xi32>, vector<16xi32>], vector<16xf32>,
        %parallel_loop3A_774 = arith.index_cast %parallel_loop3A_755 : i32 to index
        %parallel_loop3A_775 = arith.constant 64 : index
        %parallel_loop3A_776 = tpu.vector_load %arg9[%parallel_loop3A_774, %parallel_loop3A_775] {strides = array<i32>} : memref<56x384xf32, #tpu.memory_space<vmem>>, vector<16xf32>,
        tpu.vector_store %arg9[%parallel_loop3A_774, %parallel_loop3A_775], %parallel_loop3A_773 {strides = array<i32>} : memref<56x384xf32, #tpu.memory_space<vmem>>, vector<16xf32>,
        %parallel_loop3A_777 = tpu.vector_load_idx %arg7[%parallel_loop3A_756, %get3A_13] : memref<56x384xf32, #tpu.memory_space<vmem>>[vector<16xi32>, vector<16xi32>], vector<16xf32>,
        %parallel_loop3A_778 = arith.index_cast %parallel_loop3A_755 : i32 to index
        %parallel_loop3A_779 = arith.constant 80 : index
        %parallel_loop3A_780 = tpu.vector_load %arg9[%parallel_loop3A_778, %parallel_loop3A_779] {strides = array<i32>} : memref<56x384xf32, #tpu.memory_space<vmem>>, vector<16xf32>,
        tpu.vector_store %arg9[%parallel_loop3A_778, %parallel_loop3A_779], %parallel_loop3A_777 {strides = array<i32>} : memref<56x384xf32, #tpu.memory_space<vmem>>, vector<16xf32>,
        %parallel_loop3A_781 = tpu.vector_load_idx %arg7[%parallel_loop3A_756, %get3A_15] : memref<56x384xf32, #tpu.memory_space<vmem>>[vector<16xi32>, vector<16xi32>], vector<16xf32>,
        %parallel_loop3A_782 = arith.index_cast %parallel_loop3A_755 : i32 to index
        %parallel_loop3A_783 = arith.constant 96 : index
        %parallel_loop3A_784 = tpu.vector_load %arg9[%parallel_loop3A_782, %parallel_loop3A_783] {strides = array<i32>} : memref<56x384xf32, #tpu.memory_space<vmem>>, vector<16xf32>,
        tpu.vector_store %arg9[%parallel_loop3A_782, %parallel_loop3A_783], %parallel_loop3A_781 {strides = array<i32>} : memref<56x384xf32, #tpu.memory_space<vmem>>, vector<16xf32>,
        %parallel_loop3A_785 = tpu.vector_load_idx %arg7[%parallel_loop3A_756, %get3A_17] : memref<56x384xf32, #tpu.memory_space<vmem>>[vector<16xi32>, vector<16xi32>], vector<16xf32>,
        %parallel_loop3A_786 = arith.index_cast %parallel_loop3A_755 : i32 to index
        %parallel_loop3A_787 = arith.constant 112 : index
        %parallel_loop3A_788 = tpu.vector_load %arg9[%parallel_loop3A_786, %parallel_loop3A_787] {strides = array<i32>} : memref<56x384xf32, #tpu.memory_space<vmem>>, vector<16xf32>,
        tpu.vector_store %arg9[%parallel_loop3A_786, %parallel_loop3A_787], %parallel_loop3A_785 {strides = array<i32>} : memref<56x384xf32, #tpu.memory_space<vmem>>, vector<16xf32>,
        %parallel_loop3A_789 = tpu.vector_load_idx %arg7[%parallel_loop3A_756, %get3A_19] : memref<56x384xf32, #tpu.memory_space<vmem>>[vector<16xi32>, vector<16xi32>], vector<16xf32>,
        %parallel_loop3A_790 = arith.index_cast %parallel_loop3A_755 : i32 to index
        %parallel_loop3A_791 = arith.constant 128 : index
        %parallel_loop3A_792 = tpu.vector_load %arg9[%parallel_loop3A_790, %parallel_loop3A_791] {strides = array<i32>} : memref<56x384xf32, #tpu.memory_space<vmem>>, vector<16xf32>,
        tpu.vector_store %arg9[%parallel_loop3A_790, %parallel_loop3A_791], %parallel_loop3A_789 {strides = array<i32>} : memref<56x384xf32, #tpu.memory_space<vmem>>, vector<16xf32>,
        %parallel_loop3A_793 = tpu.vector_load_idx %arg7[%parallel_loop3A_756, %get3A_21] : memref<56x384xf32, #tpu.memory_space<vmem>>[vector<16xi32>, vector<16xi32>], vector<16xf32>,
        %parallel_loop3A_794 = arith.index_cast %parallel_loop3A_755 : i32 to index
        %parallel_loop3A_795 = arith.constant 144 : index
        %parallel_loop3A_796 = tpu.vector_load %arg9[%parallel_loop3A_794, %parallel_loop3A_795] {strides = array<i32>} : memref<56x384xf32, #tpu.memory_space<vmem>>, vector<16xf32>,
        tpu.vector_store %arg9[%parallel_loop3A_794, %parallel_loop3A_795], %parallel_loop3A_793 {strides = array<i32>} : memref<56x384xf32, #tpu.memory_space<vmem>>, vector<16xf32>,
        %parallel_loop3A_797 = tpu.vector_load_idx %arg7[%parallel_loop3A_756, %get3A_23] : memref<56x384xf32, #tpu.memory_space<vmem>>[vector<16xi32>, vector<16xi32>], vector<16xf32>,
        %parallel_loop3A_798 = arith.index_cast %parallel_loop3A_755 : i32 to index
        %parallel_loop3A_799 = arith.constant 160 : index
        %parallel_loop3A_800 = tpu.vector_load %arg9[%parallel_loop3A_798, %parallel_loop3A_799] {strides = array<i32>} : memref<56x384xf32, #tpu.memory_space<vmem>>, vector<16xf32>,
        tpu.vector_store %arg9[%parallel_loop3A_798, %parallel_loop3A_799], %parallel_loop3A_797 {strides = array<i32>} : memref<56x384xf32, #tpu.memory_space<vmem>>, vector<16xf32>,
        %parallel_loop3A_801 = tpu.vector_load_idx %arg7[%parallel_loop3A_756, %get3A_25] : memref<56x384xf32, #tpu.memory_space<vmem>>[vector<16xi32>, vector<16xi32>], vector<16xf32>,
        %parallel_loop3A_802 = arith.index_cast %parallel_loop3A_755 : i32 to index
        %parallel_loop3A_803 = arith.constant 176 : index
        %parallel_loop3A_804 = tpu.vector_load %arg9[%parallel_loop3A_802, %parallel_loop3A_803] {strides = array<i32>} : memref<56x384xf32, #tpu.memory_space<vmem>>, vector<16xf32>,
        tpu.vector_store %arg9[%parallel_loop3A_802, %parallel_loop3A_803], %parallel_loop3A_801 {strides = array<i32>} : memref<56x384xf32, #tpu.memory_space<vmem>>, vector<16xf32>,
        %parallel_loop3A_805 = tpu.vector_load_idx %arg7[%parallel_loop3A_756, %get3A_27] : memref<56x384xf32, #tpu.memory_space<vmem>>[vector<16xi32>, vector<16xi32>], vector<16xf32>,
        %parallel_loop3A_806 = arith.index_cast %parallel_loop3A_755 : i32 to index
        %parallel_loop3A_807 = arith.constant 192 : index
        %parallel_loop3A_808 = tpu.vector_load %arg9[%parallel_loop3A_806, %parallel_loop3A_807] {strides = array<i32>} : memref<56x384xf32, #tpu.memory_space<vmem>>, vector<16xf32>,
        tpu.vector_store %arg9[%parallel_loop3A_806, %parallel_loop3A_807], %parallel_loop3A_805 {strides = array<i32>} : memref<56x384xf32, #tpu.memory_space<vmem>>, vector<16xf32>,
        %parallel_loop3A_809 = tpu.vector_load_idx %arg7[%parallel_loop3A_756, %get3A_29] : memref<56x384xf32, #tpu.memory_space<vmem>>[vector<16xi32>, vector<16xi32>], vector<16xf32>,
        %parallel_loop3A_810 = arith.index_cast %parallel_loop3A_755 : i32 to index
        %parallel_loop3A_811 = arith.constant 208 : index
        %parallel_loop3A_812 = tpu.vector_load %arg9[%parallel_loop3A_810, %parallel_loop3A_811] {strides = array<i32>} : memref<56x384xf32, #tpu.memory_space<vmem>>, vector<16xf32>,
        tpu.vector_store %arg9[%parallel_loop3A_810, %parallel_loop3A_811], %parallel_loop3A_809 {strides = array<i32>} : memref<56x384xf32, #tpu.memory_space<vmem>>, vector<16xf32>,
        %parallel_loop3A_813 = tpu.vector_load_idx %arg7[%parallel_loop3A_756, %get3A_31] : memref<56x384xf32, #tpu.memory_space<vmem>>[vector<16xi32>, vector<16xi32>], vector<16xf32>,
        %parallel_loop3A_814 = arith.index_cast %parallel_loop3A_755 : i32 to index
        %parallel_loop3A_815 = arith.constant 224 : index
        %parallel_loop3A_816 = tpu.vector_load %arg9[%parallel_loop3A_814, %parallel_loop3A_815] {strides = array<i32>} : memref<56x384xf32, #tpu.memory_space<vmem>>, vector<16xf32>,
        tpu.vector_store %arg9[%parallel_loop3A_814, %parallel_loop3A_815], %parallel_loop3A_813 {strides = array<i32>} : memref<56x384xf32, #tpu.memory_space<vmem>>, vector<16xf32>,
        %parallel_loop3A_817 = tpu.vector_load_idx %arg7[%parallel_loop3A_756, %get3A_33] : memref<56x384xf32, #tpu.memory_space<vmem>>[vector<16xi32>, vector<16xi32>], vector<16xf32>,
        %parallel_loop3A_818 = arith.index_cast %parallel_loop3A_755 : i32 to index
        %parallel_loop3A_819 = arith.constant 240 : index
        %parallel_loop3A_820 = tpu.vector_load %arg9[%parallel_loop3A_818, %parallel_loop3A_819] {strides = array<i32>} : memref<56x384xf32, #tpu.memory_space<vmem>>, vector<16xf32>,
        tpu.vector_store %arg9[%parallel_loop3A_818, %parallel_loop3A_819], %parallel_loop3A_817 {strides = array<i32>} : memref<56x384xf32, #tpu.memory_space<vmem>>, vector<16xf32>,
        %parallel_loop3A_821 = tpu.vector_load_idx %arg7[%parallel_loop3A_756, %get3A_35] : memref<56x384xf32, #tpu.memory_space<vmem>>[vector<16xi32>, vector<16xi32>], vector<16xf32>,
        %parallel_loop3A_822 = arith.index_cast %parallel_loop3A_755 : i32 to index
        %parallel_loop3A_823 = arith.constant 256 : index
        %parallel_loop3A_824 = tpu.vector_load %arg9[%parallel_loop3A_822, %parallel_loop3A_823] {strides = array<i32>} : memref<56x384xf32, #tpu.memory_space<vmem>>, vector<16xf32>,
        tpu.vector_store %arg9[%parallel_loop3A_822, %parallel_loop3A_823], %parallel_loop3A_821 {strides = array<i32>} : memref<56x384xf32, #tpu.memory_space<vmem>>, vector<16xf32>,
        %parallel_loop3A_825 = tpu.vector_load_idx %arg7[%parallel_loop3A_756, %get3A_37] : memref<56x384xf32, #tpu.memory_space<vmem>>[vector<16xi32>, vector<16xi32>], vector<16xf32>,
        %parallel_loop3A_826 = arith.index_cast %parallel_loop3A_755 : i32 to index
        %parallel_loop3A_827 = arith.constant 272 : index
        %parallel_loop3A_828 = tpu.vector_load %arg9[%parallel_loop3A_826, %parallel_loop3A_827] {strides = array<i32>} : memref<56x384xf32, #tpu.memory_space<vmem>>, vector<16xf32>,
        tpu.vector_store %arg9[%parallel_loop3A_826, %parallel_loop3A_827], %parallel_loop3A_825 {strides = array<i32>} : memref<56x384xf32, #tpu.memory_space<vmem>>, vector<16xf32>,
        %parallel_loop3A_829 = tpu.vector_load_idx %arg7[%parallel_loop3A_756, %get3A_39] : memref<56x384xf32, #tpu.memory_space<vmem>>[vector<16xi32>, vector<16xi32>], vector<16xf32>,
        %parallel_loop3A_830 = arith.index_cast %parallel_loop3A_755 : i32 to index
        %parallel_loop3A_831 = arith.constant 288 : index
        %parallel_loop3A_832 = tpu.vector_load %arg9[%parallel_loop3A_830, %parallel_loop3A_831] {strides = array<i32>} : memref<56x384xf32, #tpu.memory_space<vmem>>, vector<16xf32>,
        tpu.vector_store %arg9[%parallel_loop3A_830, %parallel_loop3A_831], %parallel_loop3A_829 {strides = array<i32>} : memref<56x384xf32, #tpu.memory_space<vmem>>, vector<16xf32>,
        %parallel_loop3A_833 = tpu.vector_load_idx %arg7[%parallel_loop3A_756, %get3A_41] : memref<56x384xf32, #tpu.memory_space<vmem>>[vector<16xi32>, vector<16xi32>], vector<16xf32>,
        %parallel_loop3A_834 = arith.index_cast %parallel_loop3A_755 : i32 to index
        %parallel_loop3A_835 = arith.constant 304 : index
        %parallel_loop3A_836 = tpu.vector_load %arg9[%parallel_loop3A_834, %parallel_loop3A_835] {strides = array<i32>} : memref<56x384xf32, #tpu.memory_space<vmem>>, vector<16xf32>,
        tpu.vector_store %arg9[%parallel_loop3A_834, %parallel_loop3A_835], %parallel_loop3A_833 {strides = array<i32>} : memref<56x384xf32, #tpu.memory_space<vmem>>, vector<16xf32>,
        %parallel_loop3A_837 = tpu.vector_load_idx %arg7[%parallel_loop3A_756, %get3A_43] : memref<56x384xf32, #tpu.memory_space<vmem>>[vector<16xi32>, vector<16xi32>], vector<16xf32>,
        %parallel_loop3A_838 = arith.index_cast %parallel_loop3A_755 : i32 to index
        %parallel_loop3A_839 = arith.constant 320 : index
        %parallel_loop3A_840 = tpu.vector_load %arg9[%parallel_loop3A_838, %parallel_loop3A_839] {strides = array<i32>} : memref<56x384xf32, #tpu.memory_space<vmem>>, vector<16xf32>,
        tpu.vector_store %arg9[%parallel_loop3A_838, %parallel_loop3A_839], %parallel_loop3A_837 {strides = array<i32>} : memref<56x384xf32, #tpu.memory_space<vmem>>, vector<16xf32>,
        %parallel_loop3A_841 = tpu.vector_load_idx %arg7[%parallel_loop3A_756, %get3A_45] : memref<56x384xf32, #tpu.memory_space<vmem>>[vector<16xi32>, vector<16xi32>], vector<16xf32>,
        %parallel_loop3A_842 = arith.index_cast %parallel_loop3A_755 : i32 to index
        %parallel_loop3A_843 = arith.constant 336 : index
        %parallel_loop3A_844 = tpu.vector_load %arg9[%parallel_loop3A_842, %parallel_loop3A_843] {strides = array<i32>} : memref<56x384xf32, #tpu.memory_space<vmem>>, vector<16xf32>,
        tpu.vector_store %arg9[%parallel_loop3A_842, %parallel_loop3A_843], %parallel_loop3A_841 {strides = array<i32>} : memref<56x384xf32, #tpu.memory_space<vmem>>, vector<16xf32>,
        %parallel_loop3A_845 = tpu.vector_load_idx %arg7[%parallel_loop3A_756, %get3A_47] : memref<56x384xf32, #tpu.memory_space<vmem>>[vector<16xi32>, vector<16xi32>], vector<16xf32>,
        %parallel_loop3A_846 = arith.index_cast %parallel_loop3A_755 : i32 to index
        %parallel_loop3A_847 = arith.constant 352 : index
        %parallel_loop3A_848 = tpu.vector_load %arg9[%parallel_loop3A_846, %parallel_loop3A_847] {strides = array<i32>} : memref<56x384xf32, #tpu.memory_space<vmem>>, vector<16xf32>,
        tpu.vector_store %arg9[%parallel_loop3A_846, %parallel_loop3A_847], %parallel_loop3A_845 {strides = array<i32>} : memref<56x384xf32, #tpu.memory_space<vmem>>, vector<16xf32>,
        %parallel_loop3A_849 = tpu.vector_load_idx %arg7[%parallel_loop3A_756, %get3A_49] : memref<56x384xf32, #tpu.memory_space<vmem>>[vector<16xi32>, vector<16xi32>], vector<16xf32>,
        %parallel_loop3A_850 = arith.index_cast %parallel_loop3A_755 : i32 to index
        %parallel_loop3A_851 = arith.constant 368 : index
        %parallel_loop3A_852 = tpu.vector_load %arg9[%parallel_loop3A_850, %parallel_loop3A_851] {strides = array<i32>} : memref<56x384xf32, #tpu.memory_space<vmem>>, vector<16xf32>,
        tpu.vector_store %arg9[%parallel_loop3A_850, %parallel_loop3A_851], %parallel_loop3A_849 {strides = array<i32>} : memref<56x384xf32, #tpu.memory_space<vmem>>, vector<16xf32>,
      } {sc.loop_unroll_factor = 2 : i64, sc.parallel_access}
      %mul3A_741 = arith.constant 56 : i32
      %mul3A_742 = arith.muli %add3A_723, %mul3A_741 : i32
      %add3A_743 = arith.addi %mul3A_2, %mul3A_742 : i32
      %dma_start3A_744 = arith.constant 0 : i32
      %dma_start3A_745 = tpu.memref_slice %arg4[%add3A_743, %dma_start3A_744] : memref<50176x384xf32, #tpu.memory_space<hbm>> -> memref<56x384xf32, #tpu.memory_space<hbm>>
      %dma_start3A_746 = arith.constant 0 : i32
      %dma_start3A_747 = tpu.memref_slice %arg4[%add3A_743, %dma_start3A_746] : memref<50176x384xf32, #tpu.memory_space<hbm>> -> memref<56x384xf32, #tpu.memory_space<hbm>>
      tpu.enqueue_dma source(%arg9 : memref<56x384xf32, #tpu.memory_space<vmem>>) target(%dma_start3A_747 : memref<56x384xf32, #tpu.memory_space<hbm>>) target_semaphore(%arg13 : memref<!tpu.dma_semaphore, #tpu.memory_space<semaphore_mem>>)
      %add3A_748 = arith.constant 2 : i32
      %add3A_749 = arith.addi %add3A_723, %add3A_748 : i32
      %lt3A_750 = arith.constant 28 : i32
      %lt3A_751 = arith.cmpi slt, %add3A_749, %lt3A_750 : i32
      %convert_element_type3A_752 = arith.extui %lt3A_751 : i1 to i32
      %cond3A_753 = arith.constant 0 : i32
      %cond3A_754 = arith.cmpi ne, %convert_element_type3A_752, %cond3A_753 : i32
      scf.if %cond3A_754 {
        %add3A_755 = arith.constant 2 : i32
        %add3A_756 = arith.addi %add3A_723, %add3A_755 : i32
        %convert_element_type3A_757 = arith.extui %gt3A_248 : i1 to i32
        %cond3A_758 = arith.constant 0 : i32
        %cond3A_759 = arith.cmpi ne, %convert_element_type3A_757, %cond3A_758 : i32
        scf.if %cond3A_759 {
          %mul3A_766 = arith.constant 56 : i32
          %mul3A_767 = arith.muli %add3A_756, %mul3A_766 : i32
          %add3A_768 = arith.addi %mul3A_2, %mul3A_767 : i32
          %dma_start3A_769 = arith.constant 0 : i32
          %dma_start3A_770 = arith.constant 0 : i32
          %dma_start3A_771 = tpu.memref_slice %arg7[%dma_start3A_769, %dma_start3A_770] : memref<56x384xf32, #tpu.memory_space<vmem>> -> memref<56x128xf32, #tpu.memory_space<vmem>>
          %dma_start3A_772 = arith.constant 0 : i32
          %dma_start3A_773 = tpu.memref_slice %arg2[%add3A_768, %dma_start3A_772] : memref<50176x384xf32, #tpu.memory_space<hbm>> -> memref<56x128xf32, #tpu.memory_space<hbm>>
          %dma_start3A_774 = arith.constant 0 : i32
          %dma_start3A_775 = arith.constant 0 : i32
          %dma_start3A_776 = tpu.memref_slice %arg7[%dma_start3A_774, %dma_start3A_775] : memref<56x384xf32, #tpu.memory_space<vmem>> -> memref<56x128xf32, #tpu.memory_space<vmem>>
          %dma_start3A_777 = arith.constant 0 : i32
          %dma_start3A_778 = tpu.memref_slice %arg2[%add3A_768, %dma_start3A_777] : memref<50176x384xf32, #tpu.memory_space<hbm>> -> memref<56x128xf32, #tpu.memory_space<hbm>>
          tpu.enqueue_dma source(%dma_start3A_778 : memref<56x128xf32, #tpu.memory_space<hbm>>) target(%dma_start3A_776 : memref<56x128xf32, #tpu.memory_space<vmem>>) target_semaphore(%arg11 : memref<!tpu.dma_semaphore, #tpu.memory_space<semaphore_mem>>)
        } else {
        }
        %convert_element_type3A_760 = arith.extui %gt3A_450 : i1 to i32
        %cond3A_761 = arith.constant 0 : i32
        %cond3A_762 = arith.cmpi ne, %convert_element_type3A_760, %cond3A_761 : i32
        scf.if %cond3A_762 {
          %mul3A_766 = arith.constant 56 : i32
          %mul3A_767 = arith.muli %add3A_756, %mul3A_766 : i32
          %add3A_768 = arith.addi %mul3A_2, %mul3A_767 : i32
          %dma_start3A_769 = arith.constant 0 : i32
          %dma_start3A_770 = arith.constant 128 : i32
          %dma_start3A_771 = tpu.memref_slice %arg7[%dma_start3A_769, %dma_start3A_770] : memref<56x384xf32, #tpu.memory_space<vmem>> -> memref<56x128xf32, #tpu.memory_space<vmem>>
          %dma_start3A_772 = arith.constant 128 : i32
          %dma_start3A_773 = tpu.memref_slice %arg2[%add3A_768, %dma_start3A_772] : memref<50176x384xf32, #tpu.memory_space<hbm>> -> memref<56x128xf32, #tpu.memory_space<hbm>>
          %dma_start3A_774 = arith.constant 0 : i32
          %dma_start3A_775 = arith.constant 128 : i32
          %dma_start3A_776 = tpu.memref_slice %arg7[%dma_start3A_774, %dma_start3A_775] : memref<56x384xf32, #tpu.memory_space<vmem>> -> memref<56x128xf32, #tpu.memory_space<vmem>>
          %dma_start3A_777 = arith.constant 128 : i32
          %dma_start3A_778 = tpu.memref_slice %arg2[%add3A_768, %dma_start3A_777] : memref<50176x384xf32, #tpu.memory_space<hbm>> -> memref<56x128xf32, #tpu.memory_space<hbm>>
          tpu.enqueue_dma source(%dma_start3A_778 : memref<56x128xf32, #tpu.memory_space<hbm>>) target(%dma_start3A_776 : memref<56x128xf32, #tpu.memory_space<vmem>>) target_semaphore(%arg11 : memref<!tpu.dma_semaphore, #tpu.memory_space<semaphore_mem>>)
        } else {
        }
        %convert_element_type3A_763 = arith.extui %gt3A_652 : i1 to i32
        %cond3A_764 = arith.constant 0 : i32
        %cond3A_765 = arith.cmpi ne, %convert_element_type3A_763, %cond3A_764 : i32
        scf.if %cond3A_765 {
          %mul3A_766 = arith.constant 56 : i32
          %mul3A_767 = arith.muli %add3A_756, %mul3A_766 : i32
          %add3A_768 = arith.addi %mul3A_2, %mul3A_767 : i32
          %dma_start3A_769 = arith.constant 0 : i32
          %dma_start3A_770 = arith.constant 256 : i32
          %dma_start3A_771 = tpu.memref_slice %arg7[%dma_start3A_769, %dma_start3A_770] : memref<56x384xf32, #tpu.memory_space<vmem>> -> memref<56x128xf32, #tpu.memory_space<vmem>>
          %dma_start3A_772 = arith.constant 256 : i32
          %dma_start3A_773 = tpu.memref_slice %arg2[%add3A_768, %dma_start3A_772] : memref<50176x384xf32, #tpu.memory_space<hbm>> -> memref<56x128xf32, #tpu.memory_space<hbm>>
          %dma_start3A_774 = arith.constant 0 : i32
          %dma_start3A_775 = arith.constant 256 : i32
          %dma_start3A_776 = tpu.memref_slice %arg7[%dma_start3A_774, %dma_start3A_775] : memref<56x384xf32, #tpu.memory_space<vmem>> -> memref<56x128xf32, #tpu.memory_space<vmem>>
          %dma_start3A_777 = arith.constant 256 : i32
          %dma_start3A_778 = tpu.memref_slice %arg2[%add3A_768, %dma_start3A_777] : memref<50176x384xf32, #tpu.memory_space<hbm>> -> memref<56x128xf32, #tpu.memory_space<hbm>>
          tpu.enqueue_dma source(%dma_start3A_778 : memref<56x128xf32, #tpu.memory_space<hbm>>) target(%dma_start3A_776 : memref<56x128xf32, #tpu.memory_space<vmem>>) target_semaphore(%arg11 : memref<!tpu.dma_semaphore, #tpu.memory_space<semaphore_mem>>)
        } else {
        }
      } else {
      }
    }
    %scan3A_672 = arith.constant 14 : i32
    %dma_wait3A = arith.constant 0 : i32
    %dma_wait3A_673 = arith.constant 0 : i32
    %dma_wait3A_674 = tpu.memref_slice %arg4[%dma_wait3A, %dma_wait3A_673] : memref<50176x384xf32, #tpu.memory_space<hbm>> -> memref<56x384xf32, #tpu.memory_space<hbm>>
    %dma_wait3A_675 = arith.constant 0 : i32
    %dma_wait3A_676 = arith.constant 0 : i32
    %dma_wait3A_677 = tpu.memref_slice %arg4[%dma_wait3A_675, %dma_wait3A_676] : memref<50176x384xf32, #tpu.memory_space<hbm>> -> memref<56x384xf32, #tpu.memory_space<hbm>>
    tpu.wait_dma2 semaphore(%arg12 : memref<!tpu.dma_semaphore, #tpu.memory_space<semaphore_mem>>) src(%arg8 : memref<56x384xf32, #tpu.memory_space<vmem>>) dst(%dma_wait3A_677 : memref<56x384xf32, #tpu.memory_space<hbm>>)
    %dma_wait3A_678 = arith.constant 0 : i32
    %dma_wait3A_679 = arith.constant 0 : i32
    %dma_wait3A_680 = tpu.memref_slice %arg4[%dma_wait3A_678, %dma_wait3A_679] : memref<50176x384xf32, #tpu.memory_space<hbm>> -> memref<56x384xf32, #tpu.memory_space<hbm>>
    %dma_wait3A_681 = arith.constant 0 : i32
    %dma_wait3A_682 = arith.constant 0 : i32
    %dma_wait3A_683 = tpu.memref_slice %arg4[%dma_wait3A_681, %dma_wait3A_682] : memref<50176x384xf32, #tpu.memory_space<hbm>> -> memref<56x384xf32, #tpu.memory_space<hbm>>
    tpu.wait_dma2 semaphore(%arg13 : memref<!tpu.dma_semaphore, #tpu.memory_space<semaphore_mem>>) src(%arg9 : memref<56x384xf32, #tpu.memory_space<vmem>>) dst(%dma_wait3A_683 : memref<56x384xf32, #tpu.memory_space<hbm>>)
    return
  }
}

</mosaic_0001>

<sc_bundles>
// kernel: kernel.3.cloned.1.call-start
scs
__scs_entry_jumppad:
0x0: {  	(pc) =	sbr.rel $0x88, $3  }
0x1: {  	(tag) =	ssettag $0x0;
	lr =	simm.s32 $0x1  }
0x2: {  	[smem:$0x3F9F] =	sst lr;
	_ =	strace $0xD0000000  }
0x3: {  	_ = 	snop  }
0x4: {  	_ = 	snop  }
0x5: {  	_ = 	snop  }
0x6: {  	_ = 	snop  }
0x7: {  	_ = 	snop  }
__scs_overlays_trampoline_lowered:
0x8: {  	[smem:$0x3FAE] =	sst s0  }
0x9: {  	[smem:$0x3FAF] =	sst s1  }
0xa: {  	[smem:$0x3FB0] =	sst s2  }
0xb: {  	[smem:$0x3FB1] =	sst s3  }
0xc: {  	[smem:$0x3FB2] =	sst s4  }
0xd: {  	[smem:$0x3FB3] =	sst s5  }
0xe: {  	[smem:$0x3FB4] =	sst s6  }
0xf: {  	[smem:$0x3FB5] =	sst s7  }
0x10: {  	[smem:$0x3FB6] =	sst s8  }
0x11: {  	[smem:$0x3FB7] =	sst s9;
	s0 =	simm.s32 @!p0 $0x0  }
0x12: {  	s1 =	sld [smem:$0x3F9D];
	s0 =	simm.s32 @p0 $0x1  }
0x13: {  	[smem:$0x3FB8] =	sst s0;
	s0 =	simm.s32 @!p1 $0x0  }
0x14: {  	s2 =	sld [smem:$0x3F9C];
	s0 =	simm.s32 @p1 $0x1  }
0x15: {  	[smem:$0x3FB9] =	sst s0;
	s0 =	simm.s32 @!p2 $0x0  }
0x16: {  	s3 =	sld [smem:$0x3FDB];
	s0 =	simm.s32 @p2 $0x1  }
0x17: {  	s4 =	simm.s32 $0x1BF5;
	[smem:$0x3FBB] =	sst s0  }
0x18: {  	s0 =	sld [smem:$0x3F9E];
	_ =	swait.ge [sflag:s4], $0x0  }
0x19: {  	s7 =	sld [smem:$0x3F9F]  }
0x1a: {  	s8 =	sadd.s32 $0xFFFFE003, lr  }
0x1b: {  	s9 =	sadd.s32 $0xFFFFFEF7, lr;
	s5 =	simm.s32 $0xFFFFFFFF;
	p2 =	slt.u32 s8, $0xFFFFF086  }
0x1c: {  	p1 =	slt.u32 s9, $0xF7A;
	s5 =	simm.s32 @!p2 $0x0  }
0x1d: {  	s5 =	simm.s32 @p1 $0x1;
	p0 =	seq.s32 s7, s2  }
0x1e: {  	s7 =	smul.u32 @!p0 $0xF7A, s2;
	p2 =	seq.s32 @!p0 s5, $0x0  }
0x1f: {  	s9 =	smul.u32 $0xF7A, s1;
	s8 =	simm.s32 @!p0 $0x1BF5;
	p2 =	por !p2, p0  }
0x20: {  	[sflag:s8] =	ssyncset.s32 @!p0 $0xFFFFF086;
	s6 =	sadd.s32 @!p0 s3, s7;
	s7 =	simm.s32 @!p0 $0x108  }
0x21: {  	s3 =	sadd.s32 s3, s9;
	s6 =	sadd.s32 @!p0 $0x88, s6;
	s7 =	simm.s32 @p2 $0x1082  }
0x22: {  	[simem:s7], [sflag:s8] =	dma.local @!p0 [hbm:s6], $0xF7A  }
0x23: {  	s9 =	sor.u32 $0xD0000000, s2;
	s6 =	simm.s32 $0x108;
	_ =	swait.ge @!p0 [sflag:s8], $0x0  }
0x24: {  	s3 =	sadd.s32 $0x88, s3;
	s6 =	simm.s32 @!p1 $0x1082;
	[sflag:s4] =	ssyncset.s32 $0xFFFFF086  }
0x25: {  	[simem:s6], [sflag:s4] =	dma.local [hbm:s3], $0xF7A  }
0x26: {  	[smem:$0x3F9F] =	sst s1;
	(tag) =	ssettag s2;
	_ =	strace s9  }
0x27: {  	s1 =	sld [smem:$0x3FAF]  }
0x28: {  	s2 =	sld [smem:$0x3FB0]  }
0x29: {  	s4 =	sld [smem:$0x3FB2]  }
0x2a: {  	p0 =	seq.s32 s5, $0x0;
	s5 =	sld [smem:$0x3FB3]  }
0x2b: {  	s6 =	sld [smem:$0x3FB4]  }
0x2c: {  	s7 =	sld [smem:$0x3FB5]  }
0x2d: {  	s3 =	simm.s32 $0x108;
	s8 =	sld [smem:$0x3FB6]  }
0x2e: {  	s3 =	simm.s32 @!p0 $0x1082;
	s9 =	sld [smem:$0x3FB7]  }
0x2f: {  	lr =	sadd.s32 s0, s3;
	s0 =	sld [smem:$0x3FAE]  }
0x30: {  	s3 =	sld [smem:$0x3FB1]  }
0x31: {  	[smem:$0x3FBA] =	sst s10  }
0x32: {  	s10 =	sld [smem:$0x3FB8];
	_ =	sdelay $0x3  }
0x33: {  	p0 =	seq.s32 s10, $0x1;
	s10 =	sld [smem:$0x3FBA];
	_ =	sdelay $0x3  }
0x34: {  	[smem:$0x3FBA] =	sst s10  }
0x35: {  	s10 =	sld [smem:$0x3FB9];
	_ =	sdelay $0x3  }
0x36: {  	p1 =	seq.s32 s10, $0x1;
	s10 =	sld [smem:$0x3FBA];
	_ =	sdelay $0x3  }
0x37: {  	[smem:$0x3FBA] =	sst s10  }
0x38: {  	s10 =	sld [smem:$0x3FBB]  }
0x39: {  	_ = 	snop;
	(pc) =	sbr.ind lr, $3  }
0x3a: {  	_ = 	snop  }
0x3b: {  	_ = 	snop  }
0x3c: {  	p2 =	seq.s32 s10, $0x1;
	s10 =	sld [smem:$0x3FBA]  }
0x3d: {  	_ =	shalt  }
0x3e: {  	_ =	shalt  }
0x3f: {  	_ =	shalt  }
0x40: {  	_ =	shalt  }
0x41: {  	_ =	shalt  }
0x42: {  	_ =	shalt  }
0x43: {  	_ =	shalt  }
0x44: {  	_ =	shalt  }
0x45: {  	_ =	shalt  }
0x46: {  	_ =	shalt  }
0x47: {  	_ =	shalt  }
0x48: {  	_ =	shalt  }
0x49: {  	_ =	shalt  }
0x4a: {  	_ =	shalt  }
0x4b: {  	_ =	shalt  }
0x4c: {  	_ =	shalt  }
0x4d: {  	_ =	shalt  }
0x4e: {  	_ =	shalt  }
0x4f: {  	_ =	shalt  }
0x50: {  	_ =	shalt  }
0x51: {  	_ =	shalt  }
0x52: {  	_ =	shalt  }
0x53: {  	_ =	shalt  }
0x54: {  	_ =	shalt  }
0x55: {  	_ =	shalt  }
0x56: {  	_ =	shalt  }
0x57: {  	_ =	shalt  }
0x58: {  	_ =	shalt  }
0x59: {  	_ =	shalt  }
0x5a: {  	_ =	shalt  }
0x5b: {  	_ =	shalt  }
0x5c: {  	_ =	shalt  }
0x5d: {  	_ =	shalt  }
0x5e: {  	_ =	shalt  }
0x5f: {  	_ =	shalt  }
0x60: {  	_ =	shalt  }
0x61: {  	_ =	shalt  }
0x62: {  	_ =	shalt  }
0x63: {  	_ =	shalt  }
0x64: {  	_ =	shalt  }
0x65: {  	_ =	shalt  }
0x66: {  	_ =	shalt  }
0x67: {  	_ =	shalt  }
0x68: {  	_ =	shalt  }
0x69: {  	_ =	shalt  }
0x6a: {  	_ =	shalt  }
0x6b: {  	_ =	shalt  }
0x6c: {  	_ =	shalt  }
0x6d: {  	_ =	shalt  }
0x6e: {  	_ =	shalt  }
0x6f: {  	_ =	shalt  }
0x70: {  	_ =	shalt  }
0x71: {  	_ =	shalt  }
0x72: {  	_ =	shalt  }
0x73: {  	_ =	shalt  }
0x74: {  	_ =	shalt  }
0x75: {  	_ =	shalt  }
0x76: {  	_ =	shalt  }
0x77: {  	_ =	shalt  }
0x78: {  	_ =	shalt  }
0x79: {  	_ =	shalt  }
0x7a: {  	_ =	shalt  }
0x7b: {  	_ =	shalt  }
0x7c: {  	_ =	shalt  }
0x7d: {  	_ =	shalt  }
0x7e: {  	_ =	shalt  }
0x7f: {  	_ =	shalt  }
0x80: {  	_ =	shalt  }
0x81: {  	_ =	shalt  }
0x82: {  	_ =	shalt  }
0x83: {  	_ =	shalt  }
0x84: {  	_ =	shalt  }
0x85: {  	_ =	shalt  }
0x86: {  	_ =	shalt  }
0x87: {  	_ =	shalt  }
.Lfunc_end0:
.L_simem_size_0:
called_computation_lowered:
.L_overlay_start_0:
0x88: {  	s2 =	sld [smem:$0x3FD9]  }
0x89: {  	s3 =	sld [smem:$0x3FFE];
	_ =	sdelay $0x1  }
0x8a: {  	s1 =	srdreg.scid  }
0x8b: {  	s0 =	sand.u32 $0x1, s1  }
0x8c: {  	s18 =	sshll.u32 s0, $0xA;
	s2 =	sadd.s32 s3, s2  }
0x8d: {  	s2 =	sadd.s32 s2, s18  }
0x8e: {  	[smem:$0x3FC6] =	sst s2  }
0x8f: {  	_ = 	snop  }
0x90: {  	s2 =	sld [smem:$0x3FC9]  }
0x91: {  	s19 =	sld [smem:$0x3FC8]  }
0x92: {  	s4 =	sld [smem:$0x3FD0];
	(tm) =	ssettm $0x1  }
0x93: {  	s5 =	sld [smem:$0x3FFB];
	_ =	sdelay $0x3  }
0x94: {  	_ =	strace s5  }
0x95: {  	s5 =	sld [smem:$0x3FFC];
	_ =	sdelay $0x3  }
0x96: {  	_ =	strace s5  }
0x97: {  	s5 =	sld [smem:$0x3FFD];
	_ =	sdelay $0x3  }
0x98: {  	_ =	strace s5  }
0x99: {  	_ =	strace $0x8FFFFFFF  }
0x9a: {  	s20 =	sld [smem:$0x3FDB];
	_ =	sdelay $0x1  }
0x9b: {  	s6 =	simm.s32 $_scs_section_size  }
0x9c: {  	s7 =	simm.s32 $_size__tile_overlayer_lowered;
	s8 =	simm.s32 $_tile_overlayer_lowered  }
0x9d: {  	s23 =	simm.s32 $0x1BFF;
	s22 =	sshll.u32 s8, $0x1;
	s5 =	sadd.s32 s6, s20  }
0x9e: {  	s9 =	simm.s32 $0x0;
	s21 =	sshll.u32 s7, $0x1;
	s7 =	sadd.s32 s22, s5  }
0x9f: {  	[timem:s9], [sflag:s23] =	dma.local [hbm:s7], s21  }
0xa0: {  	_ =	swait.ge [sflag:s23], s21  }
0xa1: {  	s6 =	ssub.s32 $0x0, s21;
	[sflag:s23] =	ssyncset.done $0x0  }
0xa2: {  	[sflag:s23] =	ssyncadd.s32 s6;
	_ =	sdelay $0x1  }
0xa3: {  	s24 =	simm.s32 $0x1B8B  }
0xa4: {  	_ =	swait.ge [sflag:s24], $0x1  }
0xa5: {  	[sflag:s24] =	ssyncset.done $0x0  }
0xa6: {  	s25 =	simm.s32 $0x1B8E;
	[sflag:s24] =	ssyncadd.s32 $0xFFFFFFFF  }
0xa7: {  	s26 =	simm.s32 $execute0_lowered;
	[smem:$0x3FD2] =	sst s25  }
0xa8: {  	s6 =	sshll.u32 s26, $0x1;
	_ =	strace $0x80000046;
	[dreg:$0x1] =	wrdreg $0xFFFFFFFF  }
0xa9: {  	s28 =	simm.s32 $_size_execute0_lowered;
	s5 =	sadd.s32 s5, s6;
	[dreg:$0x0] =	wrdreg $0x0  }
0xaa: {  	s6 =	sshll.u32 s28, $0x1;
	[dreg:$0x2] =	wrdreg s5  }
0xab: {  	[dreg:$0x3] =	wrdreg s6  }
0xac: {  	[dreg:$0x4] =	wrdreg $0xC0  }
0xad: {  	_ =	task [dreg:s9], $0x5FFFF  }
0xae: {  	[dreg:$0x1] =	wrdreg $0xFFFFFFFF  }
0xaf: {  	[dreg:$0x0] =	wrdreg $0x60  }
0xb0: {  	[dreg:$0x2] =	wrdreg s2  }
0xb1: {  	[dreg:$0x3] =	wrdreg s19  }
0xb2: {  	[dreg:$0x4] =	wrdreg s4  }
0xb3: {  	[dreg:$0x5] =	wrdreg $0x9  }
0xb4: {  	_ =	task.clear_ibuf [dreg:s9], $0x6FFFF;
	_ =	strace $0x90000046  }
0xb5: {  	s29 =	simm.s32 $0x9;
	_ =	strace $0x80000048  }
0xb6: {  	_ =	swait.ge [sflag:s29], $0x1  }
0xb7: {  	[sflag:s29] =	ssyncadd.s32 $0xFFFFFFFF  }
0xb8: {  	_ =	strace $0x90000048  }
0xb9: {  	_ =	sfence  }
0xba: {  	s30 =	sld [smem:$0x0];
	_ =	sdelay $0x2  }
0xbb: {  	s31 =	sshll.u32 s1, $0xD;
	s1 =	sshrl.u32 s1, $0x2  }
0xbc: {  	s3 =	sand.u32 $0x4000, s31;
	s1 =	sadd.s32 s1, s30  }
0xbd: {  	s0 =	sor.u32 s3, s0;
	s1 =	sshll.u32 s1, $0x11  }
0xbe: {  	s0 =	sor.u32 s1, s0  }
0xbf: {  	s0 =	sadd.s32 $0x8F2B, s0  }
0xc0: {  	[sflag:s0] =	ssyncadd.remote.s32 $0x1  }
0xc1: {  	_ =	sfence.sel $0xFFFF  }
0xc2: {  	[dreg:$0x0] =	wrdreg $0xFFFFFFFF;
	(pc) =	sbr.abs _section_cstart, $3  }
0xc3: {  	[dreg:$0x1] =	wrdreg $0xFFFFFFFF  }
0xc4: {  	_ =	task.clear_ibuf [dreg:s9], $0x2FFFF;
	_ =	strace $0x9FFFFFFF  }
0xc5: {  	(tm) =	ssettm $0x7FFFFFFF  }
tec
execute0_lowered:
.L_overlay_start_1:
0x0: {  	(tag) =	ssettag $0x1  }
0x1: {  	s0 =	srdreg.scid  }
0x2: {  	s2 =	stileid.u32;
	s1 =	rddreg [dreg:$0x0]  }
0x3: {  	s4 =	rddreg [dreg:$0x2];
	s0 =	sand.u32 $0x1, s0;
	s2 =	sshll.u32 s2, $0x1  }
0x4: {  	s6 =	simm.s32 $0x0;
	s17 =	simm.s32 $0x180;
	s2 =	sor.u32 s0, s2  }
0x5: {  	s18 =	simm.s32 $0xA980;
	[smem:$0x7FF] =	sst s6;
	s5 =	smul.u32 $0x620, s2  }
0x6: {  	s9 =	sadd.s32 $0x80, s1;
	s10 =	sadd.s32 $0x100, s1;
	s0 =	ssub.s32 $0x2, s0  }
0x7: {  	s3 =	sshrl.u32 s0, $0x1;
	s2 =	sshrl.u32 s5, $0x3;
	s7 =	sadd.s32 $0x38, s5  }
0x8: {  	s0 =	ssub.s32 s0, s3;
	s2 =	smul.u32 $0x180, s2;
	s8 =	sshrl.u32 s7, $0x3  }
0x9: {  	_ =	strace $0x80000047;
	s0 =	smax.u32 s0, $0x1;
	s29 =	smul.u32 $0xC00, s8  }
0xa: {  	[dreg:$0x9] =	wrdreg s0;
	s8 =	smul.u32 $0x180, s8;
	s28 =	sadd.s32 s1, s2  }
.Ltmp0:
0xb: {  	s11 =	sadd.s32 s2, s9;
	[dreg:$0x4] =	wrdreg s28;
	(pc) =	sbr.rel .LBB2_1-.Ltmp0, $4  }
0xc: {  	s19 =	simm.s32 $0x5580;
	s2 =	sadd.s32 s2, s10;
	[dreg:$0x5] =	wrdreg s11  }
0xd: {  	[dreg:$0x6] =	wrdreg s2;
	s30 =	sshrl.u32 s29, $0x3;
	s31 =	sadd.s32 s1, s8  }
0xe: {  	s20 =	simm.s32 $0xFD80;
	[dreg:$0x7] =	wrdreg s31;
	s2 =	sadd.s32 s30, s9  }
0xf: {  	s23 =	simm.s32 $0x0;
	s14 =	sadd.s32 s8, s10;
	[dreg:$0x8] =	wrdreg s2  }
.LBB2_10:
0x10: {  	s0 =	simm.s32 $0x3  }
0x11: {  	_ =	swait.ge [sflag:s0], $0x5400  }
0x12: {  	[sflag:s0] =	ssyncset.done $0x0  }
0x13: {  	s2 =	simm.s32 $0x4;
	[sflag:s0] =	ssyncadd.s32 $0xFFFFAC00  }
0x14: {  	_ =	swait.ge [sflag:s2], $0x5400  }
0x15: {  	s23 =	sadd.s32 $0x1, s23;
	s31 =	rddreg [dreg:$0x9]  }
0x16: {  	p0 =	sne.s32 s23, s31  }
.Ltmp1:
0x17: {  	_ = 	snop;
	(pc) =	sbr.rel @!p0 .LBB2_11-.Ltmp1, $3  }
0x18: {  	_ =	sdelay $0x1  }
0x19: {  	[sflag:s2] =	ssyncset.done $0x0  }
0x1a: {  	[sflag:s2] =	ssyncadd.s32 $0xFFFFAC00  }
.LBB2_1:
0x1b: {  	s0 =	rddreg [dreg:$0x1];
	s28 =	simm.s32 $0x5  }
0x1c: {  	[tilespmem:s6], [sflag:$0x5] =	stream.linear.gather [hbm4b:s0+s6], $0x180, $0x38;
	[tilespmem:$0x15180] =	vst v63  }
0x1d: {  	_ =	swait.ge [sflag:s28], $0x180  }
0x1e: {  	[sflag:s28] =	ssyncset.done $0x0  }
0x1f: {  	[sflag:s28] =	ssyncadd.s32 $0xFFFFFE80  }
0x20: {  	v4 =	vld [tilespmem:$0x0]  }
0x21: {  	v3 =	vld [tilespmem:$0x10]  }
0x22: {  	v2 =	vld [tilespmem:$0x20]  }
0x23: {  	v7 =	vld [tilespmem:$0x30]  }
0x24: {  	v10 =	vld [tilespmem:$0x40]  }
0x25: {  	v11 =	vld [tilespmem:$0x50]  }
0x26: {  	v14 =	vld [tilespmem:$0x60]  }
0x27: {  	v15 =	vld [tilespmem:$0x70]  }
0x28: {  	v18 =	vld [tilespmem:$0x80]  }
0x29: {  	v19 =	vld [tilespmem:$0x90]  }
0x2a: {  	v22 =	vld [tilespmem:$0xA0]  }
0x2b: {  	v23 =	vld [tilespmem:$0xB0]  }
0x2c: {  	v26 =	vld [tilespmem:$0xC0]  }
0x2d: {  	v27 =	vld [tilespmem:$0xD0]  }
0x2e: {  	v30 =	vld [tilespmem:$0xE0]  }
0x2f: {  	v31 =	vld [tilespmem:$0xF0]  }
0x30: {  	v34 =	vld [tilespmem:$0x100]  }
0x31: {  	v35 =	vld [tilespmem:$0x110]  }
0x32: {  	v1 =	vld [tilespmem:$0x120]  }
0x33: {  	v50 =	vld [tilespmem:$0x130]  }
0x34: {  	v49 =	vimm.s32 $0x0;
	v0 =	vld [tilespmem:$0x140]  }
0x35: {  	v43 =	vld [tilespmem:$0x150];
	v5 =	vshra.s32 v4, $0x7;
	v6 =	vshra.s32 v3, $0x7;
	v8 =	vshra.s32 v2, $0x7  }
0x36: {  	v46 =	vld [tilespmem:$0x160];
	v9 =	vshra.s32 v7, $0x7;
	v12 =	vshra.s32 v10, $0x7;
	v13 =	vshra.s32 v11, $0x7  }
0x37: {  	v47 =	vld [tilespmem:$0x170];
	v16 =	vshra.s32 v14, $0x7;
	v17 =	vshra.s32 v15, $0x7;
	v20 =	vshra.s32 v18, $0x7  }
0x38: {  	v21 =	vshra.s32 v19, $0x7;
	v24 =	vshra.s32 v22, $0x7;
	v25 =	vshra.s32 v23, $0x7  }
0x39: {  	v28 =	vshra.s32 v26, $0x7;
	v29 =	vshra.s32 v27, $0x7;
	v32 =	vshra.s32 v30, $0x7  }
0x3a: {  	v33 =	vshra.s32 v31, $0x7;
	v36 =	vshra.s32 v34, $0x7;
	v37 =	vshra.s32 v35, $0x7  }
0x3b: {  	v38 =	vshra.s32 v1, $0x7;
	v40 =	vshra.s32 v50, $0x7;
	v41 =	vshra.s32 v0, $0x7  }
0x3c: {  	v42 =	vshra.s32 v43, $0x7;
	v44 =	vshra.s32 v46, $0x7;
	v45 =	vshra.s32 v47, $0x7  }
0x3d: {  	vm0 =	veq.s32 v5, $0x0;
	vm1 =	veq.s32 v6, $0x0;
	vm13 =	veq.s32 v8, $0x0  }
0x3e: {  	vm14 =	veq.s32 v9, $0x0;
	vm15 =	veq.s32 v12, $0x0;
	vm0 =	vmor vm0, vm1  }
0x3f: {  	vm4 =	veq.s32 v13, $0x0;
	vm5 =	veq.s32 v16, $0x0;
	vm0 =	vmor vm0, vm13  }
0x40: {  	vm6 =	veq.s32 v17, $0x0;
	vm7 =	veq.s32 v20, $0x0;
	vm0 =	vmor vm0, vm14  }
0x41: {  	vm8 =	veq.s32 v21, $0x0;
	vm9 =	veq.s32 v24, $0x0;
	vm0 =	vmor vm0, vm15  }
0x42: {  	vm10 =	veq.s32 v25, $0x0;
	vm11 =	veq.s32 v28, $0x0;
	vm0 =	vmor vm0, vm4  }
0x43: {  	vm12 =	veq.s32 v29, $0x0;
	vm2 =	veq.s32 v6, $0x1;
	vm0 =	vmor vm0, vm5  }
0x44: {  	vm3 =	veq.s32 v42, $0x0;
	vm13 =	veq.s32 v32, $0x0;
	vm0 =	vmor vm0, vm6  }
0x45: {  	vm14 =	veq.s32 v33, $0x0;
	vm15 =	veq.s32 v36, $0x0;
	vm0 =	vmor vm0, vm7  }
0x46: {  	vm4 =	veq.s32 v37, $0x0;
	vm5 =	veq.s32 v38, $0x0;
	vm0 =	vmor vm0, vm8  }
0x47: {  	vm6 =	veq.s32 v40, $0x0;
	vm8 =	veq.s32 v5, $0x1;
	vm0 =	vmor vm0, vm9  }
0x48: {  	vm7 =	veq.s32 v41, $0x0;
	vm1 =	vmor vm8, vm2;
	vm0 =	vmor vm0, vm10  }
0x49: {  	vm9 =	veq.s32 v8, $0x1;
	vm8 =	veq.s32 v21, $0x1;
	vm0 =	vmor vm0, vm11  }
0x4a: {  	vm1 =	vmor vm1, vm9;
	vm10 =	veq.s32 v9, $0x1;
	vm0 =	vmor vm0, vm12  }
0x4b: {  	vm1 =	vmor vm1, vm10;
	vm11 =	veq.s32 v12, $0x1;
	vm0 =	vmor vm0, vm13  }
0x4c: {  	vm10 =	veq.s32 v24, $0x1;
	vm12 =	veq.s32 v44, $0x0;
	vm0 =	vmor vm0, vm14  }
0x4d: {  	vm1 =	vmor vm1, vm11;
	vm13 =	veq.s32 v13, $0x1;
	vm0 =	vmor vm0, vm15  }
0x4e: {  	vm11 =	veq.s32 v25, $0x1;
	vm1 =	vmor vm1, vm13;
	vm0 =	vmor vm0, vm4  }
0x4f: {  	vm14 =	veq.s32 v16, $0x1;
	vm13 =	veq.s32 v29, $0x1;
	vm0 =	vmor vm0, vm5  }
0x50: {  	vm1 =	vmor vm1, vm14;
	vm15 =	veq.s32 v17, $0x1;
	vm0 =	vmor vm0, vm6  }
0x51: {  	vm14 =	veq.s32 v32, $0x1;
	vm1 =	vmor vm1, vm15;
	vm0 =	vmor vm0, vm7  }
0x52: {  	vm15 =	veq.s32 v33, $0x1;
	vm4 =	veq.s32 v36, $0x1;
	vm0 =	vmor vm0, vm3  }
0x53: {  	vm6 =	veq.s32 v45, $0x0;
	vm7 =	veq.s32 v20, $0x1;
	vm0 =	vmor vm0, vm12  }
0x54: {  	vm5 =	veq.s32 v37, $0x1;
	vm1 =	vmor vm1, vm7;
	vm0 =	vmor vm0, vm6  }
0x55: {  	vm7 =	veq.s32 v40, $0x1;
	vm9 =	vmor vm1, vm8;
	v48 =	vsel vm0, $0x1, v49  }
0x56: {  	vm12 =	veq.s32 v28, $0x1;
	vm0 =	vmor vm9, vm10;
	v48 =	vor.u32 $0x80000000, v48  }
0x57: {  	vm8 =	veq.s32 v5, $0x2;
	vm9 =	veq.s32 v6, $0x2;
	vm0 =	vmor vm0, vm11;
	(xrf0) =	vmax.scan.msk.u32 $0xffff, v48  }
0x58: {  	vm6 =	veq.s32 v38, $0x1;
	vm10 =	vmor vm8, vm9;
	vm0 =	vmor vm0, vm12  }
0x59: {  	vm11 =	veq.s32 v8, $0x2;
	vm8 =	veq.s32 v44, $0x1;
	vm0 =	vmor vm0, vm13  }
0x5a: {  	vm9 =	veq.s32 v17, $0x2;
	vm12 =	veq.s32 v41, $0x1;
	vm0 =	vmor vm0, vm14  }
0x5b: {  	vm1 =	vmor vm10, vm11;
	vm13 =	veq.s32 v9, $0x2;
	vm0 =	vmor vm0, vm15  }
0x5c: {  	vm1 =	vmor vm1, vm13;
	vm14 =	veq.s32 v12, $0x2;
	vm0 =	vmor vm0, vm4  }
0x5d: {  	vm10 =	veq.s32 v20, $0x2;
	vm1 =	vmor vm1, vm14;
	vm0 =	vmor vm0, vm5;
	v48, _, _ =	vpop (xrf0)  }
0x5e: {  	vm0 =	vmor vm0, vm6;
	vm6 =	veq.s32 v13, $0x2;
	(v2sf) =	vpush v48, $0xF  }
0x5f: {  	vm0 =	vmor vm0, vm7;
	vm1 =	vmor vm1, vm6;
	vm7 =	veq.s32 v16, $0x2  }
0x60: {  	vm15 =	veq.s32 v42, $0x1;
	vm0 =	vmor vm0, vm12;
	vm1 =	vmor vm1, vm7  }
0x61: {  	vm11 =	veq.s32 v45, $0x1;
	vm0 =	vmor vm0, vm15;
	vm1 =	vmor vm1, vm9  }
0x62: {  	vm12 =	veq.s32 v21, $0x2;
	vm0 =	vmor vm0, vm8;
	vm1 =	vmor vm1, vm10  }
0x63: {  	vm13 =	veq.s32 v24, $0x2;
	vm0 =	vmor vm0, vm11;
	vm1 =	vmor vm1, vm12  }
0x64: {  	vm15 =	veq.s32 v25, $0x2;
	v8 =	vsel vm0, $0x1, v49;
	vm14 =	vmor vm1, vm13  }
0x65: {  	vm4 =	veq.s32 v28, $0x2;
	v5 =	vor.u32 $0x80000000, v8;
	vm0 =	vmor vm14, vm15  }
0x66: {  	vm5 =	veq.s32 v29, $0x2;
	(xrf0) =	vmax.scan.msk.u32 $0xffff, v5;
	vm0 =	vmor vm0, vm4  }
0x67: {  	vm6 =	veq.s32 v32, $0x2;
	vm0 =	vmor vm0, vm5  }
0x68: {  	vm7 =	veq.s32 v33, $0x2;
	vm0 =	vmor vm0, vm6  }
0x69: {  	vm8 =	veq.s32 v36, $0x2;
	vm0 =	vmor vm0, vm7  }
0x6a: {  	vm9 =	veq.s32 v37, $0x2;
	vm0 =	vmor vm0, vm8  }
0x6b: {  	v52 =	vand.u32 $0x7F, v18;
	vm10 =	veq.s32 v38, $0x2;
	vm0 =	vmor vm0, vm9  }
0x6c: {  	v55 =	vand.u32 $0x7F, v19;
	vm11 =	veq.s32 v40, $0x2;
	v5, _, _ =	vpop (xrf0);
	vm0 =	vmor vm0, vm10  }
0x6d: {  	[tilespmem:$0x1FD70] =	vst v52;
	vm12 =	veq.s32 v41, $0x2;
	(v2sf) =	vpush v5, $0xF;
	vm0 =	vmor vm0, vm11  }
0x6e: {  	v57 =	vand.u32 $0x7F, v22;
	[tilespmem:$0x1FD90] =	vst v55;
	vm13 =	veq.s32 v42, $0x2;
	s29 =	spop (v2sf);
	vm0 =	vmor vm0, vm12  }
0x6f: {  	v60 =	vand.u32 $0x7F, v23;
	[tilespmem:$0x1FDB0] =	vst v57;
	vm14 =	veq.s32 v44, $0x2;
	p0 =	slt.u32 s29, $0x80000001;
	vm0 =	vmor vm0, vm13  }
0x70: {  	s8 =	rddreg [dreg:$0x4];
	[tilespmem:$0x1FDD0] =	vst v60;
	vm15 =	veq.s32 v45, $0x2;
	vm0 =	vmor vm0, vm14;
	s3 =	simm.s32 @!p0 $0x0;
	s0 =	simm.s32 @!p0 $0x180  }
0x71: {  	v62 =	vand.u32 $0x7F, v26;
	vm0 =	vmor vm0, vm15;
	[tilespmem:s0], [sflag:$0x1] =	stream.linear.gather @!p0 [hbm4b:s8+s3], $0x400, $0x38;
	[tilespmem:$0x15180] =	vst v63  }
0x72: {  	[tilespmem:$0x1FDF0] =	vst v62;
	s2 =	simm.s32 @!p0 $0xD80;
	s0 =	sadd.s32 @!p0 $0x180, s8;
	v9 =	vsel vm0, $0x1, v49  }
0x73: {  	v39 =	vand.u32 $0x7F, v7;
	v5 =	vor.u32 $0x80000000, v9;
	[tilespmem:s2], [sflag:$0x1] =	stream.linear.gather @!p0 [hbm4b:s0+s3], $0x400, $0x38;
	[tilespmem:$0x15180] =	vst v63  }
0x74: {  	v54 =	vshll.u32 v19, $0x3;
	[tilespmem:$0x1FF90] =	vst v39;
	s0 =	sadd.s32 @!p0 $0x300, s8;
	s2 =	simm.s32 @!p0 $0x1980;
	(xrf0) =	vmax.scan.msk.u32 $0xffff, v5  }
0x75: {  	v56 =	vand.u32 $0xFFFFFC00, v54;
	[tilespmem:s2], [sflag:$0x1] =	stream.linear.gather @!p0 [hbm4b:s0+s3], $0x400, $0x38;
	[tilespmem:$0x15180] =	vst v63  }
0x76: {  	v59 =	vshll.u32 v23, $0x3;
	[tilespmem:$0x1FDA0] =	vst v56;
	s0 =	sadd.s32 @!p0 $0x480, s8;
	s2 =	simm.s32 @!p0 $0x2580  }
0x77: {  	v61 =	vand.u32 $0xFFFFFC00, v59;
	[tilespmem:s2], [sflag:$0x1] =	stream.linear.gather @!p0 [hbm4b:s0+s3], $0x400, $0x38;
	[tilespmem:$0x15180] =	vst v63  }
0x78: {  	[tilespmem:$0x1FDE0] =	vst v61;
	s0 =	sadd.s32 @!p0 $0x600, s8;
	s2 =	simm.s32 @!p0 $0x3180  }
0x79: {  	v52 =	vand.u32 $0x7F, v31;
	[tilespmem:s2], [sflag:$0x1] =	stream.linear.gather @!p0 [hbm4b:s0+s3], $0x400, $0x38;
	[tilespmem:$0x15180] =	vst v63  }
0x7a: {  	[tilespmem:$0x1FE30] =	vst v52;
	s0 =	sadd.s32 @!p0 $0x780, s8;
	s2 =	simm.s32 @!p0 $0x3D80  }
0x7b: {  	v55 =	vand.u32 $0x7F, v35;
	v5, _, _ =	vpop (xrf0);
	[tilespmem:s2], [sflag:$0x1] =	stream.linear.gather @!p0 [hbm4b:s0+s3], $0x400, $0x38;
	[tilespmem:$0x15180] =	vst v63  }
0x7c: {  	[tilespmem:$0x1FE40] =	vst v55;
	(v2sf) =	vpush v5, $0xF;
	s2 =	sadd.s32 @!p0 $0x900, s8;
	s8 =	simm.s32 @!p0 $0x4980;
	s30 =	spop (v2sf)  }
0x7d: {  	v59 =	vand.u32 $0x7F, v0;
	[tilespmem:s8], [sflag:$0x1] =	stream.linear.gather @!p0 [hbm4b:s2+s3], $0x400, $0x38;
	[tilespmem:$0x15180] =	vst v63  }
0x7e: {  	v56 =	vand.u32 $0x7F, v1;
	[tilespmem:$0x1FE70] =	vst v59;
	p1 =	slt.u32 s30, $0x80000001  }
0x7f: {  	s10 =	rddreg [dreg:$0x5];
	v1 =	vshll.u32 v1, $0x3;
	[tilespmem:$0x1FE50] =	vst v56;
	s2 =	simm.s32 @!p1 $0x0;
	s0 =	simm.s32 @!p1 $0x580  }
0x80: {  	v54 =	vshll.u32 v35, $0x3;
	v35 =	vand.u32 $0xFFFFFC00, v1;
	[tilespmem:s0], [sflag:$0x1] =	stream.linear.gather @!p1 [hbm4b:s10+s2], $0x400, $0x38;
	[tilespmem:$0x15180] =	vst v63  }
0x81: {  	[tilespmem:$0x1FF50] =	vst v35;
	s8 =	simm.s32 @!p1 $0x1180;
	s0 =	sadd.s32 @!p1 $0x180, s10  }
0x82: {  	v20 =	vand.u32 $0x7F, v3;
	[tilespmem:s8], [sflag:$0x1] =	stream.linear.gather @!p1 [hbm4b:s0+s2], $0x400, $0x38;
	[tilespmem:$0x15180] =	vst v63  }
0x83: {  	v17 =	vand.u32 $0x7F, v4;
	v4 =	vshll.u32 v4, $0x3;
	[tilespmem:$0x1FFF0] =	vst v20;
	s0 =	sadd.s32 @!p1 $0x300, s10;
	s8 =	simm.s32 @!p1 $0x1D80  }
0x84: {  	v12 =	vand.u32 $0xFFFFFC00, v4;
	[tilespmem:s8], [sflag:$0x1] =	stream.linear.gather @!p1 [hbm4b:s0+s2], $0x400, $0x38;
	[tilespmem:$0x15180] =	vst v63  }
0x85: {  	[tilespmem:$0x1FFC0] =	vst v12;
	s0 =	sadd.s32 @!p1 $0x480, s10;
	s8 =	simm.s32 @!p1 $0x2980  }
0x86: {  	v13 =	vand.u32 $0x7F, v2;
	[tilespmem:s8], [sflag:$0x1] =	stream.linear.gather @!p1 [hbm4b:s0+s2], $0x400, $0x38;
	[tilespmem:$0x15180] =	vst v63  }
0x87: {  	v2 =	vshll.u32 v2, $0x3;
	[tilespmem:$0x1FFB0] =	vst v13;
	s0 =	sadd.s32 @!p1 $0x600, s10;
	s8 =	simm.s32 @!p1 $0x3580  }
0x88: {  	v16 =	vand.u32 $0xFFFFFC00, v2;
	[tilespmem:s8], [sflag:$0x1] =	stream.linear.gather @!p1 [hbm4b:s0+s2], $0x400, $0x38;
	[tilespmem:$0x15180] =	vst v63  }
0x89: {  	v48 =	vshll.u32 v15, $0x3;
	[tilespmem:$0x1FFE0] =	vst v16;
	s0 =	sadd.s32 @!p1 $0x780, s10;
	s8 =	simm.s32 @!p1 $0x4180  }
0x8a: {  	v51 =	vand.u32 $0xFFFFFC00, v48;
	[tilespmem:s8], [sflag:$0x1] =	stream.linear.gather @!p1 [hbm4b:s0+s2], $0x400, $0x38;
	[tilespmem:$0x15180] =	vst v63  }
0x8b: {  	[tilespmem:$0x1FD60] =	vst v51;
	s8 =	sadd.s32 @!p1 $0x900, s10;
	s10 =	simm.s32 @!p1 $0x4D80;
	s31 =	spop (v2sf)  }
0x8c: {  	v33 =	vshll.u32 v7, $0x3;
	v7 =	vand.u32 $0x7F, v27;
	[tilespmem:s10], [sflag:$0x1] =	stream.linear.gather @!p1 [hbm4b:s8+s2], $0x400, $0x38;
	[tilespmem:$0x15180] =	vst v63  }
0x8d: {  	v6 =	vshll.u32 v27, $0x3;
	v27 =	vand.u32 $0x7F, v43;
	[tilespmem:$0x1FE10] =	vst v7;
	p2 =	slt.u32 s31, $0x80000001  }
0x8e: {  	s11 =	rddreg [dreg:$0x6];
	[tilespmem:$0x1FEA0] =	vst v27;
	s0 =	simm.s32 @!p2 $0x0;
	s8 =	simm.s32 @!p2 $0x980  }
0x8f: {  	v25 =	vand.u32 $0xFFFFFC00, v33;
	v33 =	vand.u32 $0xFFFFFC00, v54;
	[tilespmem:s8], [sflag:$0x1] =	stream.linear.gather @!p2 [hbm4b:s11+s0], $0x400, $0x38;
	[tilespmem:$0x15180] =	vst v63  }
0x90: {  	[tilespmem:$0x1FF40] =	vst v33;
	s10 =	simm.s32 @!p2 $0x1580;
	s8 =	sadd.s32 @!p2 $0x180, s11  }
0x91: {  	[tilespmem:s10], [sflag:$0x1] =	stream.linear.gather @!p2 [hbm4b:s8+s0], $0x400, $0x38;
	[tilespmem:$0x15180] =	vst v63  }
0x92: {  	[tilespmem:$0x1FFA0] =	vst v25;
	s8 =	sadd.s32 @!p2 $0x300, s11;
	s10 =	simm.s32 @!p2 $0x2180  }
0x93: {  	v36 =	vand.u32 $0x7F, v10;
	[tilespmem:s10], [sflag:$0x1] =	stream.linear.gather @!p2 [hbm4b:s8+s0], $0x400, $0x38;
	[tilespmem:$0x15180] =	vst v63  }
0x94: {  	[tilespmem:$0x1FD10] =	vst v36;
	s8 =	sadd.s32 @!p2 $0x480, s11;
	s10 =	simm.s32 @!p2 $0x2D80  }
0x95: {  	v37 =	vshll.u32 v10, $0x3;
	v10 =	vshll.u32 v31, $0x3;
	v31 =	vand.u32 $0x7F, v34;
	[tilespmem:s10], [sflag:$0x1] =	stream.linear.gather @!p2 [hbm4b:s8+s0], $0x400, $0x38;
	[tilespmem:$0x15180] =	vst v63  }
0x96: {  	[tilespmem:$0x1FF20] =	vst v31;
	s8 =	sadd.s32 @!p2 $0x600, s11;
	s10 =	simm.s32 @!p2 $0x3980  }
0x97: {  	v41 =	vand.u32 $0x7F, v11;
	[tilespmem:s10], [sflag:$0x1] =	stream.linear.gather @!p2 [hbm4b:s8+s0], $0x400, $0x38;
	[tilespmem:$0x15180] =	vst v63  }
0x98: {  	v38 =	vshll.u32 v11, $0x3;
	[tilespmem:$0x1FD20] =	vst v41;
	s8 =	sadd.s32 @!p2 $0x780, s11;
	s10 =	simm.s32 @!p2 $0x4580  }
0x99: {  	v28 =	vand.u32 $0xFFFFFC00, v38;
	[tilespmem:s10], [sflag:$0x1] =	stream.linear.gather @!p2 [hbm4b:s8+s0], $0x400, $0x38;
	[tilespmem:$0x15180] =	vst v63  }
0x9a: {  	[tilespmem:$0x1FE90] =	vst v28;
	s8 =	sadd.s32 @!p2 $0x900, s11;
	s10 =	simm.s32 @!p2 $0x5180  }
0x9b: {  	v36 =	vand.u32 $0x7F, v46;
	[tilespmem:s10], [sflag:$0x1] =	stream.linear.gather @!p2 [hbm4b:s8+s0], $0x400, $0x38;
	[tilespmem:$0x15180] =	vst v63  }
0x9c: {  	[tilespmem:$0x1FEC0] =	vst v36;
	s11 =	rddreg [dreg:$0x7];
	s8 =	simm.s32 @!p0 $0x5580  }
0x9d: {  	v48 =	vand.u32 $0xFFFFFC00, v10;
	[tilespmem:s8], [sflag:$0x2] =	stream.linear.gather @!p0 [hbm4b:s11+s3], $0x400, $0x38;
	[tilespmem:$0x15180] =	vst v63  }
0x9e: {  	v40 =	vand.u32 $0xFFFFFC00, v37;
	[tilespmem:$0x1FEF0] =	vst v48;
	s10 =	simm.s32 @!p0 $0x6180;
	s8 =	sadd.s32 @!p0 $0x180, s11  }
0x9f: {  	v63 =	vshll.u32 v26, $0x3;
	v26 =	vmov v40;
	[tilespmem:s10], [sflag:$0x2] =	stream.linear.gather @!p0 [hbm4b:s8+s3], $0x400, $0x38;
	[tilespmem:$0x15180] =	vst v63  }
0xa0: {  	v62 =	vshll.u32 v47, $0x3;
	v32 =	vshll.u32 v3, $0x3;
	[tilespmem:$0x1FEB0] =	vst v26;
	s8 =	sadd.s32 @!p0 $0x300, s11;
	s10 =	simm.s32 @!p0 $0x6D80  }
0xa1: {  	v42 =	vand.u32 $0xFFFFFC00, v32;
	v32 =	vand.u32 $0xFFFFFC00, v62;
	[tilespmem:s10], [sflag:$0x2] =	stream.linear.gather @!p0 [hbm4b:s8+s3], $0x400, $0x38;
	[tilespmem:$0x15180] =	vst v63  }
0xa2: {  	v60 =	vshll.u32 v43, $0x3;
	[tilespmem:$0x1FF00] =	vst v32;
	s8 =	sadd.s32 @!p0 $0x480, s11;
	s10 =	simm.s32 @!p0 $0x7980  }
0xa3: {  	v41 =	vand.u32 $0xFFFFFC00, v60;
	[tilespmem:s10], [sflag:$0x2] =	stream.linear.gather @!p0 [hbm4b:s8+s3], $0x400, $0x38;
	[tilespmem:$0x15180] =	vst v63  }
0xa4: {  	[tilespmem:$0x1FF10] =	vst v41;
	s8 =	sadd.s32 @!p0 $0x600, s11;
	s10 =	simm.s32 @!p0 $0x8580  }
0xa5: {  	[tilespmem:s10], [sflag:$0x2] =	stream.linear.gather @!p0 [hbm4b:s8+s3], $0x400, $0x38;
	[tilespmem:$0x15180] =	vst v63  }
0xa6: {  	[tilespmem:$0x1FFD0] =	vst v42;
	s8 =	sadd.s32 @!p0 $0x780, s11;
	s10 =	simm.s32 @!p0 $0x9180  }
0xa7: {  	v44 =	vand.u32 $0x7F, v14;
	[tilespmem:s10], [sflag:$0x2] =	stream.linear.gather @!p0 [hbm4b:s8+s3], $0x400, $0x38;
	[tilespmem:$0x15180] =	vst v63  }
0xa8: {  	[tilespmem:$0x1FD30] =	vst v44;
	s8 =	sadd.s32 @!p0 $0x900, s11;
	s10 =	simm.s32 @!p0 $0x9D80  }
0xa9: {  	v8 =	vand.u32 $0x7F, v30;
	[tilespmem:s10], [sflag:$0x2] =	stream.linear.gather @!p0 [hbm4b:s8+s3], $0x400, $0x38;
	[tilespmem:$0x15180] =	vst v63  }
0xaa: {  	v57 =	vshll.u32 v50, $0x3;
	[tilespmem:$0x1FE20] =	vst v8;
	s3 =	simm.s32 @!p1 $0x5980;
	s10 =	rddreg [dreg:$0x8]  }
0xab: {  	v45 =	vshll.u32 v14, $0x3;
	v14 =	vand.u32 $0xFFFFFC00, v57;
	[tilespmem:s3], [sflag:$0x2] =	stream.linear.gather @!p1 [hbm4b:s10+s2], $0x400, $0x38;
	[tilespmem:$0x15180] =	vst v63  }
0xac: {  	[tilespmem:$0x1FF80] =	vst v14;
	s8 =	simm.s32 @!p1 $0x6580;
	s3 =	sadd.s32 @!p1 $0x180, s10  }
0xad: {  	v2 =	vand.u32 $0xFFFFFC00, v45;
	[tilespmem:s8], [sflag:$0x2] =	stream.linear.gather @!p1 [hbm4b:s3+s2], $0x400, $0x38;
	[tilespmem:$0x15180] =	vst v63  }
0xae: {  	[tilespmem:$0x1FD40] =	vst v2;
	s3 =	sadd.s32 @!p1 $0x300, s10;
	s8 =	simm.s32 @!p1 $0x7180  }
0xaf: {  	v44 =	vand.u32 $0xFFFFFC00, v6;
	[tilespmem:s8], [sflag:$0x2] =	stream.linear.gather @!p1 [hbm4b:s3+s2], $0x400, $0x38;
	[tilespmem:$0x15180] =	vst v63  }
0xb0: {  	v0 =	vshll.u32 v0, $0x3;
	[tilespmem:$0x1FED0] =	vst v44;
	s3 =	sadd.s32 @!p1 $0x480, s10;
	s8 =	simm.s32 @!p1 $0x7D80  }
0xb1: {  	v45 =	vand.u32 $0xFFFFFC00, v0;
	[tilespmem:s8], [sflag:$0x2] =	stream.linear.gather @!p1 [hbm4b:s3+s2], $0x400, $0x38;
	[tilespmem:$0x15180] =	vst v63  }
0xb2: {  	v53 =	vshll.u32 v18, $0x3;
	[tilespmem:$0x1FF70] =	vst v45;
	s3 =	sadd.s32 @!p1 $0x600, s10;
	s8 =	simm.s32 @!p1 $0x8980  }
0xb3: {  	v2 =	vand.u32 $0xFFFFFC00, v53;
	[tilespmem:s8], [sflag:$0x2] =	stream.linear.gather @!p1 [hbm4b:s3+s2], $0x400, $0x38;
	[tilespmem:$0x15180] =	vst v63  }
0xb4: {  	v61 =	vshll.u32 v46, $0x3;
	[tilespmem:$0x1FD80] =	vst v2;
	s3 =	sadd.s32 @!p1 $0x780, s10;
	s8 =	simm.s32 @!p1 $0x9580  }
0xb5: {  	v53 =	vshll.u32 v34, $0x3;
	v34 =	vand.u32 $0xFFFFFC00, v61;
	[tilespmem:s8], [sflag:$0x2] =	stream.linear.gather @!p1 [hbm4b:s3+s2], $0x400, $0x38;
	[tilespmem:$0x15180] =	vst v63  }
0xb6: {  	v58 =	vshll.u32 v22, $0x3;
	[tilespmem:$0x1FF30] =	vst v34;
	s3 =	sadd.s32 @!p1 $0x900, s10;
	s8 =	simm.s32 @!p1 $0xA180  }
0xb7: {  	v2 =	vand.u32 $0xFFFFFC00, v58;
	[tilespmem:s8], [sflag:$0x2] =	stream.linear.gather @!p1 [hbm4b:s3+s2], $0x400, $0x38;
	[tilespmem:$0x15180] =	vst v63  }
0xb8: {  	[tilespmem:$0x1FDC0] =	vst v2;
	s2 =	simm.s32 @!p2 $0x5D80  }
0xb9: {  	v58 =	vand.u32 $0x7F, v50;
	[tilespmem:s2], [sflag:$0x2] =	stream.linear.gather @!p2 [hbm4b:s14+s0], $0x400, $0x38;
	[tilespmem:$0x15180] =	vst v63  }
0xba: {  	[tilespmem:$0x1FE60] =	vst v58;
	s3 =	simm.s32 @!p2 $0x6980;
	s2 =	sadd.s32 @!p2 $0x180, s14  }
0xbb: {  	v40 =	vand.u32 $0xFFFFFC00, v53;
	[tilespmem:s3], [sflag:$0x2] =	stream.linear.gather @!p2 [hbm4b:s2+s0], $0x400, $0x38;
	[tilespmem:$0x15180] =	vst v63  }
0xbc: {  	[tilespmem:$0x1FF60] =	vst v40;
	s2 =	sadd.s32 @!p2 $0x300, s14;
	s3 =	simm.s32 @!p2 $0x7580  }
0xbd: {  	v2 =	vand.u32 $0xFFFFFC00, v63;
	[tilespmem:s3], [sflag:$0x2] =	stream.linear.gather @!p2 [hbm4b:s2+s0], $0x400, $0x38;
	[tilespmem:$0x15180] =	vst v63  }
0xbe: {  	[tilespmem:$0x1FE00] =	vst v2;
	s2 =	sadd.s32 @!p2 $0x480, s14;
	s3 =	simm.s32 @!p2 $0x8180  }
0xbf: {  	v63 =	vand.u32 $0x7F, v47;
	[tilespmem:s3], [sflag:$0x2] =	stream.linear.gather @!p2 [hbm4b:s2+s0], $0x400, $0x38;
	[tilespmem:$0x15180] =	vst v63  }
0xc0: {  	[tilespmem:$0x1FE80] =	vst v63;
	s2 =	sadd.s32 @!p2 $0x600, s14;
	s3 =	simm.s32 @!p2 $0x8D80  }
0xc1: {  	v49 =	vand.u32 $0x7F, v15;
	[tilespmem:s3], [sflag:$0x2] =	stream.linear.gather @!p2 [hbm4b:s2+s0], $0x400, $0x38;
	[tilespmem:$0x15180] =	vst v63  }
0xc2: {  	[tilespmem:$0x1FD50] =	vst v49;
	v9 =	vshll.u32 v30, $0x3;
	s2 =	sadd.s32 @!p2 $0x780, s14;
	s3 =	simm.s32 @!p2 $0x9980  }
0xc3: {  	v11 =	vand.u32 $0xFFFFFC00, v9;
	[tilespmem:s3], [sflag:$0x2] =	stream.linear.gather @!p2 [hbm4b:s2+s0], $0x400, $0x38;
	[tilespmem:$0x15180] =	vst v63  }
0xc4: {  	s24 =	simm.s32 $0x0;
	[tilespmem:$0x1FEE0] =	vst v11;
	s2 =	sadd.s32 @!p2 $0x900, s14;
	s3 =	simm.s32 @!p2 $0xA580  }
0xc5: {  	v46 =	vmov v11;
	[tilespmem:s3], [sflag:$0x2] =	stream.linear.gather @!p2 [hbm4b:s2+s0], $0x400, $0x38;
	[tilespmem:$0x15180] =	vst v63  }
.LBB2_2:
0xc6: {  	s0 =	simm.s32 @!p0 $0x1  }
0xc7: {  	s2 =	simm.s32 $0x1;
	_ =	swait.ge @!p0 [sflag:s0], $0x1C00  }
0xc8: {  	v0 =	vmov s2;
	[sflag:s0] =	ssyncset.done @!p0 $0x0  }
0xc9: {  	v1 =	vshrl.u32 v0, $0x3;
	[sflag:s0] =	ssyncadd.s32 @!p0 $0xFFFFE400;
	s0 =	simm.s32 @!p1 $0x1  }
0xca: {  	s11 =	simm.s32 $0x0;
	v49 =	vmul.u32 $0xC00, v1;
	_ =	swait.ge @!p1 [sflag:s0], $0x1C00  }
0xcb: {  	v0 =	vshll.u32 v0, $0x7;
	v1 =	vmov s11;
	[sflag:s0] =	ssyncset.done @!p1 $0x0  }
0xcc: {  	v50 =	vand.u32 $0x380, v0;
	v2 =	vshrl.u32 v1, $0x3;
	v3 =	vadd.s32 v12, v49;
	[sflag:s0] =	ssyncadd.s32 @!p1 $0xFFFFE400;
	s0 =	simm.s32 @!p2 $0x1  }
0xcd: {  	v0 =	vmul.u32 $0xC00, v2;
	v2 =	vor.u32 v50, v3;
	_ =	swait.ge @!p2 [sflag:s0], $0x1C00  }
0xce: {  	p3 =	seq.s32 s24, $0x0;
	v2 =	vor.u32 v17, v2;
	[sflag:s0] =	ssyncset.done @!p2 $0x0  }
0xcf: {  	[sflag:s0] =	ssyncadd.s32 @!p2 $0xFFFFE400;
	s0 =	simm.s32 @!p3 $0x3  }
0xd0: {  	v1 =	vshll.u32 v1, $0x7;
	_ =	swait.ge @!p3 [sflag:s0], $0x5400  }
0xd1: {  	v51 =	vand.u32 $0x300, v1;
	v1 =	vadd.s32 v12, v0;
	[sflag:s0] =	ssyncset.done @!p3 $0x0  }
0xd2: {  	s12 =	simm.s32 $0x0;
	v3 =	vadd.s32 v42, v49;
	v1 =	vor.u32 v51, v1;
	[sflag:s0] =	ssyncadd.s32 @!p3 $0xFFFFAC00  }
0xd3: {  	v3 =	vor.u32 v50, v3;
	v1 =	vor.u32 v17, v1;
	s0 =	smul.u32 $0x3000, s12;
	v2 =	vld.idx.msk [tilespmem:v2+s17+$0x0], $0xffff  }
0xd4: {  	v3 =	vor.u32 v20, v3  }
0xd5: {  	s13 =	simm.s32 $0x80;
	s29 =	sshra.s32 s0, $0x2  }
0xd6: {  	s28 =	sand.u32 $0x380, s13;
	s0 =	sadd.s32 $0xA980, s29  }
0xd7: {  	v4 =	vadd.s32 v42, v0;
	s2 =	sadd.s32 s28, s0  }
0xd8: {  	v4 =	vor.u32 v51, v4;
	v1 =	vld.idx.msk [tilespmem:v1+s17+$0x0], $0xffff;
	[tilespmem:s2+$0x0] =	vst v2;
	v2 =	vadd.s32 v16, v49  }
0xd9: {  	v4 =	vor.u32 v20, v4;
	v3 =	vld.idx.msk [tilespmem:v3+s17+$0x0], $0xffff;
	v2 =	vor.u32 v50, v2  }
0xda: {  	s3 =	simm.s32 $0x0;
	v2 =	vor.u32 v13, v2  }
0xdb: {  	s26 =	sand.u32 $0x300, s3  }
0xdc: {  	s0 =	sadd.s32 s26, s0  }
0xdd: {  	[tilespmem:s0+$0x0] =	vst v1;
	v1 =	vadd.s32 v16, v0  }
0xde: {  	v4 =	vld.idx.msk [tilespmem:v4+s17+$0x0], $0xffff;
	v1 =	vor.u32 v51, v1;
	[tilespmem:s2+$0x10] =	vst v3  }
0xdf: {  	v1 =	vor.u32 v13, v1;
	v3 =	vadd.s32 v25, v49;
	v2 =	vld.idx.msk [tilespmem:v2+s17+$0x0], $0xffff  }
0xe0: {  	v3 =	vor.u32 v50, v3  }
0xe1: {  	v3 =	vor.u32 v39, v3;
	_ =	sdelay $0x1  }
0xe2: {  	[tilespmem:s0+$0x10] =	vst v4  }
0xe3: {  	v1 =	vld.idx.msk [tilespmem:v1+s17+$0x0], $0xffff;
	[tilespmem:s2+$0x20] =	vst v2  }
0xe4: {  	v10 =	vld [tilespmem:$0x1FD10]  }
0xe5: {  	v3 =	vld.idx.msk [tilespmem:v3+s17+$0x0], $0xffff  }
0xe6: {  	v4 =	vadd.s32 v25, v0  }
0xe7: {  	v4 =	vor.u32 v51, v4;
	v2 =	vadd.s32 v26, v49  }
0xe8: {  	v4 =	vor.u32 v39, v4;
	v2 =	vor.u32 v50, v2  }
0xe9: {  	[tilespmem:s0+$0x20] =	vst v1;
	v2 =	vor.u32 v10, v2  }
0xea: {  	[tilespmem:s2+$0x30] =	vst v3  }
0xeb: {  	v29 =	vld [tilespmem:$0x1FD20]  }
0xec: {  	v1 =	vadd.s32 v26, v0  }
0xed: {  	v4 =	vld.idx.msk [tilespmem:v4+s17+$0x0], $0xffff;
	v1 =	vor.u32 v51, v1  }
0xee: {  	v1 =	vor.u32 v10, v1;
	v3 =	vadd.s32 v28, v49;
	v2 =	vld.idx.msk [tilespmem:v2+s17+$0x0], $0xffff  }
0xef: {  	v3 =	vor.u32 v50, v3  }
0xf0: {  	v3 =	vor.u32 v29, v3;
	_ =	sdelay $0x1  }
0xf1: {  	[tilespmem:s0+$0x30] =	vst v4  }
0xf2: {  	v1 =	vld.idx.msk [tilespmem:v1+s17+$0x0], $0xffff;
	[tilespmem:s2+$0x40] =	vst v2  }
0xf3: {  	v11 =	vld [tilespmem:$0x1FD40]  }
0xf4: {  	v3 =	vld.idx.msk [tilespmem:v3+s17+$0x0], $0xffff  }
0xf5: {  	v15 =	vld [tilespmem:$0x1FD30];
	_ =	sdelay $0x1  }
0xf6: {  	v4 =	vadd.s32 v28, v0  }
0xf7: {  	v4 =	vor.u32 v51, v4;
	[tilespmem:s0+$0x40] =	vst v1;
	v2 =	vadd.s32 v11, v49  }
0xf8: {  	v4 =	vor.u32 v29, v4;
	[tilespmem:s2+$0x50] =	vst v3;
	v2 =	vor.u32 v50, v2  }
0xf9: {  	v18 =	vld [tilespmem:$0x1FD60];
	v2 =	vor.u32 v15, v2;
	_ =	sdelay $0x1  }
0xfa: {  	v19 =	vld [tilespmem:$0x1FD50]  }
0xfb: {  	v1 =	vadd.s32 v11, v0  }
0xfc: {  	v4 =	vld.idx.msk [tilespmem:v4+s17+$0x0], $0xffff;
	v1 =	vor.u32 v51, v1  }
0xfd: {  	v1 =	vor.u32 v15, v1;
	v3 =	vadd.s32 v18, v49;
	v2 =	vld.idx.msk [tilespmem:v2+s17+$0x0], $0xffff  }
0xfe: {  	v3 =	vor.u32 v50, v3  }
0xff: {  	v3 =	vor.u32 v19, v3;
	_ =	sdelay $0x1  }
0x100: {  	[tilespmem:s0+$0x50] =	vst v4  }
0x101: {  	v1 =	vld.idx.msk [tilespmem:v1+s17+$0x0], $0xffff;
	[tilespmem:s2+$0x60] =	vst v2  }
0x102: {  	v22 =	vld [tilespmem:$0x1FD80]  }
0x103: {  	s15 =	simm.s32 $0x3;
	v3 =	vld.idx.msk [tilespmem:v3+s17+$0x0], $0xffff  }
0x104: {  	v5 =	vmov s15;
	v9 =	vld [tilespmem:$0x1FD70]  }
0x105: {  	v6 =	vshrl.u32 v5, $0x3  }
0x106: {  	v5 =	vshll.u32 v5, $0x7;
	v52 =	vmul.u32 $0xC00, v6;
	v4 =	vadd.s32 v18, v0  }
0x107: {  	v53 =	vand.u32 $0x380, v5;
	v4 =	vor.u32 v51, v4;
	[tilespmem:s0+$0x60] =	vst v1;
	v2 =	vadd.s32 v22, v49  }
0x108: {  	v8 =	vadd.s32 v12, v52;
	v4 =	vor.u32 v19, v4;
	[tilespmem:s2+$0x70] =	vst v3;
	v2 =	vor.u32 v50, v2  }
0x109: {  	v1 =	vadd.s32 v22, v0;
	v3 =	vor.u32 v53, v8;
	v8 =	vld [tilespmem:$0x1FDA0];
	v2 =	vor.u32 v9, v2  }
0x10a: {  	v1 =	vor.u32 v51, v1  }
0x10b: {  	s16 =	simm.s32 $0x2;
	v1 =	vor.u32 v9, v1;
	v9 =	vld [tilespmem:$0x1FD90]  }
0x10c: {  	v7 =	vmov s16  }
0x10d: {  	v6 =	vshrl.u32 v7, $0x3;
	v4 =	vld.idx.msk [tilespmem:v4+s17+$0x0], $0xffff;
	v3 =	vor.u32 v17, v3  }
0x10e: {  	v55 =	vmul.u32 $0xC00, v6;
	v5 =	vadd.s32 v8, v49;
	v2 =	vld.idx.msk [tilespmem:v2+s17+$0x0], $0xffff  }
0x10f: {  	v6 =	vshll.u32 v7, $0x7;
	v5 =	vor.u32 v50, v5  }
0x110: {  	v54 =	vand.u32 $0x300, v6;
	v6 =	vadd.s32 v12, v55;
	v5 =	vor.u32 v9, v5  }
0x111: {  	v6 =	vor.u32 v54, v6;
	s21 =	sadd.s32 $0xAD80, s29  }
0x112: {  	v6 =	vor.u32 v17, v6;
	s8 =	sadd.s32 s28, s21;
	[tilespmem:s0+$0x70] =	vst v4;
	v4 =	vadd.s32 v8, v0;
	v3 =	vld.idx.msk [tilespmem:v3+s17+$0x0], $0xffff  }
0x113: {  	s22 =	simm.s32 $0x0;
	v1 =	vld.idx.msk [tilespmem:v1+s17+$0x0], $0xffff;
	v4 =	vor.u32 v51, v4;
	[tilespmem:s8+$0x0] =	vst v2  }
0x114: {  	s2 =	smul.u32 $0x3000, s22;
	v4 =	vor.u32 v9, v4;
	v9 =	vld [tilespmem:$0x1FDC0]  }
0x115: {  	v5 =	vld.idx.msk [tilespmem:v5+s17+$0x0], $0xffff  }
0x116: {  	s15 =	simm.s32 $0x180;
	s31 =	sshra.s32 s2, $0x2;
	v23 =	vld [tilespmem:$0x1FDB0]  }
0x117: {  	v7 =	vadd.s32 v42, v52;
	v6 =	vld.idx.msk [tilespmem:v6+s17+$0x0], $0xffff;
	s0 =	sadd.s32 s26, s21;
	s2 =	sand.u32 $0x380, s15;
	s25 =	sadd.s32 $0xA980, s31  }
0x118: {  	s16 =	sadd.s32 s2, s25;
	v2 =	vor.u32 v53, v7;
	[tilespmem:s0+$0x0] =	vst v1  }
0x119: {  	s10 =	simm.s32 $0x100;
	v2 =	vor.u32 v20, v2;
	[tilespmem:s16+$0x0] =	vst v3;
	v7 =	vadd.s32 v9, v49  }
0x11a: {  	s30 =	sand.u32 $0x300, s10;
	v8 =	vadd.s32 v42, v55;
	v9 =	vadd.s32 v9, v0;
	[tilespmem:s8+$0x10] =	vst v5;
	v7 =	vor.u32 v50, v7  }
0x11b: {  	s3 =	sadd.s32 s30, s25;
	v1 =	vor.u32 v54, v8;
	v8 =	vor.u32 v51, v9;
	v9 =	vld [tilespmem:$0x1FDE0];
	v7 =	vor.u32 v23, v7  }
0x11c: {  	v4 =	vld.idx.msk [tilespmem:v4+s17+$0x0], $0xffff;
	[tilespmem:s3+$0x0] =	vst v6  }
0x11d: {  	v3 =	vadd.s32 v16, v52;
	v1 =	vor.u32 v20, v1;
	v8 =	vor.u32 v23, v8;
	v23 =	vld [tilespmem:$0x1FDD0]  }
0x11e: {  	v3 =	vor.u32 v53, v3;
	v2 =	vld.idx.msk [tilespmem:v2+s17+$0x0], $0xffff  }
0x11f: {  	v3 =	vor.u32 v13, v3  }
0x120: {  	v5 =	vadd.s32 v9, v49;
	v7 =	vld.idx.msk [tilespmem:v7+s17+$0x0], $0xffff  }
0x121: {  	v5 =	vor.u32 v50, v5  }
0x122: {  	v6 =	vadd.s32 v16, v55;
	v1 =	vld.idx.msk [tilespmem:v1+s17+$0x0], $0xffff;
	[tilespmem:s0+$0x10] =	vst v4;
	v5 =	vor.u32 v23, v5  }
0x123: {  	v4 =	vor.u32 v54, v6;
	[tilespmem:s16+$0x10] =	vst v2  }
0x124: {  	v4 =	vor.u32 v13, v4;
	v9 =	vadd.s32 v9, v0;
	v3 =	vld.idx.msk [tilespmem:v3+s17+$0x0], $0xffff  }
0x125: {  	v6 =	vld.idx.msk [tilespmem:v8+s17+$0x0], $0xffff;
	v8 =	vor.u32 v51, v9;
	[tilespmem:s8+$0x20] =	vst v7  }
0x126: {  	v8 =	vor.u32 v23, v8;
	v23 =	vld [tilespmem:$0x1FE00]  }
0x127: {  	v5 =	vld.idx.msk [tilespmem:v5+s17+$0x0], $0xffff;
	[tilespmem:s3+$0x10] =	vst v1  }
0x128: {  	v30 =	vld [tilespmem:$0x1FDF0]  }
0x129: {  	v2 =	vadd.s32 v25, v52;
	v4 =	vld.idx.msk [tilespmem:v4+s17+$0x0], $0xffff  }
0x12a: {  	v2 =	vor.u32 v53, v2  }
0x12b: {  	v2 =	vor.u32 v39, v2;
	v1 =	vadd.s32 v25, v55;
	[tilespmem:s0+$0x20] =	vst v6  }
0x12c: {  	v1 =	vor.u32 v54, v1;
	[tilespmem:s16+$0x20] =	vst v3;
	v7 =	vadd.s32 v23, v49  }
0x12d: {  	v1 =	vor.u32 v39, v1;
	v9 =	vadd.s32 v23, v0;
	[tilespmem:s8+$0x30] =	vst v5;
	v7 =	vor.u32 v50, v7  }
0x12e: {  	v6 =	vld.idx.msk [tilespmem:v8+s17+$0x0], $0xffff;
	v8 =	vor.u32 v51, v9;
	[tilespmem:s3+$0x20] =	vst v4;
	v7 =	vor.u32 v30, v7  }
0x12f: {  	v3 =	vadd.s32 v26, v52;
	v8 =	vor.u32 v30, v8;
	v30 =	vld [tilespmem:$0x1FE10]  }
0x130: {  	v2 =	vld.idx.msk [tilespmem:v2+s17+$0x0], $0xffff;
	v3 =	vor.u32 v53, v3  }
0x131: {  	v3 =	vor.u32 v10, v3;
	v4 =	vadd.s32 v26, v55  }
0x132: {  	v5 =	vadd.s32 v44, v49;
	v1 =	vld.idx.msk [tilespmem:v1+s17+$0x0], $0xffff;
	v4 =	vor.u32 v54, v4  }
0x133: {  	v5 =	vor.u32 v50, v5;
	v4 =	vor.u32 v10, v4;
	v7 =	vld.idx.msk [tilespmem:v7+s17+$0x0], $0xffff  }
0x134: {  	v5 =	vor.u32 v30, v5  }
0x135: {  	[tilespmem:s16+$0x30] =	vst v2  }
0x136: {  	[tilespmem:s0+$0x30] =	vst v6;
	v3 =	vld.idx.msk [tilespmem:v3+s17+$0x0], $0xffff  }
0x137: {  	v6 =	vld.idx.msk [tilespmem:v8+s17+$0x0], $0xffff;
	[tilespmem:s3+$0x30] =	vst v1  }
0x138: {  	v9 =	vadd.s32 v44, v0;
	v4 =	vld.idx.msk [tilespmem:v4+s17+$0x0], $0xffff;
	[tilespmem:s8+$0x40] =	vst v7  }
0x139: {  	v8 =	vor.u32 v51, v9;
	v5 =	vld.idx.msk [tilespmem:v5+s17+$0x0], $0xffff  }
0x13a: {  	v2 =	vadd.s32 v28, v52;
	v8 =	vor.u32 v30, v8;
	v47 =	vld [tilespmem:$0x1FE20]  }
0x13b: {  	v2 =	vor.u32 v53, v2  }
0x13c: {  	v2 =	vor.u32 v29, v2;
	[tilespmem:s0+$0x40] =	vst v6  }
0x13d: {  	v7 =	vadd.s32 v46, v49;
	[tilespmem:s16+$0x40] =	vst v3  }
0x13e: {  	v1 =	vadd.s32 v28, v55;
	v7 =	vor.u32 v50, v7;
	[tilespmem:s3+$0x40] =	vst v4  }
0x13f: {  	v9 =	vadd.s32 v46, v0;
	v6 =	vld.idx.msk [tilespmem:v8+s17+$0x0], $0xffff;
	v7 =	vor.u32 v47, v7;
	[tilespmem:s8+$0x50] =	vst v5  }
0x140: {  	v1 =	vor.u32 v54, v1;
	v3 =	vadd.s32 v11, v52;
	v8 =	vor.u32 v51, v9;
	v9 =	vld [tilespmem:$0x1FE30]  }
0x141: {  	v1 =	vor.u32 v29, v1;
	v2 =	vld.idx.msk [tilespmem:v2+s17+$0x0], $0xffff;
	v3 =	vor.u32 v53, v3  }
0x142: {  	v3 =	vor.u32 v15, v3  }
0x143: {  	v8 =	vor.u32 v47, v8;
	v5 =	vadd.s32 v48, v49  }
0x144: {  	v5 =	vor.u32 v50, v5;
	v7 =	vld.idx.msk [tilespmem:v7+s17+$0x0], $0xffff  }
0x145: {  	v4 =	vor.u32 v9, v5  }
0x146: {  	v1 =	vld.idx.msk [tilespmem:v1+s17+$0x0], $0xffff;
	[tilespmem:s16+$0x50] =	vst v2;
	v2 =	vadd.s32 v18, v52  }
0x147: {  	[tilespmem:s0+$0x50] =	vst v6;
	v6 =	vadd.s32 v48, v0;
	v10 =	vld.idx.msk [tilespmem:v3+s17+$0x0], $0xffff;
	v2 =	vor.u32 v53, v2  }
0x148: {  	v6 =	vor.u32 v51, v6;
	v2 =	vor.u32 v19, v2;
	v8 =	vld.idx.msk [tilespmem:v8+s17+$0x0], $0xffff;
	v5 =	vadd.s32 v11, v55  }
0x149: {  	v3 =	vadd.s32 v40, v49;
	v6 =	vor.u32 v9, v6;
	v5 =	vor.u32 v54, v5;
	[tilespmem:s8+$0x60] =	vst v7  }
0x14a: {  	v5 =	vor.u32 v15, v5;
	v15 =	vld.idx.msk [tilespmem:v4+s17+$0x0], $0xffff;
	v4 =	vor.u32 v50, v3  }
0x14b: {  	v21 =	vor.u32 v31, v4  }
0x14c: {  	s21 =	simm.s32 $0x4;
	[tilespmem:s16+$0x60] =	vst v10  }
0x14d: {  	v7 =	vmov s21;
	[tilespmem:s0+$0x60] =	vst v8;
	v8 =	vld.idx.msk [tilespmem:v2+s17+$0x0], $0xffff  }
0x14e: {  	v61 =	vadd.s32 v46, v55;
	[tilespmem:s3+$0x50] =	vst v1;
	v57 =	vshll.u32 v7, $0x7;
	v11 =	vshrl.u32 v7, $0x3;
	v7 =	vld.idx.msk [tilespmem:v6+s17+$0x0], $0xffff  }
0x14f: {  	v62 =	vadd.s32 v44, v55;
	v56 =	vadd.s32 v32, v0;
	v4 =	vld.idx.msk [tilespmem:v5+s17+$0x0], $0xffff;
	[tilespmem:s8+$0x70] =	vst v15  }
0x150: {  	v59 =	vadd.s32 v41, v0;
	v58 =	vadd.s32 v34, v0;
	v60 =	vadd.s32 v45, v0;
	v6 =	vld.idx.msk [tilespmem:v21+s17+$0x0], $0xffff  }
0x151: {  	v63 =	vadd.s32 v14, v0;
	v1 =	vadd.s32 v35, v0;
	v2 =	vadd.s32 v22, v52;
	v30 =	vld [tilespmem:$0x1FE40]  }
0x152: {  	v3 =	vadd.s32 v33, v0;
	v0 =	vadd.s32 v40, v0;
	v5 =	vadd.s32 v18, v55;
	v32 =	vld [tilespmem:$0x1FE50]  }
0x153: {  	v43 =	vmovc v14;
	v10 =	vor.u32 v53, v2;
	v2 =	vadd.s32 v33, v49;
	v5 =	vor.u32 v54, v5;
	v34 =	vld [tilespmem:$0x1FE60]  }
0x154: {  	v24 =	vmovc v39;
	v22 =	vmovc v13;
	v0 =	vor.u32 v51, v0;
	v57 =	vand.u32 $0x300, v57;
	v9 =	vor.u32 v19, v5;
	v37 =	vld [tilespmem:$0x1FE70]  }
0x155: {  	s22 =	simm.s32 $0x6;
	s25 =	sshll.u32 s24, $0x1;
	v5 =	vor.u32 v31, v0;
	v0 =	vadd.s32 v23, v55;
	v19 =	vmovc v12;
	v23 =	vmovc v16;
	s8 =	simm.s32 $0x5;
	v21 =	vmov v42;
	v39 =	vld [tilespmem:$0x1FE80]  }
.LBB2_3:
0x156: {  	v12 =	vmov s8  }
0x157: {  	v18 =	vld [tilespmem:$0x1FD70];
	v41 =	vshrl.u32 v12, $0x3  }
0x158: {  	[tilespmem:s3+$0x60] =	vst v4;
	v4 =	vmul.u32 $0xC00, v41;
	v41 =	vld [tilespmem:$0x1FD80];
	_ =	sdelay $0x3  }
0x159: {  	v14 =	vor.u32 v50, v2;
	v2 =	vmov v55;
	v3 =	vor.u32 v51, v3  }
0x15a: {  	v9 =	vld.idx.msk [tilespmem:v9+s17+$0x0], $0xffff;
	[tilespmem:s0+$0x70] =	vst v7;
	v13 =	vor.u32 v18, v10;
	v42 =	vadd.s32 v41, v2  }
0x15b: {  	v14 =	vor.u32 v30, v14;
	v7 =	vshll.u32 v12, $0x7;
	v5 =	vld.idx.msk [tilespmem:v5+s17+$0x0], $0xffff;
	v40 =	vor.u32 v54, v42  }
0x15c: {  	v15 =	vor.u32 v30, v3;
	v3 =	vand.u32 $0x380, v7;
	v7 =	vor.u32 v18, v40;
	v18 =	vld [tilespmem:$0x1FDA0]  }
0x15d: {  	v38 =	vld [tilespmem:$0x1FDE0];
	s11 =	sadd.s32 $0xB180, s29;
	v55 =	vmul.u32 $0xC00, v11;
	v1 =	vor.u32 v51, v1  }
0x15e: {  	s10 =	sadd.s32 s28, s11;
	v1 =	vor.u32 v32, v1;
	[tilespmem:s16+$0x70] =	vst v8;
	v16 =	vadd.s32 v19, v4;
	v40 =	vld [tilespmem:$0x1FD90]  }
0x15f: {  	v8 =	vor.u32 v3, v16;
	v16 =	vadd.s32 v19, v55;
	v11 =	vld.idx.msk [tilespmem:v13+s17+$0x0], $0xffff;
	[tilespmem:s10+$0x0] =	vst v6  }
0x160: {  	s8 =	sadd.s32 s26, s11;
	v16 =	vor.u32 v57, v16;
	[tilespmem:s3+$0x70] =	vst v9;
	v6 =	vor.u32 v17, v8;
	v12 =	vld.idx.msk [tilespmem:v14+s17+$0x0], $0xffff  }
0x161: {  	v42 =	vadd.s32 v18, v52;
	v7 =	vld.idx.msk [tilespmem:v7+s17+$0x0], $0xffff;
	[tilespmem:s8+$0x0] =	vst v5;
	v5 =	vor.u32 v17, v16  }
0x162: {  	s29 =	smov.u32 s31;
	v13 =	vadd.s32 v35, v49;
	v9 =	vadd.s32 v18, v2;
	v8 =	vor.u32 v53, v42;
	v42 =	vld [tilespmem:$0x1FDC0]  }
0x163: {  	s28 =	smov.u32 s2;
	s12 =	sadd.s32 $0xAD80, s29;
	v13 =	vor.u32 v50, v13;
	v9 =	vor.u32 v54, v9;
	v15 =	vld.idx.msk [tilespmem:v15+s17+$0x0], $0xffff;
	v8 =	vor.u32 v40, v8  }
0x164: {  	s11 =	sadd.s32 s28, s12;
	v13 =	vor.u32 v32, v13;
	v16 =	vadd.s32 v21, v4;
	v9 =	vor.u32 v40, v9;
	v40 =	vld [tilespmem:$0x1FDB0]  }
0x165: {  	s13 =	sshrl.u32 s21, $0x3;
	s26 =	smov.u32 s30;
	v10 =	vadd.s32 v38, v2;
	v6 =	vld.idx.msk [tilespmem:v6+s17+$0x0], $0xffff;
	[tilespmem:s11+$0x0] =	vst v11;
	v11 =	vor.u32 v3, v16  }
0x166: {  	s2 =	smul.u32 $0x3000, s13;
	s0 =	sadd.s32 s26, s12;
	v18 =	vmov v17;
	v17 =	vadd.s32 v21, v55;
	v11 =	vor.u32 v20, v11;
	v5 =	vld.idx.msk [tilespmem:v5+s17+$0x0], $0xffff  }
0x167: {  	[tilespmem:s0+$0x0] =	vst v7;
	v14 =	vadd.s32 v42, v2;
	v16 =	vadd.s32 v42, v52;
	v42 =	vadd.s32 v38, v52;
	v38 =	vld [tilespmem:$0x1FE00]  }
0x168: {  	s15 =	sadd.s32 $0x100, s15;
	s31 =	sshra.s32 s2, $0x2;
	v8 =	vld.idx.msk [tilespmem:v8+s17+$0x0], $0xffff;
	[tilespmem:s10+$0x10] =	vst v12;
	v12 =	vor.u32 v53, v16;
	v16 =	vadd.s32 v43, v49  }
0x169: {  	s16 =	sadd.s32 $0xFFFFFF80, s15;
	s2 =	sand.u32 $0x380, s15;
	s12 =	sadd.s32 $0xA980, s31;
	v7 =	vor.u32 v51, v63;
	v13 =	vld.idx.msk [tilespmem:v13+s17+$0x0], $0xffff;
	v12 =	vor.u32 v40, v12;
	v16 =	vor.u32 v50, v16  }
0x16a: {  	s30 =	sand.u32 $0x300, s16;
	s16 =	sadd.s32 s2, s12;
	v63 =	vor.u32 v57, v17;
	v9 =	vld.idx.msk [tilespmem:v9+s17+$0x0], $0xffff;
	[tilespmem:s8+$0x10] =	vst v15;
	v16 =	vor.u32 v34, v16  }
0x16b: {  	s3 =	sadd.s32 s30, s12;
	v14 =	vor.u32 v54, v14;
	v15 =	vor.u32 v20, v63;
	v63 =	vld [tilespmem:$0x1FDD0];
	[tilespmem:s16+$0x0] =	vst v6  }
0x16c: {  	v1 =	vld.idx.msk [tilespmem:v1+s17+$0x0], $0xffff;
	v14 =	vor.u32 v40, v14;
	[tilespmem:s3+$0x0] =	vst v5  }
0x16d: {  	v6 =	vor.u32 v34, v7;
	v7 =	vld.idx.msk [tilespmem:v11+s17+$0x0], $0xffff;
	v11 =	vadd.s32 v23, v4;
	[tilespmem:s11+$0x10] =	vst v8  }
0x16e: {  	v8 =	vor.u32 v3, v11;
	v11 =	vld.idx.msk [tilespmem:v12+s17+$0x0], $0xffff;
	[tilespmem:s10+$0x20] =	vst v13  }
0x16f: {  	v8 =	vor.u32 v22, v8;
	v12 =	vor.u32 v53, v42;
	v13 =	vld.idx.msk [tilespmem:v16+s17+$0x0], $0xffff;
	v16 =	vadd.s32 v45, v49  }
0x170: {  	v15 =	vld.idx.msk [tilespmem:v15+s17+$0x0], $0xffff;
	[tilespmem:s0+$0x10] =	vst v9;
	v12 =	vor.u32 v63, v12;
	v16 =	vor.u32 v50, v16  }
0x171: {  	v5 =	vadd.s32 v23, v55;
	v14 =	vld.idx.msk [tilespmem:v14+s17+$0x0], $0xffff;
	v16 =	vor.u32 v37, v16  }
0x172: {  	v10 =	vor.u32 v54, v10;
	v5 =	vor.u32 v57, v5;
	[tilespmem:s8+$0x20] =	vst v1;
	v42 =	vld [tilespmem:$0x1FF10]  }
0x173: {  	v9 =	vor.u32 v51, v60;
	v1 =	vor.u32 v22, v5;
	[tilespmem:s16+$0x10] =	vst v7;
	v5 =	vld.idx.msk [tilespmem:v6+s17+$0x0], $0xffff  }
0x174: {  	v6 =	vor.u32 v37, v9;
	v9 =	vor.u32 v63, v10;
	v7 =	vld.idx.msk [tilespmem:v8+s17+$0x0], $0xffff;
	[tilespmem:s11+$0x20] =	vst v11  }
0x175: {  	v10 =	vld.idx.msk [tilespmem:v12+s17+$0x0], $0xffff;
	[tilespmem:s10+$0x30] =	vst v13  }
0x176: {  	v8 =	vadd.s32 v25, v4;
	v12 =	vld.idx.msk [tilespmem:v16+s17+$0x0], $0xffff  }
0x177: {  	[tilespmem:s3+$0x10] =	vst v15;
	v8 =	vor.u32 v3, v8;
	v16 =	vld [tilespmem:$0x1FDF0]  }
0x178: {  	v15 =	vadd.s32 v25, v55;
	v1 =	vld.idx.msk [tilespmem:v1+s17+$0x0], $0xffff;
	[tilespmem:s0+$0x20] =	vst v14;
	v8 =	vor.u32 v24, v8  }
0x179: {  	v60 =	vor.u32 v51, v59;
	v15 =	vor.u32 v57, v15;
	v9 =	vld.idx.msk [tilespmem:v9+s17+$0x0], $0xffff  }
0x17a: {  	v11 =	vadd.s32 v38, v52;
	[tilespmem:s8+$0x30] =	vst v5;
	v5 =	vor.u32 v24, v15;
	v15 =	vor.u32 v54, v62;
	v62 =	vld [tilespmem:$0x1FF00]  }
0x17b: {  	v0 =	vor.u32 v54, v0;
	v11 =	vor.u32 v53, v11;
	[tilespmem:s16+$0x20] =	vst v7;
	v7 =	vor.u32 v27, v60;
	v60 =	vld [tilespmem:$0x1FF30]  }
0x17c: {  	v11 =	vor.u32 v16, v11;
	v0 =	vor.u32 v16, v0;
	v16 =	vld [tilespmem:$0x1FD10]  }
0x17d: {  	v63 =	vadd.s32 v26, v4;
	v40 =	vadd.s32 v42, v49;
	v8 =	vld.idx.msk [tilespmem:v8+s17+$0x0], $0xffff  }
0x17e: {  	v13 =	vor.u32 v50, v40;
	[tilespmem:s11+$0x30] =	vst v10;
	v10 =	vor.u32 v3, v63;
	v63 =	vld [tilespmem:$0x1FE10]  }
0x17f: {  	v13 =	vor.u32 v27, v13;
	v6 =	vld.idx.msk [tilespmem:v6+s17+$0x0], $0xffff;
	[tilespmem:s3+$0x20] =	vst v1  }
0x180: {  	v40 =	vadd.s32 v44, v52;
	v5 =	vld.idx.msk [tilespmem:v5+s17+$0x0], $0xffff  }
0x181: {  	v1 =	vadd.s32 v26, v55;
	[tilespmem:s0+$0x30] =	vst v9;
	v11 =	vld.idx.msk [tilespmem:v11+s17+$0x0], $0xffff;
	v10 =	vor.u32 v16, v10  }
0x182: {  	v1 =	vor.u32 v57, v1;
	[tilespmem:s10+$0x40] =	vst v12;
	v12 =	vor.u32 v53, v40;
	v0 =	vld.idx.msk [tilespmem:v0+s17+$0x0], $0xffff  }
0x183: {  	v59 =	vadd.s32 v60, v49;
	v1 =	vor.u32 v16, v1;
	v16 =	vld [tilespmem:$0x1FD40];
	v12 =	vor.u32 v63, v12  }
0x184: {  	v14 =	vor.u32 v50, v59;
	[tilespmem:s8+$0x40] =	vst v6;
	v13 =	vld.idx.msk [tilespmem:v13+s17+$0x0], $0xffff  }
0x185: {  	v9 =	vor.u32 v51, v58;
	v14 =	vor.u32 v36, v14;
	[tilespmem:s16+$0x30] =	vst v8;
	v6 =	vld.idx.msk [tilespmem:v7+s17+$0x0], $0xffff  }
0x186: {  	v7 =	vor.u32 v36, v9;
	v9 =	vadd.s32 v28, v4;
	v8 =	vld.idx.msk [tilespmem:v10+s17+$0x0], $0xffff;
	v10 =	vor.u32 v63, v15  }
0x187: {  	v59 =	vadd.s32 v46, v52;
	v40 =	vld [tilespmem:$0x1FE30];
	v9 =	vor.u32 v3, v9;
	[tilespmem:s11+$0x40] =	vst v11  }
0x188: {  	[tilespmem:s3+$0x30] =	vst v5;
	v9 =	vor.u32 v29, v9;
	v11 =	vld.idx.msk [tilespmem:v12+s17+$0x0], $0xffff;
	v12 =	vor.u32 v53, v59  }
0x189: {  	v1 =	vld.idx.msk [tilespmem:v1+s17+$0x0], $0xffff;
	[tilespmem:s10+$0x50] =	vst v13;
	v12 =	vor.u32 v47, v12  }
0x18a: {  	v5 =	vadd.s32 v28, v55;
	[tilespmem:s0+$0x40] =	vst v0;
	v13 =	vld.idx.msk [tilespmem:v14+s17+$0x0], $0xffff  }
0x18b: {  	v5 =	vor.u32 v57, v5;
	v63 =	vadd.s32 v62, v49;
	v49 =	vmov v52;
	v10 =	vld.idx.msk [tilespmem:v10+s17+$0x0], $0xffff;
	[tilespmem:s8+$0x50] =	vst v6  }
0x18c: {  	v52 =	vmov v4;
	v4 =	vor.u32 v29, v5;
	v14 =	vor.u32 v50, v63;
	[tilespmem:s16+$0x40] =	vst v8;
	v5 =	vld.idx.msk [tilespmem:v7+s17+$0x0], $0xffff  }
0x18d: {  	v50 =	vmov v53;
	v53 =	vmov v3;
	v6 =	vld.idx.msk [tilespmem:v9+s17+$0x0], $0xffff;
	v7 =	vadd.s32 v16, v52;
	[tilespmem:s11+$0x50] =	vst v11  }
0x18e: {  	v14 =	vor.u32 v39, v14;
	v3 =	vor.u32 v53, v7;
	v7 =	vld.idx.msk [tilespmem:v12+s17+$0x0], $0xffff  }
0x18f: {  	v12 =	vld [tilespmem:$0x1FD30]  }
0x190: {  	v0 =	vor.u32 v51, v56  }
0x191: {  	v15 =	vor.u32 v54, v61;
	v0 =	vor.u32 v39, v0;
	v9 =	vadd.s32 v48, v49;
	[tilespmem:s3+$0x40] =	vst v1  }
0x192: {  	v8 =	vor.u32 v47, v15;
	[tilespmem:s10+$0x60] =	vst v13;
	v9 =	vor.u32 v50, v9;
	v4 =	vld.idx.msk [tilespmem:v4+s17+$0x0], $0xffff  }
0x193: {  	v51 =	vmov v54;
	v11 =	vld.idx.msk [tilespmem:v14+s17+$0x0], $0xffff;
	v1 =	vor.u32 v40, v9;
	[tilespmem:s0+$0x50] =	vst v10;
	v10 =	vadd.s32 v48, v2  }
0x194: {  	v9 =	vadd.s32 v16, v55;
	v16 =	vld [tilespmem:$0x1FD60];
	[tilespmem:s16+$0x50] =	vst v6;
	v6 =	vor.u32 v51, v10;
	v3 =	vor.u32 v12, v3  }
0x195: {  	v54 =	vmov v57;
	v6 =	vor.u32 v40, v6;
	v40 =	vld [tilespmem:$0x1FF60]  }
0x196: {  	v57 =	vld [tilespmem:$0x1FD50];
	v9 =	vor.u32 v54, v9  }
0x197: {  	v8 =	vld.idx.msk [tilespmem:v8+s17+$0x0], $0xffff;
	[tilespmem:s8+$0x60] =	vst v5;
	v5 =	vor.u32 v12, v9  }
0x198: {  	v58 =	vadd.s32 v60, v2;
	v60 =	vadd.s32 v45, v2;
	v56 =	vadd.s32 v62, v2;
	v0 =	vld.idx.msk [tilespmem:v0+s17+$0x0], $0xffff  }
0x199: {  	v61 =	vadd.s32 v46, v55;
	v10 =	vld.idx.msk [tilespmem:v3+s17+$0x0], $0xffff;
	v3 =	vadd.s32 v16, v52;
	[tilespmem:s11+$0x60] =	vst v7  }
0x19a: {  	v59 =	vadd.s32 v42, v2;
	v3 =	vor.u32 v53, v3;
	v12 =	vld.idx.msk [tilespmem:v1+s17+$0x0], $0xffff;
	v1 =	vadd.s32 v40, v49  }
0x19b: {  	v63 =	vadd.s32 v43, v2;
	[tilespmem:s3+$0x50] =	vst v4;
	v13 =	vor.u32 v57, v3;
	v9 =	vor.u32 v50, v1  }
0x19c: {  	p4 =	slt.u32 s22, $0x36;
	v7 =	vmov s22;
	v4 =	vld.idx.msk [tilespmem:v5+s17+$0x0], $0xffff;
	v5 =	vadd.s32 v16, v55;
	[tilespmem:s0+$0x60] =	vst v8;
	v42 =	vor.u32 v31, v9  }
.Ltmp2:
0x19d: {  	v17 =	vmovc v18;
	[tilespmem:s10+$0x70] =	vst v11;
	v15 =	vshll.u32 v7, $0x7;
	v11 =	vshrl.u32 v7, $0x3;
	v5 =	vor.u32 v54, v5;
	v7 =	vld.idx.msk [tilespmem:v6+s17+$0x0], $0xffff;
	(pc) =	sbr.rel @p4 .LBB2_3-.Ltmp2, $4  }
0x19e: {  	[tilespmem:s8+$0x70] =	vst v0;
	v3 =	vadd.s32 v33, v2;
	v1 =	vadd.s32 v35, v2;
	v2 =	vadd.s32 v40, v2  }
0x19f: {  	v62 =	vadd.s32 v44, v55;
	v9 =	vor.u32 v57, v5;
	v0 =	vor.u32 v51, v2;
	[tilespmem:s16+$0x60] =	vst v10  }
0x1a0: {  	s21 =	smov.u32 s22;
	v57 =	vand.u32 $0x300, v15;
	v2 =	vadd.s32 v41, v52;
	v5 =	vor.u32 v31, v0;
	v8 =	vld.idx.msk [tilespmem:v13+s17+$0x0], $0xffff;
	[tilespmem:s11+$0x70] =	vst v12  }
0x1a1: {  	s22 =	sadd.s32 $0x2, s22;
	s8 =	sadd.s32 $0x1, s21;
	v0 =	vadd.s32 v38, v55;
	v10 =	vor.u32 v53, v2;
	v2 =	vadd.s32 v33, v49;
	v6 =	vld.idx.msk [tilespmem:v42+s17+$0x0], $0xffff  }
0x1a2: {  	v12 =	vmov s8  }
0x1a3: {  	v15 =	vmul.u32 $0xC00, v11;
	v13 =	vshrl.u32 v12, $0x3  }
0x1a4: {  	v12 =	vshll.u32 v12, $0x7;
	v38 =	vmul.u32 $0xC00, v13  }
0x1a5: {  	v16 =	vand.u32 $0x380, v12;
	v12 =	vadd.s32 v19, v15  }
0x1a6: {  	v12 =	vor.u32 v57, v12;
	v11 =	vadd.s32 v19, v38  }
0x1a7: {  	v12 =	vor.u32 v17, v12;
	v11 =	vor.u32 v16, v11  }
0x1a8: {  	v11 =	vor.u32 v17, v11;
	_ =	sdelay $0x2  }
0x1a9: {  	s21 =	sshrl.u32 s21, $0x3;
	v14 =	vadd.s32 v21, v15  }
0x1aa: {  	s8 =	smul.u32 $0x3000, s21;
	v14 =	vor.u32 v57, v14;
	v13 =	vadd.s32 v21, v38;
	v12 =	vld.idx.msk [tilespmem:v12+s17+$0x0], $0xffff  }
0x1ab: {  	s22 =	sadd.s32 $0x100, s15;
	v14 =	vor.u32 v20, v14;
	v13 =	vor.u32 v16, v13;
	v11 =	vld.idx.msk [tilespmem:v11+s17+$0x0], $0xffff  }
0x1ac: {  	s10 =	sadd.s32 $0xFFFFFF80, s22;
	s21 =	sshra.s32 s8, $0x2;
	v13 =	vor.u32 v20, v13  }
0x1ad: {  	s8 =	sand.u32 $0x300, s10;
	s11 =	sadd.s32 $0xA980, s21  }
0x1ae: {  	s15 =	sand.u32 $0x380, s22;
	s10 =	sadd.s32 s8, s11  }
0x1af: {  	s12 =	sadd.s32 s15, s11;
	[tilespmem:s10+$0x0] =	vst v12;
	v12 =	vadd.s32 v23, v15  }
0x1b0: {  	v14 =	vld.idx.msk [tilespmem:v14+s17+$0x0], $0xffff;
	v12 =	vor.u32 v57, v12;
	[tilespmem:s12+$0x0] =	vst v11;
	v11 =	vadd.s32 v23, v38  }
0x1b1: {  	v12 =	vor.u32 v22, v12;
	v13 =	vld.idx.msk [tilespmem:v13+s17+$0x0], $0xffff;
	v11 =	vor.u32 v16, v11  }
0x1b2: {  	v11 =	vor.u32 v22, v11;
	_ =	sdelay $0x2  }
0x1b3: {  	[tilespmem:s10+$0x10] =	vst v14  }
0x1b4: {  	v12 =	vld.idx.msk [tilespmem:v12+s17+$0x0], $0xffff;
	[tilespmem:s12+$0x10] =	vst v13  }
0x1b5: {  	v11 =	vld.idx.msk [tilespmem:v11+s17+$0x0], $0xffff;
	_ =	sdelay $0x2  }
0x1b6: {  	v13 =	vadd.s32 v25, v38  }
0x1b7: {  	v13 =	vor.u32 v16, v13;
	[tilespmem:s10+$0x20] =	vst v12  }
0x1b8: {  	v13 =	vor.u32 v24, v13;
	[tilespmem:s12+$0x20] =	vst v11  }
0x1b9: {  	v12 =	vadd.s32 v26, v15;
	v11 =	vadd.s32 v26, v38;
	v26 =	vld [tilespmem:$0x1FD10];
	_ =	sdelay $0x1  }
0x1ba: {  	v14 =	vadd.s32 v25, v15  }
0x1bb: {  	v14 =	vor.u32 v57, v14  }
0x1bc: {  	v14 =	vor.u32 v24, v14;
	v13 =	vld.idx.msk [tilespmem:v13+s17+$0x0], $0xffff;
	v11 =	vor.u32 v16, v11  }
0x1bd: {  	v11 =	vor.u32 v26, v11;
	_ =	sdelay $0x3  }
0x1be: {  	v14 =	vld.idx.msk [tilespmem:v14+s17+$0x0], $0xffff;
	v12 =	vor.u32 v57, v12;
	[tilespmem:s12+$0x30] =	vst v13  }
0x1bf: {  	v12 =	vor.u32 v26, v12;
	v11 =	vld.idx.msk [tilespmem:v11+s17+$0x0], $0xffff;
	_ =	sdelay $0x2  }
0x1c0: {  	v13 =	vadd.s32 v28, v38  }
0x1c1: {  	[tilespmem:s10+$0x30] =	vst v14;
	v13 =	vor.u32 v16, v13  }
0x1c2: {  	v13 =	vor.u32 v29, v13;
	v12 =	vld.idx.msk [tilespmem:v12+s17+$0x0], $0xffff;
	[tilespmem:s12+$0x40] =	vst v11  }
0x1c3: {  	v26 =	vld [tilespmem:$0x1FD40];
	_ =	sdelay $0x1  }
0x1c4: {  	v14 =	vadd.s32 v28, v15  }
0x1c5: {  	v14 =	vor.u32 v57, v14  }
0x1c6: {  	v14 =	vor.u32 v29, v14;
	v13 =	vld.idx.msk [tilespmem:v13+s17+$0x0], $0xffff;
	[tilespmem:s10+$0x40] =	vst v12  }
0x1c7: {  	v11 =	vadd.s32 v26, v38;
	v12 =	vadd.s32 v26, v15;
	v26 =	vld [tilespmem:$0x1FD30];
	_ =	sdelay $0x3  }
0x1c8: {  	v14 =	vld.idx.msk [tilespmem:v14+s17+$0x0], $0xffff;
	v11 =	vor.u32 v16, v11;
	v12 =	vor.u32 v57, v12  }
0x1c9: {  	v11 =	vor.u32 v26, v11;
	v12 =	vor.u32 v26, v12;
	v26 =	vld [tilespmem:$0x1FD70];
	[tilespmem:s12+$0x50] =	vst v13  }
0x1ca: {  	v28 =	vld [tilespmem:$0x1FD60];
	_ =	sdelay $0x3  }
0x1cb: {  	[tilespmem:s10+$0x50] =	vst v14  }
0x1cc: {  	v13 =	vadd.s32 v28, v38;
	v14 =	vadd.s32 v28, v15;
	v28 =	vld [tilespmem:$0x1FD50];
	_ =	sdelay $0x1  }
0x1cd: {  	v11 =	vld.idx.msk [tilespmem:v11+s17+$0x0], $0xffff;
	[tilespmem:s3+$0x60] =	vst v4  }
0x1ce: {  	v10 =	vor.u32 v26, v10;
	v29 =	vld [tilespmem:$0x1FD80]  }
0x1cf: {  	v12 =	vld.idx.msk [tilespmem:v12+s17+$0x0], $0xffff;
	v13 =	vor.u32 v16, v13;
	v14 =	vor.u32 v57, v14;
	[tilespmem:s16+$0x70] =	vst v8  }
0x1d0: {  	v13 =	vor.u32 v28, v13;
	v14 =	vor.u32 v28, v14;
	v28 =	vld [tilespmem:$0x1FDA0]  }
0x1d1: {  	v9 =	vld.idx.msk [tilespmem:v9+s17+$0x0], $0xffff  }
0x1d2: {  	v40 =	vld [tilespmem:$0x1FD90]  }
0x1d3: {  	v10 =	vld.idx.msk [tilespmem:v10+s17+$0x0], $0xffff;
	v4 =	vadd.s32 v29, v55  }
0x1d4: {  	[tilespmem:s12+$0x60] =	vst v11;
	v4 =	vor.u32 v54, v4  }
0x1d5: {  	v4 =	vor.u32 v26, v4;
	v8 =	vadd.s32 v28, v52;
	v13 =	vld.idx.msk [tilespmem:v13+s17+$0x0], $0xffff  }
0x1d6: {  	s11 =	sadd.s32 $0xAD80, s31;
	[tilespmem:s10+$0x60] =	vst v12;
	v8 =	vor.u32 v53, v8  }
0x1d7: {  	s13 =	sadd.s32 s2, s11;
	[tilespmem:s3+$0x70] =	vst v9;
	v8 =	vor.u32 v40, v8  }
0x1d8: {  	[tilespmem:s13+$0x0] =	vst v10;
	v14 =	vld.idx.msk [tilespmem:v14+s17+$0x0], $0xffff  }
0x1d9: {  	v11 =	vadd.s32 v29, v38;
	v41 =	vld [tilespmem:$0x1FDC0]  }
0x1da: {  	v11 =	vor.u32 v16, v11;
	v4 =	vld.idx.msk [tilespmem:v4+s17+$0x0], $0xffff;
	[tilespmem:s12+$0x70] =	vst v13  }
0x1db: {  	v11 =	vor.u32 v26, v11;
	v42 =	vld [tilespmem:$0x1FDB0]  }
0x1dc: {  	v12 =	vadd.s32 v29, v15;
	v8 =	vld.idx.msk [tilespmem:v8+s17+$0x0], $0xffff  }
0x1dd: {  	v12 =	vor.u32 v57, v12;
	v9 =	vadd.s32 v28, v55  }
0x1de: {  	v12 =	vor.u32 v26, v12;
	v9 =	vor.u32 v54, v9;
	v10 =	vadd.s32 v41, v52;
	[tilespmem:s10+$0x70] =	vst v14  }
0x1df: {  	v9 =	vor.u32 v40, v9;
	v13 =	vadd.s32 v28, v38;
	s12 =	sadd.s32 s30, s11;
	v10 =	vor.u32 v53, v10;
	[tilespmem:s0+$0x70] =	vst v7  }
0x1e0: {  	v11 =	vld.idx.msk [tilespmem:v11+s17+$0x0], $0xffff;
	v13 =	vor.u32 v16, v13;
	v14 =	vadd.s32 v28, v15;
	[tilespmem:s12+$0x0] =	vst v4  }
0x1e1: {  	s22 =	sadd.s32 $0xB180, s29;
	v7 =	vor.u32 v40, v13;
	v13 =	vor.u32 v57, v14;
	v10 =	vor.u32 v42, v10;
	[tilespmem:s13+$0x10] =	vst v8  }
0x1e2: {  	s0 =	sadd.s32 s28, s22;
	v13 =	vor.u32 v40, v13;
	v40 =	vld [tilespmem:$0x1FDE0]  }
0x1e3: {  	v12 =	vld.idx.msk [tilespmem:v12+s17+$0x0], $0xffff;
	[tilespmem:s0+$0x0] =	vst v6  }
0x1e4: {  	v4 =	vadd.s32 v41, v55;
	v28 =	vld [tilespmem:$0x1FDD0]  }
0x1e5: {  	v9 =	vld.idx.msk [tilespmem:v9+s17+$0x0], $0xffff;
	v4 =	vor.u32 v54, v4  }
0x1e6: {  	s28 =	sadd.s32 $0xAD80, s21;
	v4 =	vor.u32 v42, v4;
	v6 =	vld.idx.msk [tilespmem:v10+s17+$0x0], $0xffff  }
0x1e7: {  	s29 =	sadd.s32 s15, s28;
	v5 =	vld.idx.msk [tilespmem:v5+s17+$0x0], $0xffff;
	v8 =	vadd.s32 v40, v52  }
0x1e8: {  	s16 =	sadd.s32 s8, s28;
	[tilespmem:s29+$0x0] =	vst v11;
	v8 =	vor.u32 v53, v8  }
0x1e9: {  	[tilespmem:s16+$0x0] =	vst v12;
	v7 =	vld.idx.msk [tilespmem:v7+s17+$0x0], $0xffff;
	v8 =	vor.u32 v28, v8  }
0x1ea: {  	[tilespmem:s12+$0x10] =	vst v9;
	v13 =	vld.idx.msk [tilespmem:v13+s17+$0x0], $0xffff  }
0x1eb: {  	s3 =	sadd.s32 s26, s22;
	v4 =	vld.idx.msk [tilespmem:v4+s17+$0x0], $0xffff;
	[tilespmem:s13+$0x20] =	vst v6  }
0x1ec: {  	v10 =	vadd.s32 v41, v38;
	v26 =	vld [tilespmem:$0x1FE00];
	[tilespmem:s3+$0x0] =	vst v5  }
0x1ed: {  	v10 =	vor.u32 v16, v10;
	v14 =	vld [tilespmem:$0x1FDF0]  }
0x1ee: {  	v11 =	vadd.s32 v41, v15;
	v10 =	vor.u32 v42, v10;
	v8 =	vld.idx.msk [tilespmem:v8+s17+$0x0], $0xffff  }
0x1ef: {  	v11 =	vor.u32 v57, v11  }
0x1f0: {  	v2 =	vor.u32 v50, v2;
	v9 =	vor.u32 v42, v11;
	v12 =	vadd.s32 v40, v55;
	[tilespmem:s29+$0x10] =	vst v7  }
0x1f1: {  	v2 =	vor.u32 v30, v2;
	v11 =	vor.u32 v54, v12;
	[tilespmem:s16+$0x10] =	vst v13;
	v6 =	vadd.s32 v26, v52  }
0x1f2: {  	v5 =	vor.u32 v28, v11;
	[tilespmem:s12+$0x20] =	vst v4;
	v6 =	vor.u32 v53, v6  }
0x1f3: {  	v3 =	vor.u32 v51, v3;
	v10 =	vld.idx.msk [tilespmem:v10+s17+$0x0], $0xffff;
	v6 =	vor.u32 v14, v6;
	[tilespmem:s13+$0x30] =	vst v8  }
0x1f4: {  	v3 =	vor.u32 v30, v3;
	v7 =	vadd.s32 v40, v38;
	v13 =	vld [tilespmem:$0x1FE10]  }
0x1f5: {  	v11 =	vadd.s32 v40, v15;
	v7 =	vor.u32 v16, v7;
	v9 =	vld.idx.msk [tilespmem:v9+s17+$0x0], $0xffff  }
0x1f6: {  	v2 =	vld.idx.msk [tilespmem:v2+s17+$0x0], $0xffff;
	v11 =	vor.u32 v57, v11;
	v7 =	vor.u32 v28, v7  }
0x1f7: {  	v0 =	vor.u32 v54, v0;
	v11 =	vor.u32 v28, v11;
	v5 =	vld.idx.msk [tilespmem:v5+s17+$0x0], $0xffff;
	v8 =	vadd.s32 v44, v52  }
0x1f8: {  	v12 =	vadd.s32 v35, v49;
	v0 =	vor.u32 v14, v0;
	v8 =	vor.u32 v53, v8;
	v6 =	vld.idx.msk [tilespmem:v6+s17+$0x0], $0xffff  }
0x1f9: {  	v4 =	vor.u32 v50, v12;
	v3 =	vld.idx.msk [tilespmem:v3+s17+$0x0], $0xffff;
	[tilespmem:s29+$0x20] =	vst v10;
	v8 =	vor.u32 v13, v8  }
0x1fa: {  	v4 =	vor.u32 v32, v4;
	v10 =	vadd.s32 v26, v38;
	[tilespmem:s16+$0x20] =	vst v9;
	v9 =	vadd.s32 v26, v15  }
0x1fb: {  	[tilespmem:s0+$0x10] =	vst v2;
	v7 =	vld.idx.msk [tilespmem:v7+s17+$0x0], $0xffff;
	v10 =	vor.u32 v16, v10;
	v9 =	vor.u32 v57, v9  }
0x1fc: {  	[tilespmem:s12+$0x30] =	vst v5;
	v2 =	vor.u32 v14, v10;
	v10 =	vld.idx.msk [tilespmem:v11+s17+$0x0], $0xffff;
	v5 =	vor.u32 v14, v9  }
0x1fd: {  	v0 =	vld.idx.msk [tilespmem:v0+s17+$0x0], $0xffff;
	v9 =	vor.u32 v54, v62;
	[tilespmem:s13+$0x40] =	vst v6;
	v6 =	vadd.s32 v46, v52  }
0x1fe: {  	[tilespmem:s3+$0x10] =	vst v3;
	v3 =	vor.u32 v13, v9;
	v6 =	vor.u32 v53, v6;
	v8 =	vld.idx.msk [tilespmem:v8+s17+$0x0], $0xffff  }
0x1ff: {  	v6 =	vor.u32 v47, v6  }
0x200: {  	v1 =	vor.u32 v51, v1;
	v4 =	vld.idx.msk [tilespmem:v4+s17+$0x0], $0xffff;
	[tilespmem:s29+$0x30] =	vst v7;
	v7 =	vadd.s32 v44, v38  }
0x201: {  	v9 =	vadd.s32 v44, v15;
	[tilespmem:s16+$0x30] =	vst v10;
	v2 =	vld.idx.msk [tilespmem:v2+s17+$0x0], $0xffff;
	v7 =	vor.u32 v16, v7  }
0x202: {  	v9 =	vor.u32 v57, v9;
	[tilespmem:s12+$0x40] =	vst v0;
	v7 =	vor.u32 v13, v7;
	v5 =	vld.idx.msk [tilespmem:v5+s17+$0x0], $0xffff  }
0x203: {  	v0 =	vor.u32 v32, v1;
	v1 =	vor.u32 v13, v9;
	v3 =	vld.idx.msk [tilespmem:v3+s17+$0x0], $0xffff;
	[tilespmem:s13+$0x50] =	vst v8  }
0x204: {  	v6 =	vld.idx.msk [tilespmem:v6+s17+$0x0], $0xffff  }
0x205: {  	[tilespmem:s0+$0x20] =	vst v4;
	v9 =	vor.u32 v54, v61  }
0x206: {  	v44 =	vadd.s32 v46, v38;
	v4 =	vor.u32 v47, v9;
	v26 =	vld [tilespmem:$0x1FE30];
	[tilespmem:s29+$0x40] =	vst v2  }
0x207: {  	[tilespmem:s16+$0x40] =	vst v5;
	v5 =	vadd.s32 v46, v15;
	v2 =	vor.u32 v16, v44;
	v7 =	vld.idx.msk [tilespmem:v7+s17+$0x0], $0xffff  }
0x208: {  	[tilespmem:s12+$0x50] =	vst v3;
	v2 =	vor.u32 v47, v2;
	v1 =	vld.idx.msk [tilespmem:v1+s17+$0x0], $0xffff;
	v5 =	vor.u32 v57, v5  }
0x209: {  	v8 =	vadd.s32 v48, v52;
	v5 =	vor.u32 v47, v5;
	[tilespmem:s13+$0x60] =	vst v6  }
0x20a: {  	v9 =	vadd.s32 v43, v49;
	v8 =	vor.u32 v53, v8;
	v29 =	vld [tilespmem:$0x1FF60]  }
0x20b: {  	v10 =	vor.u32 v51, v63;
	v9 =	vor.u32 v50, v9;
	v8 =	vor.u32 v26, v8  }
0x20c: {  	v9 =	vor.u32 v34, v9;
	v3 =	vadd.s32 v48, v55;
	v4 =	vld.idx.msk [tilespmem:v4+s17+$0x0], $0xffff;
	[tilespmem:s29+$0x50] =	vst v7  }
0x20d: {  	v3 =	vor.u32 v54, v3;
	v7 =	vadd.s32 v48, v38;
	[tilespmem:s16+$0x50] =	vst v1;
	v2 =	vld.idx.msk [tilespmem:v2+s17+$0x0], $0xffff  }
0x20e: {  	v63 =	vadd.s32 v48, v15;
	v3 =	vor.u32 v26, v3;
	v7 =	vor.u32 v16, v7;
	v5 =	vld.idx.msk [tilespmem:v5+s17+$0x0], $0xffff  }
0x20f: {  	v1 =	vor.u32 v57, v63;
	v7 =	vor.u32 v26, v7;
	v6 =	vadd.s32 v29, v52  }
0x210: {  	v1 =	vor.u32 v26, v1;
	v8 =	vld.idx.msk [tilespmem:v8+s17+$0x0], $0xffff;
	v6 =	vor.u32 v53, v6  }
0x211: {  	v10 =	vor.u32 v34, v10;
	v0 =	vld.idx.msk [tilespmem:v0+s17+$0x0], $0xffff;
	[tilespmem:s12+$0x60] =	vst v4;
	v6 =	vor.u32 v31, v6  }
0x212: {  	v62 =	vmov v46;
	v9 =	vld.idx.msk [tilespmem:v9+s17+$0x0], $0xffff;
	v4 =	vadd.s32 v29, v55;
	v46 =	vadd.s32 v29, v38;
	[tilespmem:s29+$0x60] =	vst v2  }
0x213: {  	v3 =	vld.idx.msk [tilespmem:v3+s17+$0x0], $0xffff;
	v4 =	vor.u32 v54, v4;
	v2 =	vor.u32 v16, v46;
	[tilespmem:s16+$0x60] =	vst v5  }
0x214: {  	v5 =	vadd.s32 v29, v15;
	v44 =	vor.u32 v31, v4;
	v7 =	vld.idx.msk [tilespmem:v7+s17+$0x0], $0xffff;
	v2 =	vor.u32 v31, v2  }
0x215: {  	v1 =	vld.idx.msk [tilespmem:v1+s17+$0x0], $0xffff;
	v5 =	vor.u32 v57, v5;
	[tilespmem:s13+$0x70] =	vst v8;
	v8 =	vadd.s32 v33, v52  }
0x216: {  	[tilespmem:s3+$0x20] =	vst v0;
	v5 =	vor.u32 v31, v5;
	v4 =	vld.idx.msk [tilespmem:v6+s17+$0x0], $0xffff;
	v6 =	vor.u32 v53, v8  }
0x217: {  	[tilespmem:s0+$0x30] =	vst v9;
	v6 =	vor.u32 v30, v6  }
0x218: {  	v9 =	vld.idx.msk [tilespmem:v10+s17+$0x0], $0xffff;
	[tilespmem:s12+$0x70] =	vst v3  }
0x219: {  	s13 =	sadd.s32 $0xB180, s31;
	v0 =	vld.idx.msk [tilespmem:v44+s17+$0x0], $0xffff;
	[tilespmem:s29+$0x70] =	vst v7  }
0x21a: {  	s22 =	sadd.s32 s2, s13;
	[tilespmem:s16+$0x70] =	vst v1;
	v2 =	vld.idx.msk [tilespmem:v2+s17+$0x0], $0xffff  }
0x21b: {  	v10 =	vor.u32 v51, v60;
	v5 =	vld.idx.msk [tilespmem:v5+s17+$0x0], $0xffff;
	[tilespmem:s22+$0x0] =	vst v4  }
0x21c: {  	v10 =	vor.u32 v37, v10;
	v3 =	vadd.s32 v33, v55;
	v6 =	vld.idx.msk [tilespmem:v6+s17+$0x0], $0xffff  }
0x21d: {  	[tilespmem:s3+$0x30] =	vst v9;
	v3 =	vor.u32 v54, v3;
	s28 =	sadd.s32 s30, s13;
	v7 =	vadd.s32 v33, v38;
	s29 =	sadd.s32 $0xB180, s21  }
0x21e: {  	v3 =	vor.u32 v30, v3;
	v7 =	vor.u32 v16, v7;
	s30 =	sadd.s32 s15, s29;
	v4 =	vadd.s32 v35, v52;
	[tilespmem:s28+$0x0] =	vst v0  }
0x21f: {  	v47 =	vadd.s32 v33, v15;
	s8 =	sadd.s32 s8, s29;
	v7 =	vor.u32 v30, v7;
	v4 =	vor.u32 v53, v4;
	[tilespmem:s30+$0x0] =	vst v2  }
0x220: {  	v8 =	vadd.s32 v45, v49;
	v1 =	vor.u32 v57, v47;
	[tilespmem:s8+$0x0] =	vst v5;
	v4 =	vor.u32 v32, v4  }
0x221: {  	v61 =	vmov v48;
	v10 =	vld.idx.msk [tilespmem:v10+s17+$0x0], $0xffff;
	v8 =	vor.u32 v50, v8;
	v48 =	vor.u32 v30, v1;
	[tilespmem:s22+$0x10] =	vst v6  }
0x222: {  	v63 =	vadd.s32 v35, v55;
	v8 =	vor.u32 v37, v8;
	v60 =	vld [tilespmem:$0x1FF10]  }
0x223: {  	v1 =	vor.u32 v54, v63;
	v3 =	vld.idx.msk [tilespmem:v3+s17+$0x0], $0xffff  }
0x224: {  	v1 =	vor.u32 v32, v1;
	v7 =	vld.idx.msk [tilespmem:v7+s17+$0x0], $0xffff;
	v6 =	vadd.s32 v43, v52  }
0x225: {  	v33 =	vadd.s32 v35, v38;
	v4 =	vld.idx.msk [tilespmem:v4+s17+$0x0], $0xffff;
	v6 =	vor.u32 v53, v6  }
0x226: {  	v9 =	vadd.s32 v35, v15;
	v2 =	vor.u32 v16, v33;
	v0 =	vld.idx.msk [tilespmem:v48+s17+$0x0], $0xffff;
	v6 =	vor.u32 v34, v6  }
0x227: {  	v9 =	vor.u32 v57, v9;
	v8 =	vld.idx.msk [tilespmem:v8+s17+$0x0], $0xffff;
	v2 =	vor.u32 v32, v2;
	v5 =	vadd.s32 v60, v49  }
0x228: {  	v9 =	vor.u32 v32, v9;
	v44 =	vadd.s32 v43, v15;
	[tilespmem:s28+$0x10] =	vst v3;
	v5 =	vor.u32 v50, v5  }
0x229: {  	v3 =	vadd.s32 v43, v55;
	[tilespmem:s30+$0x10] =	vst v7;
	v1 =	vld.idx.msk [tilespmem:v1+s17+$0x0], $0xffff;
	v5 =	vor.u32 v27, v5  }
0x22a: {  	v7 =	vadd.s32 v43, v38;
	v3 =	vor.u32 v54, v3;
	[tilespmem:s22+$0x20] =	vst v4;
	v4 =	vadd.s32 v45, v52  }
0x22b: {  	[tilespmem:s8+$0x10] =	vst v0;
	v3 =	vor.u32 v34, v3;
	v4 =	vor.u32 v53, v4;
	v6 =	vld.idx.msk [tilespmem:v6+s17+$0x0], $0xffff  }
0x22c: {  	[tilespmem:s0+$0x40] =	vst v8;
	v2 =	vld.idx.msk [tilespmem:v2+s17+$0x0], $0xffff;
	v7 =	vor.u32 v16, v7;
	v4 =	vor.u32 v37, v4  }
0x22d: {  	v0 =	vor.u32 v57, v44;
	[tilespmem:s3+$0x40] =	vst v10;
	v8 =	vld.idx.msk [tilespmem:v9+s17+$0x0], $0xffff;
	v7 =	vor.u32 v34, v7  }
0x22e: {  	v0 =	vor.u32 v34, v0;
	[tilespmem:s28+$0x20] =	vst v1;
	v5 =	vld.idx.msk [tilespmem:v5+s17+$0x0], $0xffff  }
0x22f: {  	v44 =	vld [tilespmem:$0x1FF30]  }
0x230: {  	v3 =	vld.idx.msk [tilespmem:v3+s17+$0x0], $0xffff;
	[tilespmem:s22+$0x30] =	vst v6  }
0x231: {  	v48 =	vadd.s32 v45, v38;
	[tilespmem:s30+$0x20] =	vst v2;
	v4 =	vld.idx.msk [tilespmem:v4+s17+$0x0], $0xffff  }
0x232: {  	v10 =	vadd.s32 v45, v55;
	v9 =	vor.u32 v51, v59;
	[tilespmem:s8+$0x20] =	vst v8;
	v7 =	vld.idx.msk [tilespmem:v7+s17+$0x0], $0xffff  }
0x233: {  	v10 =	vor.u32 v54, v10;
	v9 =	vor.u32 v27, v9;
	v0 =	vld.idx.msk [tilespmem:v0+s17+$0x0], $0xffff;
	[tilespmem:s0+$0x50] =	vst v5  }
0x234: {  	v47 =	vmovc v35;
	v2 =	vor.u32 v16, v48;
	v6 =	vor.u32 v37, v10;
	v10 =	vadd.s32 v45, v15;
	v35 =	vld [tilespmem:$0x1FF00]  }
0x235: {  	v8 =	vadd.s32 v60, v52;
	v2 =	vor.u32 v37, v2;
	v10 =	vor.u32 v57, v10;
	[tilespmem:s28+$0x30] =	vst v3  }
0x236: {  	v46 =	vadd.s32 v44, v49;
	v5 =	vor.u32 v53, v8;
	v8 =	vor.u32 v37, v10;
	[tilespmem:s22+$0x40] =	vst v4  }
0x237: {  	v1 =	vor.u32 v50, v46;
	v5 =	vor.u32 v27, v5;
	[tilespmem:s30+$0x30] =	vst v7  }
0x238: {  	v3 =	vadd.s32 v60, v55;
	v4 =	vld.idx.msk [tilespmem:v9+s17+$0x0], $0xffff;
	v7 =	vadd.s32 v60, v38;
	[tilespmem:s8+$0x30] =	vst v0  }
0x239: {  	v3 =	vor.u32 v54, v3;
	v6 =	vld.idx.msk [tilespmem:v6+s17+$0x0], $0xffff;
	v7 =	vor.u32 v16, v7;
	v10 =	vadd.s32 v35, v49  }
0x23a: {  	v2 =	vld.idx.msk [tilespmem:v2+s17+$0x0], $0xffff;
	v3 =	vor.u32 v27, v3;
	v10 =	vor.u32 v50, v10;
	v50 =	vadd.s32 v60, v15  }
0x23b: {  	v12 =	vadd.s32 v44, v52;
	v7 =	vor.u32 v27, v7;
	v8 =	vld.idx.msk [tilespmem:v8+s17+$0x0], $0xffff;
	v0 =	vor.u32 v57, v50  }
0x23c: {  	v11 =	vor.u32 v51, v56;
	v12 =	vor.u32 v53, v12;
	v5 =	vld.idx.msk [tilespmem:v5+s17+$0x0], $0xffff;
	v0 =	vor.u32 v27, v0  }
0x23d: {  	v1 =	vor.u32 v36, v1;
	v9 =	vor.u32 v51, v58;
	[tilespmem:s3+$0x50] =	vst v4;
	v4 =	vadd.s32 v44, v55  }
0x23e: {  	v58 =	vadd.s32 v44, v38;
	[tilespmem:s28+$0x40] =	vst v6;
	v6 =	vor.u32 v36, v9;
	v4 =	vor.u32 v54, v4  }
0x23f: {  	v9 =	vor.u32 v36, v12;
	[tilespmem:s30+$0x40] =	vst v2;
	v2 =	vor.u32 v16, v58;
	v3 =	vld.idx.msk [tilespmem:v3+s17+$0x0], $0xffff  }
0x240: {  	v4 =	vor.u32 v36, v4;
	v7 =	vld.idx.msk [tilespmem:v7+s17+$0x0], $0xffff;
	[tilespmem:s8+$0x40] =	vst v8;
	v8 =	vadd.s32 v44, v15  }
0x241: {  	v2 =	vor.u32 v36, v2;
	[tilespmem:s22+$0x50] =	vst v5;
	v5 =	vor.u32 v57, v8;
	v0 =	vld.idx.msk [tilespmem:v0+s17+$0x0], $0xffff  }
0x242: {  	v1 =	vld.idx.msk [tilespmem:v1+s17+$0x0], $0xffff;
	v12 =	vadd.s32 v35, v52;
	v8 =	vadd.s32 v35, v55;
	v5 =	vor.u32 v36, v5  }
0x243: {  	v12 =	vor.u32 v53, v12;
	v10 =	vor.u32 v39, v10;
	v8 =	vor.u32 v54, v8;
	v6 =	vld.idx.msk [tilespmem:v6+s17+$0x0], $0xffff  }
0x244: {  	v9 =	vld.idx.msk [tilespmem:v9+s17+$0x0], $0xffff;
	[tilespmem:s28+$0x50] =	vst v3;
	v3 =	vor.u32 v39, v11;
	v11 =	vadd.s32 v35, v38  }
0x245: {  	[tilespmem:s30+$0x50] =	vst v7;
	v7 =	vor.u32 v16, v11;
	v11 =	vor.u32 v39, v12;
	v4 =	vld.idx.msk [tilespmem:v4+s17+$0x0], $0xffff  }
0x246: {  	v59 =	vor.u32 v39, v8;
	v8 =	vadd.s32 v35, v15;
	v2 =	vld.idx.msk [tilespmem:v2+s17+$0x0], $0xffff;
	[tilespmem:s8+$0x50] =	vst v0  }
0x247: {  	[tilespmem:s0+$0x60] =	vst v1;
	v63 =	vor.u32 v57, v8;
	v7 =	vor.u32 v39, v7;
	v5 =	vld.idx.msk [tilespmem:v5+s17+$0x0], $0xffff  }
0x248: {  	v1 =	vor.u32 v39, v63;
	[tilespmem:s3+$0x60] =	vst v6;
	v6 =	vld.idx.msk [tilespmem:v10+s17+$0x0], $0xffff  }
0x249: {  	[tilespmem:s22+$0x60] =	vst v9;
	v3 =	vld.idx.msk [tilespmem:v3+s17+$0x0], $0xffff  }
0x24a: {  	[tilespmem:s28+$0x60] =	vst v4;
	v4 =	vld.idx.msk [tilespmem:v11+s17+$0x0], $0xffff  }
0x24b: {  	[tilespmem:s30+$0x60] =	vst v2;
	v0 =	vld.idx.msk [tilespmem:v59+s17+$0x0], $0xffff  }
0x24c: {  	v2 =	vld.idx.msk [tilespmem:v7+s17+$0x0], $0xffff;
	[tilespmem:s8+$0x60] =	vst v5  }
0x24d: {  	[tilespmem:s0+$0x70] =	vst v6;
	v1 =	vld.idx.msk [tilespmem:v1+s17+$0x0], $0xffff  }
0x24e: {  	[tilespmem:s3+$0x70] =	vst v3  }
0x24f: {  	[tilespmem:s22+$0x70] =	vst v4  }
0x250: {  	[tilespmem:s28+$0x70] =	vst v0  }
0x251: {  	[tilespmem:s30+$0x70] =	vst v2  }
0x252: {  	[tilespmem:s8+$0x70] =	vst v1  }
0x253: {  	v10 =	vld [tilespmem:$0x1FD10]  }
0x254: {  	v8 =	vmov v23;
	v23 =	vmov v25;
	v25 =	vld [tilespmem:$0x1FD30]  }
0x255: {  	s26 =	smul.u32 $0x70, s24;
	v5 =	vmov v24;
	v24 =	vld [tilespmem:$0x1FD40]  }
0x256: {  	v30 =	vld [tilespmem:$0x1FD50]  }
0x257: {  	p4 =	seq.s32 s24, $0xD;
	s31 =	sadd.s32 s5, s26;
	v31 =	vld [tilespmem:$0x1FD60]  }
.Ltmp3:
0x258: {  	s0 =	sshrl.u32 s31, $0x3;
	v38 =	vld [tilespmem:$0x1FD70];
	(pc) =	sbr.rel @p4 .LBB2_6-.Ltmp3, $4  }
0x259: {  	s0 =	smul.u32 $0x180, s0;
	v32 =	vld [tilespmem:$0x1FD80]  }
0x25a: {  	v33 =	vmov v45;
	v48 =	vmov v43;
	v36 =	vld [tilespmem:$0x1FD90]  }
0x25b: {  	v46 =	vmovc v13;
	v13 =	vmovc v44;
	v15 =	vmov v28;
	v28 =	vmov v35;
	v4 =	vmov v21;
	s0 =	sadd.s32 s4, s0;
	v21 =	vld [tilespmem:$0x1FDA0]  }
0x25c: {  	v16 =	vmovc v40;
	v57 =	vmovc v29;
	v29 =	vmov v60;
	v39 =	vmov v20;
	v9 =	vmov v41;
	[hbm4b:s0+s6] =	stream.linear.scatter [tilespmem:s18], [sflag:$0x3], $0x5400, $0x38;
	v34 =	vld [tilespmem:$0x1FE00]  }
0x25d: {  	s0 =	sadd.s32 $0x2, s25  }
0x25e: {  	s2 =	smul.u32 @!p0 $0x38, s0;
	_ =	sdelay $0x1  }
0x25f: {  	s2 =	sadd.s32 @!p0 s5, s2  }
0x260: {  	s2 =	sshrl.u32 @!p0 s2, $0x3  }
0x261: {  	s2 =	smul.u32 @!p0 $0x180, s2;
	_ =	sdelay $0x1  }
0x262: {  	s3 =	simm.s32 @!p0 $0x0;
	s8 =	simm.s32 @!p0 $0x180;
	s2 =	sadd.s32 @!p0 s1, s2  }
0x263: {  	[tilespmem:s8], [sflag:$0x1] =	stream.linear.gather @!p0 [hbm4b:s2+s3], $0x400, $0x38;
	[tilespmem:$0x15180] =	vst v63  }
0x264: {  	s10 =	simm.s32 @!p0 $0xD80;
	s8 =	sadd.s32 @!p0 $0x180, s2  }
0x265: {  	[tilespmem:s10], [sflag:$0x1] =	stream.linear.gather @!p0 [hbm4b:s8+s3], $0x400, $0x38;
	[tilespmem:$0x15180] =	vst v63  }
0x266: {  	s8 =	sadd.s32 @!p0 $0x300, s2;
	s10 =	simm.s32 @!p0 $0x1980  }
0x267: {  	[tilespmem:s10], [sflag:$0x1] =	stream.linear.gather @!p0 [hbm4b:s8+s3], $0x400, $0x38;
	[tilespmem:$0x15180] =	vst v63  }
0x268: {  	s8 =	sadd.s32 @!p0 $0x480, s2;
	s10 =	simm.s32 @!p0 $0x2580  }
0x269: {  	[tilespmem:s10], [sflag:$0x1] =	stream.linear.gather @!p0 [hbm4b:s8+s3], $0x400, $0x38;
	[tilespmem:$0x15180] =	vst v63  }
0x26a: {  	s8 =	sadd.s32 @!p0 $0x600, s2;
	s10 =	simm.s32 @!p0 $0x3180  }
0x26b: {  	[tilespmem:s10], [sflag:$0x1] =	stream.linear.gather @!p0 [hbm4b:s8+s3], $0x400, $0x38;
	[tilespmem:$0x15180] =	vst v63  }
0x26c: {  	s11 =	smul.u32 @!p1 $0x38, s0;
	s8 =	sadd.s32 @!p0 $0x780, s2;
	s10 =	simm.s32 @!p0 $0x3D80  }
0x26d: {  	[tilespmem:s10], [sflag:$0x1] =	stream.linear.gather @!p0 [hbm4b:s8+s3], $0x400, $0x38;
	[tilespmem:$0x15180] =	vst v63  }
0x26e: {  	s8 =	sadd.s32 @!p1 s5, s11  }
0x26f: {  	s8 =	sshrl.u32 @!p1 s8, $0x3  }
0x270: {  	s2 =	sadd.s32 @!p0 $0x900, s2;
	s10 =	simm.s32 @!p0 $0x4980;
	s8 =	smul.u32 @!p1 $0x180, s8  }
0x271: {  	[tilespmem:s10], [sflag:$0x1] =	stream.linear.gather @!p0 [hbm4b:s2+s3], $0x400, $0x38;
	[tilespmem:$0x15180] =	vst v63  }
0x272: {  	s3 =	simm.s32 @!p1 $0x0;
	s2 =	sadd.s32 @!p1 s8, s9;
	s8 =	simm.s32 @!p1 $0x580  }
0x273: {  	[tilespmem:s8], [sflag:$0x1] =	stream.linear.gather @!p1 [hbm4b:s2+s3], $0x400, $0x38;
	[tilespmem:$0x15180] =	vst v63  }
0x274: {  	s0 =	smul.u32 @!p2 $0x38, s0;
	s10 =	simm.s32 @!p1 $0x1180;
	s8 =	sadd.s32 @!p1 $0x180, s2  }
0x275: {  	[tilespmem:s10], [sflag:$0x1] =	stream.linear.gather @!p1 [hbm4b:s8+s3], $0x400, $0x38;
	[tilespmem:$0x15180] =	vst v63  }
0x276: {  	s0 =	sadd.s32 @!p2 s5, s0;
	s8 =	sadd.s32 @!p1 $0x300, s2;
	s10 =	simm.s32 @!p1 $0x1D80  }
0x277: {  	[tilespmem:s10], [sflag:$0x1] =	stream.linear.gather @!p1 [hbm4b:s8+s3], $0x400, $0x38;
	[tilespmem:$0x15180] =	vst v63  }
0x278: {  	s0 =	sshrl.u32 @!p2 s0, $0x3;
	s8 =	sadd.s32 @!p1 $0x480, s2;
	s10 =	simm.s32 @!p1 $0x2980  }
0x279: {  	[tilespmem:s10], [sflag:$0x1] =	stream.linear.gather @!p1 [hbm4b:s8+s3], $0x400, $0x38;
	[tilespmem:$0x15180] =	vst v63  }
0x27a: {  	s0 =	smul.u32 @!p2 $0xC00, s0;
	s8 =	sadd.s32 @!p1 $0x600, s2;
	s10 =	simm.s32 @!p1 $0x3580  }
0x27b: {  	[tilespmem:s10], [sflag:$0x1] =	stream.linear.gather @!p1 [hbm4b:s8+s3], $0x400, $0x38;
	[tilespmem:$0x15180] =	vst v63  }
0x27c: {  	s0 =	sshrl.u32 @!p2 s0, $0x3;
	s8 =	sadd.s32 @!p1 $0x780, s2;
	s10 =	simm.s32 @!p1 $0x4180  }
0x27d: {  	[tilespmem:s10], [sflag:$0x1] =	stream.linear.gather @!p1 [hbm4b:s8+s3], $0x400, $0x38;
	[tilespmem:$0x15180] =	vst v63  }
0x27e: {  	s0 =	sadd.s32 @!p2 s1, s0;
	s2 =	sadd.s32 @!p1 $0x900, s2;
	s8 =	simm.s32 @!p1 $0x4D80  }
0x27f: {  	[tilespmem:s8], [sflag:$0x1] =	stream.linear.gather @!p1 [hbm4b:s2+s3], $0x400, $0x38;
	[tilespmem:$0x15180] =	vst v63  }
0x280: {  	s2 =	sadd.s32 @!p2 $0x100, s0;
	s3 =	simm.s32 @!p2 $0x0;
	s8 =	simm.s32 @!p2 $0x980  }
0x281: {  	[tilespmem:s8], [sflag:$0x1] =	stream.linear.gather @!p2 [hbm4b:s2+s3], $0x400, $0x38;
	[tilespmem:$0x15180] =	vst v63  }
0x282: {  	s2 =	sadd.s32 @!p2 $0x280, s0;
	s8 =	simm.s32 @!p2 $0x1580  }
0x283: {  	[tilespmem:s8], [sflag:$0x1] =	stream.linear.gather @!p2 [hbm4b:s2+s3], $0x400, $0x38;
	[tilespmem:$0x15180] =	vst v63  }
0x284: {  	s2 =	sadd.s32 @!p2 $0x400, s0;
	s8 =	simm.s32 @!p2 $0x2180  }
0x285: {  	[tilespmem:s8], [sflag:$0x1] =	stream.linear.gather @!p2 [hbm4b:s2+s3], $0x400, $0x38;
	[tilespmem:$0x15180] =	vst v63  }
0x286: {  	s2 =	sadd.s32 @!p2 $0x580, s0;
	s8 =	simm.s32 @!p2 $0x2D80  }
0x287: {  	[tilespmem:s8], [sflag:$0x1] =	stream.linear.gather @!p2 [hbm4b:s2+s3], $0x400, $0x38;
	[tilespmem:$0x15180] =	vst v63  }
0x288: {  	s2 =	sadd.s32 @!p2 $0x700, s0;
	s8 =	simm.s32 @!p2 $0x3980  }
0x289: {  	[tilespmem:s8], [sflag:$0x1] =	stream.linear.gather @!p2 [hbm4b:s2+s3], $0x400, $0x38;
	[tilespmem:$0x15180] =	vst v63  }
0x28a: {  	s2 =	sadd.s32 @!p2 $0x880, s0;
	s8 =	simm.s32 @!p2 $0x4580  }
0x28b: {  	[tilespmem:s8], [sflag:$0x1] =	stream.linear.gather @!p2 [hbm4b:s2+s3], $0x400, $0x38;
	[tilespmem:$0x15180] =	vst v63  }
0x28c: {  	s0 =	sadd.s32 @!p2 $0xA00, s0;
	s2 =	simm.s32 @!p2 $0x5180  }
0x28d: {  	[tilespmem:s2], [sflag:$0x1] =	stream.linear.gather @!p2 [hbm4b:s0+s3], $0x400, $0x38;
	[tilespmem:$0x15180] =	vst v63  }
.LBB2_6:
0x28e: {  	s0 =	simm.s32 @!p0 $0x2  }
0x28f: {  	s2 =	simm.s32 $0x1;
	_ =	swait.ge @!p0 [sflag:s0], $0x1C00  }
0x290: {  	v0 =	vmov s2;
	[sflag:s0] =	ssyncset.done @!p0 $0x0  }
0x291: {  	v1 =	vshrl.u32 v0, $0x3;
	[sflag:s0] =	ssyncadd.s32 @!p0 $0xFFFFE400;
	s0 =	simm.s32 @!p1 $0x2  }
0x292: {  	s11 =	simm.s32 $0x0;
	v49 =	vmul.u32 $0xC00, v1;
	_ =	swait.ge @!p1 [sflag:s0], $0x1C00  }
0x293: {  	v0 =	vshll.u32 v0, $0x7;
	v1 =	vmov s11;
	[sflag:s0] =	ssyncset.done @!p1 $0x0  }
0x294: {  	v50 =	vand.u32 $0x380, v0;
	v2 =	vshrl.u32 v1, $0x3;
	v3 =	vadd.s32 v19, v49;
	[sflag:s0] =	ssyncadd.s32 @!p1 $0xFFFFE400;
	s0 =	simm.s32 @!p2 $0x2  }
0x295: {  	v0 =	vmul.u32 $0xC00, v2;
	v2 =	vor.u32 v50, v3;
	_ =	swait.ge @!p2 [sflag:s0], $0x1C00  }
0x296: {  	v2 =	vor.u32 v17, v2;
	[sflag:s0] =	ssyncset.done @!p2 $0x0  }
0x297: {  	[sflag:s0] =	ssyncadd.s32 @!p2 $0xFFFFE400;
	s0 =	simm.s32 @!p3 $0x4  }
0x298: {  	v1 =	vshll.u32 v1, $0x7;
	_ =	swait.ge @!p3 [sflag:s0], $0x5400  }
0x299: {  	v51 =	vand.u32 $0x300, v1;
	v1 =	vadd.s32 v19, v0;
	[sflag:s0] =	ssyncset.done @!p3 $0x0  }
0x29a: {  	s12 =	simm.s32 $0x0;
	v3 =	vadd.s32 v4, v49;
	v1 =	vor.u32 v51, v1;
	[sflag:s0] =	ssyncadd.s32 @!p3 $0xFFFFAC00  }
0x29b: {  	v3 =	vor.u32 v50, v3;
	v1 =	vor.u32 v17, v1;
	s0 =	smul.u32 $0x3000, s12;
	v2 =	vld.idx.msk [tilespmem:v2+s19+$0x0], $0xffff  }
0x29c: {  	v3 =	vor.u32 v39, v3  }
0x29d: {  	s13 =	simm.s32 $0x80;
	s30 =	sshra.s32 s0, $0x2  }
0x29e: {  	s29 =	sand.u32 $0x380, s13;
	s0 =	sadd.s32 $0xFD80, s30  }
0x29f: {  	v43 =	vmov v4;
	v4 =	vadd.s32 v4, v0;
	s2 =	sadd.s32 s29, s0  }
0x2a0: {  	v4 =	vor.u32 v51, v4;
	v1 =	vld.idx.msk [tilespmem:v1+s19+$0x0], $0xffff;
	[tilespmem:s2+$0x0] =	vst v2;
	v2 =	vadd.s32 v8, v49  }
0x2a1: {  	v4 =	vor.u32 v39, v4;
	v3 =	vld.idx.msk [tilespmem:v3+s19+$0x0], $0xffff;
	v2 =	vor.u32 v50, v2  }
0x2a2: {  	s3 =	simm.s32 $0x0;
	v2 =	vor.u32 v22, v2  }
0x2a3: {  	s28 =	sand.u32 $0x300, s3  }
0x2a4: {  	s0 =	sadd.s32 s28, s0  }
0x2a5: {  	[tilespmem:s0+$0x0] =	vst v1;
	v1 =	vadd.s32 v8, v0  }
0x2a6: {  	v4 =	vld.idx.msk [tilespmem:v4+s19+$0x0], $0xffff;
	v1 =	vor.u32 v51, v1;
	[tilespmem:s2+$0x10] =	vst v3  }
0x2a7: {  	v1 =	vor.u32 v22, v1;
	v3 =	vadd.s32 v23, v49;
	v2 =	vld.idx.msk [tilespmem:v2+s19+$0x0], $0xffff  }
0x2a8: {  	v3 =	vor.u32 v50, v3  }
0x2a9: {  	v3 =	vor.u32 v5, v3;
	_ =	sdelay $0x1  }
0x2aa: {  	[tilespmem:s0+$0x10] =	vst v4  }
0x2ab: {  	v1 =	vld.idx.msk [tilespmem:v1+s19+$0x0], $0xffff;
	[tilespmem:s2+$0x20] =	vst v2  }
0x2ac: {  	v12 =	vld [tilespmem:$0x1FEB0]  }
0x2ad: {  	v3 =	vld.idx.msk [tilespmem:v3+s19+$0x0], $0xffff;
	_ =	sdelay $0x1  }
0x2ae: {  	v4 =	vadd.s32 v23, v0  }
0x2af: {  	v4 =	vor.u32 v51, v4  }
0x2b0: {  	v4 =	vor.u32 v5, v4;
	[tilespmem:s0+$0x20] =	vst v1  }
0x2b1: {  	v2 =	vadd.s32 v12, v49;
	[tilespmem:s2+$0x30] =	vst v3  }
0x2b2: {  	v2 =	vor.u32 v50, v2;
	v11 =	vld [tilespmem:$0x1FE90]  }
0x2b3: {  	v2 =	vor.u32 v10, v2  }
0x2b4: {  	v1 =	vadd.s32 v12, v0;
	v27 =	vld [tilespmem:$0x1FD20]  }
0x2b5: {  	v4 =	vld.idx.msk [tilespmem:v4+s19+$0x0], $0xffff;
	v1 =	vor.u32 v51, v1  }
0x2b6: {  	v1 =	vor.u32 v10, v1  }
0x2b7: {  	v3 =	vadd.s32 v11, v49  }
0x2b8: {  	v2 =	vld.idx.msk [tilespmem:v2+s19+$0x0], $0xffff;
	v3 =	vor.u32 v50, v3  }
0x2b9: {  	v3 =	vor.u32 v27, v3  }
0x2ba: {  	[tilespmem:s0+$0x30] =	vst v4;
	v4 =	vadd.s32 v11, v0  }
0x2bb: {  	v1 =	vld.idx.msk [tilespmem:v1+s19+$0x0], $0xffff;
	v4 =	vor.u32 v51, v4  }
0x2bc: {  	v4 =	vor.u32 v27, v4  }
0x2bd: {  	[tilespmem:s2+$0x40] =	vst v2;
	v2 =	vadd.s32 v24, v49  }
0x2be: {  	v3 =	vld.idx.msk [tilespmem:v3+s19+$0x0], $0xffff;
	v2 =	vor.u32 v50, v2  }
0x2bf: {  	v2 =	vor.u32 v25, v2  }
0x2c0: {  	[tilespmem:s0+$0x40] =	vst v1;
	v1 =	vadd.s32 v24, v0  }
0x2c1: {  	v4 =	vld.idx.msk [tilespmem:v4+s19+$0x0], $0xffff;
	v1 =	vor.u32 v51, v1  }
0x2c2: {  	v1 =	vor.u32 v25, v1  }
0x2c3: {  	[tilespmem:s2+$0x50] =	vst v3;
	v3 =	vadd.s32 v31, v49  }
0x2c4: {  	v2 =	vld.idx.msk [tilespmem:v2+s19+$0x0], $0xffff;
	v3 =	vor.u32 v50, v3  }
0x2c5: {  	v3 =	vor.u32 v30, v3  }
0x2c6: {  	[tilespmem:s0+$0x50] =	vst v4;
	v4 =	vadd.s32 v31, v0  }
0x2c7: {  	v1 =	vld.idx.msk [tilespmem:v1+s19+$0x0], $0xffff;
	v4 =	vor.u32 v51, v4  }
0x2c8: {  	v4 =	vor.u32 v30, v4  }
0x2c9: {  	s15 =	simm.s32 $0x3;
	[tilespmem:s2+$0x60] =	vst v2;
	v2 =	vadd.s32 v32, v49  }
0x2ca: {  	v44 =	vmov v5;
	v5 =	vmov s15;
	v3 =	vld.idx.msk [tilespmem:v3+s19+$0x0], $0xffff;
	v2 =	vor.u32 v50, v2  }
0x2cb: {  	s16 =	simm.s32 $0x2;
	v6 =	vshrl.u32 v5, $0x3;
	v2 =	vor.u32 v38, v2  }
0x2cc: {  	v7 =	vmov s16;
	v52 =	vmul.u32 $0xC00, v6;
	[tilespmem:s0+$0x60] =	vst v1;
	v1 =	vadd.s32 v32, v0  }
0x2cd: {  	v20 =	vmovc v19;
	v5 =	vshll.u32 v5, $0x7;
	v6 =	vshrl.u32 v7, $0x3;
	v4 =	vld.idx.msk [tilespmem:v4+s19+$0x0], $0xffff;
	v1 =	vor.u32 v51, v1  }
0x2ce: {  	v19 =	vmovc v8;
	v53 =	vand.u32 $0x380, v5;
	v8 =	vadd.s32 v20, v52;
	v1 =	vor.u32 v38, v1  }
0x2cf: {  	v5 =	vadd.s32 v21, v49;
	v55 =	vmul.u32 $0xC00, v6;
	[tilespmem:s2+$0x70] =	vst v3;
	v3 =	vor.u32 v53, v8  }
0x2d0: {  	v6 =	vshll.u32 v7, $0x7;
	v5 =	vor.u32 v50, v5;
	v2 =	vld.idx.msk [tilespmem:v2+s19+$0x0], $0xffff;
	v3 =	vor.u32 v17, v3  }
0x2d1: {  	v54 =	vand.u32 $0x300, v6;
	v5 =	vor.u32 v36, v5;
	v6 =	vadd.s32 v20, v55  }
0x2d2: {  	v6 =	vor.u32 v54, v6;
	[tilespmem:s0+$0x70] =	vst v4;
	v4 =	vadd.s32 v21, v0  }
0x2d3: {  	s21 =	sadd.s32 $0x10180, s30;
	v6 =	vor.u32 v17, v6;
	v1 =	vld.idx.msk [tilespmem:v1+s19+$0x0], $0xffff;
	v4 =	vor.u32 v51, v4  }
0x2d4: {  	s22 =	simm.s32 $0x0;
	s8 =	sadd.s32 s29, s21;
	v7 =	vadd.s32 v43, v52;
	v4 =	vor.u32 v36, v4  }
0x2d5: {  	s2 =	smul.u32 $0x3000, s22;
	v3 =	vld.idx.msk [tilespmem:v3+s19+$0x0], $0xffff;
	[tilespmem:s8+$0x0] =	vst v2;
	v2 =	vor.u32 v53, v7;
	v7 =	vadd.s32 v9, v49  }
0x2d6: {  	v5 =	vld.idx.msk [tilespmem:v5+s19+$0x0], $0xffff;
	v2 =	vor.u32 v39, v2;
	v7 =	vor.u32 v50, v7  }
0x2d7: {  	s16 =	simm.s32 $0x180;
	s3 =	sadd.s32 s28, s21;
	v8 =	vadd.s32 v43, v55;
	s2 =	sshra.s32 s2, $0x2;
	v7 =	vor.u32 v42, v7  }
0x2d8: {  	v40 =	vmov v9;
	v6 =	vld.idx.msk [tilespmem:v6+s19+$0x0], $0xffff;
	s0 =	sand.u32 $0x380, s16;
	s10 =	sadd.s32 $0xFD80, s2;
	v9 =	vadd.s32 v9, v0;
	[tilespmem:s3+$0x0] =	vst v1;
	v1 =	vor.u32 v54, v8  }
0x2d9: {  	s21 =	sadd.s32 s0, s10;
	v4 =	vld.idx.msk [tilespmem:v4+s19+$0x0], $0xffff;
	v8 =	vor.u32 v51, v9;
	v1 =	vor.u32 v39, v1  }
0x2da: {  	s11 =	simm.s32 $0x100;
	v8 =	vor.u32 v42, v8;
	[tilespmem:s21+$0x0] =	vst v3;
	v3 =	vadd.s32 v19, v52  }
0x2db: {  	s31 =	sand.u32 $0x300, s11;
	v2 =	vld.idx.msk [tilespmem:v2+s19+$0x0], $0xffff;
	[tilespmem:s8+$0x10] =	vst v5;
	v3 =	vor.u32 v53, v3;
	v5 =	vadd.s32 v16, v49  }
0x2dc: {  	s15 =	sadd.s32 s31, s10;
	v7 =	vld.idx.msk [tilespmem:v7+s19+$0x0], $0xffff;
	v3 =	vor.u32 v22, v3;
	v5 =	vor.u32 v50, v5  }
0x2dd: {  	[tilespmem:s15+$0x0] =	vst v6;
	v6 =	vadd.s32 v19, v55;
	v5 =	vor.u32 v15, v5  }
0x2de: {  	v1 =	vld.idx.msk [tilespmem:v1+s19+$0x0], $0xffff;
	[tilespmem:s3+$0x10] =	vst v4;
	v4 =	vor.u32 v54, v6  }
0x2df: {  	v9 =	vadd.s32 v16, v0;
	v4 =	vor.u32 v22, v4  }
0x2e0: {  	v6 =	vld.idx.msk [tilespmem:v8+s19+$0x0], $0xffff;
	v8 =	vor.u32 v51, v9;
	[tilespmem:s21+$0x10] =	vst v2;
	v2 =	vadd.s32 v23, v52  }
0x2e1: {  	v8 =	vor.u32 v15, v8;
	v3 =	vld.idx.msk [tilespmem:v3+s19+$0x0], $0xffff;
	[tilespmem:s8+$0x20] =	vst v7;
	v2 =	vor.u32 v53, v2  }
0x2e2: {  	v7 =	vadd.s32 v34, v49;
	v5 =	vld.idx.msk [tilespmem:v5+s19+$0x0], $0xffff;
	v2 =	vor.u32 v44, v2  }
0x2e3: {  	[tilespmem:s15+$0x10] =	vst v1;
	v1 =	vadd.s32 v23, v55;
	v7 =	vor.u32 v50, v7  }
0x2e4: {  	v4 =	vld.idx.msk [tilespmem:v4+s19+$0x0], $0xffff;
	v1 =	vor.u32 v54, v1;
	v7 =	vor.u32 v14, v7  }
0x2e5: {  	[tilespmem:s3+$0x20] =	vst v6;
	v1 =	vor.u32 v44, v1  }
0x2e6: {  	v6 =	vld.idx.msk [tilespmem:v8+s19+$0x0], $0xffff;
	[tilespmem:s21+$0x20] =	vst v3  }
0x2e7: {  	v2 =	vld.idx.msk [tilespmem:v2+s19+$0x0], $0xffff;
	[tilespmem:s8+$0x30] =	vst v5  }
0x2e8: {  	v16 =	vld [tilespmem:$0x1FED0]  }
0x2e9: {  	v7 =	vld.idx.msk [tilespmem:v7+s19+$0x0], $0xffff;
	[tilespmem:s15+$0x20] =	vst v4  }
0x2ea: {  	v3 =	vadd.s32 v12, v52;
	v1 =	vld.idx.msk [tilespmem:v1+s19+$0x0], $0xffff  }
0x2eb: {  	v9 =	vadd.s32 v34, v0;
	v3 =	vor.u32 v53, v3  }
0x2ec: {  	v8 =	vor.u32 v51, v9;
	v3 =	vor.u32 v10, v3;
	[tilespmem:s3+$0x30] =	vst v6  }
0x2ed: {  	v8 =	vor.u32 v14, v8;
	[tilespmem:s21+$0x30] =	vst v2;
	v5 =	vadd.s32 v16, v49  }
0x2ee: {  	v4 =	vadd.s32 v12, v55;
	[tilespmem:s8+$0x40] =	vst v7;
	v5 =	vor.u32 v50, v5  }
0x2ef: {  	v4 =	vor.u32 v54, v4;
	[tilespmem:s15+$0x30] =	vst v1;
	v5 =	vor.u32 v46, v5  }
0x2f0: {  	v4 =	vor.u32 v10, v4;
	v2 =	vadd.s32 v11, v52;
	v45 =	vld [tilespmem:$0x1FE20]  }
0x2f1: {  	v9 =	vadd.s32 v16, v0;
	v3 =	vld.idx.msk [tilespmem:v3+s19+$0x0], $0xffff;
	v2 =	vor.u32 v53, v2  }
0x2f2: {  	v6 =	vld.idx.msk [tilespmem:v8+s19+$0x0], $0xffff;
	v8 =	vor.u32 v51, v9;
	v2 =	vor.u32 v27, v2  }
0x2f3: {  	v7 =	vadd.s32 v62, v49;
	v8 =	vor.u32 v46, v8  }
0x2f4: {  	v7 =	vor.u32 v50, v7;
	v1 =	vadd.s32 v11, v55;
	v5 =	vld.idx.msk [tilespmem:v5+s19+$0x0], $0xffff  }
0x2f5: {  	v4 =	vld.idx.msk [tilespmem:v4+s19+$0x0], $0xffff;
	v1 =	vor.u32 v54, v1;
	v7 =	vor.u32 v45, v7  }
0x2f6: {  	v1 =	vor.u32 v27, v1;
	[tilespmem:s21+$0x40] =	vst v3;
	v3 =	vadd.s32 v24, v52  }
0x2f7: {  	v9 =	vadd.s32 v62, v0;
	[tilespmem:s3+$0x40] =	vst v6;
	v2 =	vld.idx.msk [tilespmem:v2+s19+$0x0], $0xffff;
	v3 =	vor.u32 v53, v3  }
0x2f8: {  	v6 =	vld.idx.msk [tilespmem:v8+s19+$0x0], $0xffff;
	v8 =	vor.u32 v51, v9;
	v3 =	vor.u32 v25, v3  }
0x2f9: {  	v8 =	vor.u32 v45, v8;
	[tilespmem:s8+$0x50] =	vst v5;
	v5 =	vadd.s32 v61, v49  }
0x2fa: {  	[tilespmem:s15+$0x40] =	vst v4;
	v7 =	vld.idx.msk [tilespmem:v7+s19+$0x0], $0xffff;
	v5 =	vor.u32 v50, v5  }
0x2fb: {  	v1 =	vld.idx.msk [tilespmem:v1+s19+$0x0], $0xffff;
	v4 =	vor.u32 v26, v5  }
0x2fc: {  	[tilespmem:s21+$0x50] =	vst v2  }
0x2fd: {  	[tilespmem:s3+$0x50] =	vst v6;
	v6 =	vadd.s32 v61, v0;
	v10 =	vld.idx.msk [tilespmem:v3+s19+$0x0], $0xffff  }
0x2fe: {  	v2 =	vadd.s32 v31, v52;
	v8 =	vld.idx.msk [tilespmem:v8+s19+$0x0], $0xffff;
	v6 =	vor.u32 v51, v6  }
0x2ff: {  	v2 =	vor.u32 v53, v2;
	v5 =	vadd.s32 v24, v55;
	v6 =	vor.u32 v26, v6;
	[tilespmem:s8+$0x60] =	vst v7  }
0x300: {  	v2 =	vor.u32 v30, v2;
	[tilespmem:s15+$0x50] =	vst v1;
	v5 =	vor.u32 v54, v5;
	v12 =	vld.idx.msk [tilespmem:v4+s19+$0x0], $0xffff  }
0x301: {  	v60 =	vadd.s32 v33, v0;
	v5 =	vor.u32 v25, v5;
	v33 =	vld [tilespmem:$0x1FF20]  }
0x302: {  	v63 =	vadd.s32 v48, v0;
	s22 =	simm.s32 $0x4;
	v48 =	vld [tilespmem:$0x1FF40]  }
0x303: {  	v3 =	vadd.s32 v57, v49;
	v7 =	vmov s22;
	[tilespmem:s3+$0x60] =	vst v8  }
0x304: {  	v1 =	vadd.s32 v47, v0;
	v47 =	vshll.u32 v7, $0x7;
	v11 =	vshrl.u32 v7, $0x3;
	[tilespmem:s21+$0x60] =	vst v10;
	v7 =	vld.idx.msk [tilespmem:v6+s19+$0x0], $0xffff  }
0x305: {  	v56 =	vadd.s32 v28, v0;
	v59 =	vadd.s32 v29, v0;
	v4 =	vor.u32 v50, v3;
	v8 =	vld.idx.msk [tilespmem:v2+s19+$0x0], $0xffff  }
0x306: {  	v2 =	vadd.s32 v32, v52;
	v44 =	vor.u32 v33, v4;
	v4 =	vld.idx.msk [tilespmem:v5+s19+$0x0], $0xffff;
	[tilespmem:s8+$0x70] =	vst v12  }
0x307: {  	v10 =	vor.u32 v53, v2;
	v3 =	vadd.s32 v48, v0;
	v2 =	vadd.s32 v48, v49;
	v48 =	vld [tilespmem:$0x1FE40]  }
0x308: {  	v58 =	vadd.s32 v13, v0;
	v0 =	vadd.s32 v57, v0;
	v57 =	vand.u32 $0x300, v47;
	v47 =	vld [tilespmem:$0x1FE50]  }
0x309: {  	v35 =	vmov v42;
	v37 =	vmov v15;
	v29 =	vld [tilespmem:$0x1FE60]  }
0x30a: {  	v41 =	vmovc v14;
	v28 =	vmovc v21;
	v21 =	vmov v43;
	v61 =	vadd.s32 v62, v55;
	v5 =	vadd.s32 v31, v55;
	v42 =	vld [tilespmem:$0x1FDE0]  }
0x30b: {  	v62 =	vadd.s32 v16, v55;
	v5 =	vor.u32 v54, v5;
	v0 =	vor.u32 v51, v0;
	v6 =	vld.idx.msk [tilespmem:v44+s19+$0x0], $0xffff  }
0x30c: {  	s10 =	simm.s32 $0x5;
	s8 =	simm.s32 $0x6;
	v9 =	vor.u32 v30, v5;
	v5 =	vor.u32 v33, v0;
	v0 =	vadd.s32 v34, v55;
	v33 =	vmovc v19;
	v44 =	vld [tilespmem:$0x1FE70]  }
.LBB2_7:
0x30d: {  	_ = 	snop  }
0x30e: {  	v12 =	vmov s10;
	v13 =	vor.u32 v38, v10  }
0x30f: {  	v14 =	vor.u32 v50, v2;
	v2 =	vmovc v55;
	v3 =	vor.u32 v51, v3;
	v22 =	vld [tilespmem:$0x1FF50];
	v15 =	vshrl.u32 v12, $0x3  }
0x310: {  	v14 =	vor.u32 v48, v14;
	[tilespmem:s15+$0x60] =	vst v4;
	v4 =	vmul.u32 $0xC00, v15;
	v15 =	vadd.s32 v32, v2  }
0x311: {  	v9 =	vld.idx.msk [tilespmem:v9+s19+$0x0], $0xffff;
	[tilespmem:s3+$0x70] =	vst v7;
	v7 =	vshll.u32 v12, $0x7;
	v55 =	vor.u32 v54, v15;
	v15 =	vor.u32 v48, v3  }
0x312: {  	s12 =	sadd.s32 $0x10580, s30;
	[tilespmem:s21+$0x70] =	vst v8;
	v5 =	vld.idx.msk [tilespmem:v5+s19+$0x0], $0xffff;
	v16 =	vadd.s32 v20, v4;
	v3 =	vand.u32 $0x380, v7;
	v7 =	vor.u32 v38, v55  }
0x313: {  	v43 =	vadd.s32 v28, v52;
	s11 =	sadd.s32 s29, s12;
	v55 =	vmul.u32 $0xC00, v11;
	v8 =	vor.u32 v3, v16;
	v11 =	vld.idx.msk [tilespmem:v13+s19+$0x0], $0xffff  }
0x314: {  	[tilespmem:s11+$0x0] =	vst v6;
	v6 =	vor.u32 v17, v8;
	v8 =	vor.u32 v53, v43;
	v43 =	vadd.s32 v22, v49  }
0x315: {  	v12 =	vld.idx.msk [tilespmem:v14+s19+$0x0], $0xffff;
	v8 =	vor.u32 v36, v8;
	v13 =	vor.u32 v50, v43  }
0x316: {  	s30 =	smov.u32 s2;
	v23 =	vld [tilespmem:$0x1FF80];
	s10 =	sadd.s32 s28, s12;
	v16 =	vadd.s32 v20, v55;
	[tilespmem:s15+$0x70] =	vst v9;
	v13 =	vor.u32 v47, v13  }
0x317: {  	s29 =	smov.u32 s0;
	s13 =	sadd.s32 $0x10180, s30;
	v16 =	vor.u32 v57, v16;
	v9 =	vadd.s32 v28, v2;
	v7 =	vld.idx.msk [tilespmem:v7+s19+$0x0], $0xffff;
	[tilespmem:s10+$0x0] =	vst v5  }
0x318: {  	v1 =	vor.u32 v51, v1;
	s12 =	sadd.s32 s29, s13;
	v5 =	vor.u32 v17, v16;
	v9 =	vor.u32 v54, v9;
	v15 =	vld.idx.msk [tilespmem:v15+s19+$0x0], $0xffff  }
0x319: {  	v16 =	vadd.s32 v21, v4;
	v9 =	vor.u32 v36, v9;
	v6 =	vld.idx.msk [tilespmem:v6+s19+$0x0], $0xffff;
	[tilespmem:s12+$0x0] =	vst v11  }
0x31a: {  	s15 =	sshrl.u32 s22, $0x3;
	v11 =	vor.u32 v3, v16;
	v16 =	vadd.s32 v40, v52;
	v8 =	vld.idx.msk [tilespmem:v8+s19+$0x0], $0xffff;
	[tilespmem:s11+$0x10] =	vst v12  }
0x31b: {  	s28 =	smov.u32 s31;
	v1 =	vor.u32 v47, v1;
	s0 =	smul.u32 $0x3000, s15;
	v43 =	vor.u32 v53, v16;
	v13 =	vld.idx.msk [tilespmem:v13+s19+$0x0], $0xffff  }
0x31c: {  	s3 =	sadd.s32 s28, s13;
	v11 =	vor.u32 v39, v11;
	v12 =	vor.u32 v35, v43;
	v43 =	vld [tilespmem:$0x1FFB0]  }
0x31d: {  	s16 =	sadd.s32 $0x100, s16;
	v17 =	vadd.s32 v21, v55;
	s2 =	sshra.s32 s0, $0x2;
	v16 =	vadd.s32 v23, v49;
	v5 =	vld.idx.msk [tilespmem:v5+s19+$0x0], $0xffff;
	[tilespmem:s3+$0x0] =	vst v7  }
0x31e: {  	s21 =	sadd.s32 $0xFFFFFF80, s16;
	v19 =	vor.u32 v57, v17;
	s0 =	sand.u32 $0x380, s16;
	s13 =	sadd.s32 $0xFD80, s2;
	v16 =	vor.u32 v50, v16;
	v9 =	vld.idx.msk [tilespmem:v9+s19+$0x0], $0xffff  }
0x31f: {  	s31 =	sand.u32 $0x300, s21;
	v14 =	vadd.s32 v40, v2;
	s21 =	sadd.s32 s0, s13;
	v16 =	vor.u32 v29, v16;
	[tilespmem:s10+$0x10] =	vst v15;
	v15 =	vor.u32 v39, v19;
	v19 =	vld [tilespmem:$0x1FF70]  }
0x320: {  	v14 =	vor.u32 v54, v14;
	v7 =	vor.u32 v51, v63;
	[tilespmem:s21+$0x0] =	vst v6;
	v1 =	vld.idx.msk [tilespmem:v1+s19+$0x0], $0xffff  }
0x321: {  	v6 =	vor.u32 v29, v7;
	v7 =	vld.idx.msk [tilespmem:v11+s19+$0x0], $0xffff;
	v11 =	vadd.s32 v33, v4;
	[tilespmem:s12+$0x10] =	vst v8  }
0x322: {  	v14 =	vor.u32 v35, v14;
	v63 =	vadd.s32 v42, v52;
	v8 =	vor.u32 v3, v11;
	v11 =	vld.idx.msk [tilespmem:v12+s19+$0x0], $0xffff  }
0x323: {  	s15 =	sadd.s32 s31, s13;
	[tilespmem:s11+$0x20] =	vst v13;
	v12 =	vor.u32 v53, v63;
	v63 =	vld [tilespmem:$0x1FF10]  }
0x324: {  	v13 =	vld.idx.msk [tilespmem:v16+s19+$0x0], $0xffff;
	[tilespmem:s15+$0x0] =	vst v5  }
0x325: {  	v8 =	vor.u32 v43, v8;
	v5 =	vadd.s32 v33, v55;
	v15 =	vld.idx.msk [tilespmem:v15+s19+$0x0], $0xffff  }
0x326: {  	v12 =	vor.u32 v37, v12;
	[tilespmem:s3+$0x10] =	vst v9;
	v9 =	vor.u32 v51, v60;
	v5 =	vor.u32 v57, v5;
	v60 =	vld [tilespmem:$0x1FF90]  }
0x327: {  	v14 =	vld.idx.msk [tilespmem:v14+s19+$0x0], $0xffff;
	[tilespmem:s10+$0x20] =	vst v1;
	v1 =	vor.u32 v43, v5  }
0x328: {  	v16 =	vadd.s32 v19, v49;
	v43 =	vld [tilespmem:$0x1FFA0]  }
0x329: {  	v10 =	vadd.s32 v42, v2;
	v16 =	vor.u32 v50, v16;
	[tilespmem:s21+$0x10] =	vst v7;
	v5 =	vld.idx.msk [tilespmem:v6+s19+$0x0], $0xffff  }
0x32a: {  	v10 =	vor.u32 v54, v10;
	v16 =	vor.u32 v44, v16;
	v7 =	vld.idx.msk [tilespmem:v8+s19+$0x0], $0xffff;
	[tilespmem:s12+$0x20] =	vst v11  }
0x32b: {  	v6 =	vor.u32 v44, v9;
	v9 =	vor.u32 v37, v10;
	v10 =	vld.idx.msk [tilespmem:v12+s19+$0x0], $0xffff;
	[tilespmem:s15+$0x10] =	vst v15  }
0x32c: {  	v1 =	vld.idx.msk [tilespmem:v1+s19+$0x0], $0xffff  }
0x32d: {  	v11 =	vadd.s32 v34, v52;
	v8 =	vadd.s32 v43, v4;
	[tilespmem:s3+$0x20] =	vst v14;
	v14 =	vor.u32 v51, v59;
	v59 =	vld [tilespmem:$0x1FEA0]  }
0x32e: {  	[tilespmem:s11+$0x30] =	vst v13;
	v15 =	vadd.s32 v43, v55;
	v43 =	vmov v34;
	v34 =	vld [tilespmem:$0x1FED0];
	v8 =	vor.u32 v3, v8  }
0x32f: {  	v11 =	vor.u32 v53, v11;
	v12 =	vld.idx.msk [tilespmem:v16+s19+$0x0], $0xffff;
	v8 =	vor.u32 v60, v8  }
0x330: {  	v11 =	vor.u32 v41, v11;
	v16 =	vld [tilespmem:$0x1FD10]  }
0x331: {  	v15 =	vor.u32 v57, v15;
	v9 =	vld.idx.msk [tilespmem:v9+s19+$0x0], $0xffff  }
0x332: {  	[tilespmem:s10+$0x30] =	vst v5;
	v5 =	vor.u32 v60, v15;
	v15 =	vld [tilespmem:$0x1FEB0]  }
0x333: {  	v0 =	vor.u32 v54, v0;
	v6 =	vld.idx.msk [tilespmem:v6+s19+$0x0], $0xffff;
	[tilespmem:s21+$0x20] =	vst v7  }
0x334: {  	v0 =	vor.u32 v41, v0;
	v13 =	vadd.s32 v63, v49;
	v8 =	vld.idx.msk [tilespmem:v8+s19+$0x0], $0xffff;
	[tilespmem:s12+$0x30] =	vst v10  }
0x335: {  	v13 =	vor.u32 v50, v13;
	v60 =	vadd.s32 v34, v52;
	[tilespmem:s15+$0x20] =	vst v1;
	v11 =	vld.idx.msk [tilespmem:v11+s19+$0x0], $0xffff  }
0x336: {  	v13 =	vor.u32 v59, v13;
	[tilespmem:s11+$0x40] =	vst v12;
	v12 =	vor.u32 v53, v60;
	v60 =	vld [tilespmem:$0x1FF30]  }
0x337: {  	v7 =	vor.u32 v59, v14;
	v59 =	vadd.s32 v15, v4;
	v5 =	vld.idx.msk [tilespmem:v5+s19+$0x0], $0xffff  }
0x338: {  	[tilespmem:s3+$0x30] =	vst v9;
	v9 =	vor.u32 v51, v58;
	v58 =	vld [tilespmem:$0x1FEC0];
	v10 =	vor.u32 v3, v59  }
0x339: {  	v1 =	vadd.s32 v15, v55;
	v15 =	vor.u32 v54, v62;
	v62 =	vld [tilespmem:$0x1FEE0];
	v10 =	vor.u32 v16, v10  }
0x33a: {  	v0 =	vld.idx.msk [tilespmem:v0+s19+$0x0], $0xffff;
	v12 =	vor.u32 v46, v12  }
0x33b: {  	[tilespmem:s10+$0x40] =	vst v6;
	v13 =	vld.idx.msk [tilespmem:v13+s19+$0x0], $0xffff;
	v59 =	vadd.s32 v60, v49  }
0x33c: {  	v6 =	vld.idx.msk [tilespmem:v7+s19+$0x0], $0xffff;
	v14 =	vor.u32 v50, v59  }
0x33d: {  	[tilespmem:s21+$0x30] =	vst v8;
	v7 =	vor.u32 v58, v9;
	v14 =	vor.u32 v58, v14;
	v58 =	vld [tilespmem:$0x1FE90]  }
0x33e: {  	v1 =	vor.u32 v57, v1;
	v8 =	vld.idx.msk [tilespmem:v10+s19+$0x0], $0xffff;
	[tilespmem:s12+$0x40] =	vst v11  }
0x33f: {  	v1 =	vor.u32 v16, v1;
	v59 =	vadd.s32 v62, v52;
	v11 =	vld.idx.msk [tilespmem:v12+s19+$0x0], $0xffff  }
0x340: {  	v10 =	vor.u32 v46, v15;
	v12 =	vor.u32 v53, v59;
	v59 =	vld [tilespmem:$0x1FF00];
	_ =	sdelay $0x1  }
0x341: {  	v9 =	vadd.s32 v58, v4  }
0x342: {  	[tilespmem:s15+$0x30] =	vst v5;
	v9 =	vor.u32 v3, v9  }
0x343: {  	v1 =	vld.idx.msk [tilespmem:v1+s19+$0x0], $0xffff;
	[tilespmem:s3+$0x40] =	vst v0;
	v9 =	vor.u32 v27, v9  }
0x344: {  	[tilespmem:s11+$0x50] =	vst v13;
	v12 =	vor.u32 v45, v12;
	v10 =	vld.idx.msk [tilespmem:v10+s19+$0x0], $0xffff;
	v49 =	vadd.s32 v59, v49  }
0x345: {  	[tilespmem:s10+$0x50] =	vst v6;
	v13 =	vld.idx.msk [tilespmem:v14+s19+$0x0], $0xffff;
	v5 =	vadd.s32 v58, v55  }
0x346: {  	v58 =	vld [tilespmem:$0x1FE80];
	[tilespmem:s21+$0x40] =	vst v8;
	v5 =	vor.u32 v57, v5  }
0x347: {  	v14 =	vor.u32 v50, v49;
	v49 =	vmovc v52;
	v52 =	vmov v4;
	v4 =	vor.u32 v27, v5;
	v5 =	vld.idx.msk [tilespmem:v7+s19+$0x0], $0xffff  }
0x348: {  	v50 =	vmov v53;
	v53 =	vmov v3;
	v7 =	vadd.s32 v24, v52;
	v6 =	vld.idx.msk [tilespmem:v9+s19+$0x0], $0xffff;
	[tilespmem:s12+$0x50] =	vst v11  }
0x349: {  	v3 =	vor.u32 v53, v7;
	v7 =	vld.idx.msk [tilespmem:v12+s19+$0x0], $0xffff  }
0x34a: {  	v12 =	vld [tilespmem:$0x1FEF0];
	_ =	sdelay $0x2  }
0x34b: {  	v15 =	vor.u32 v54, v61  }
0x34c: {  	v8 =	vor.u32 v45, v15  }
0x34d: {  	v14 =	vor.u32 v58, v14;
	v9 =	vadd.s32 v12, v49  }
0x34e: {  	v3 =	vor.u32 v25, v3;
	v9 =	vor.u32 v50, v9  }
0x34f: {  	v0 =	vor.u32 v51, v56;
	v51 =	vmovc v54;
	v54 =	vmov v57;
	v57 =	vld [tilespmem:$0x1FF60];
	[tilespmem:s15+$0x40] =	vst v1;
	v1 =	vor.u32 v26, v9  }
0x350: {  	v4 =	vld.idx.msk [tilespmem:v4+s19+$0x0], $0xffff;
	[tilespmem:s3+$0x50] =	vst v10  }
0x351: {  	[tilespmem:s11+$0x60] =	vst v13;
	v8 =	vld.idx.msk [tilespmem:v8+s19+$0x0], $0xffff  }
0x352: {  	v0 =	vor.u32 v58, v0;
	v11 =	vld.idx.msk [tilespmem:v14+s19+$0x0], $0xffff;
	[tilespmem:s21+$0x50] =	vst v6;
	v10 =	vadd.s32 v12, v2  }
0x353: {  	v6 =	vor.u32 v51, v10;
	v10 =	vld.idx.msk [tilespmem:v3+s19+$0x0], $0xffff;
	[tilespmem:s12+$0x60] =	vst v7;
	v9 =	vadd.s32 v24, v55  }
0x354: {  	v3 =	vadd.s32 v31, v52;
	v9 =	vor.u32 v54, v9;
	v12 =	vld.idx.msk [tilespmem:v1+s19+$0x0], $0xffff;
	v1 =	vadd.s32 v57, v49  }
0x355: {  	[tilespmem:s10+$0x60] =	vst v5;
	v5 =	vor.u32 v25, v9;
	v9 =	vor.u32 v50, v1;
	v1 =	vadd.s32 v22, v2;
	v22 =	vld [tilespmem:$0x1FF20]  }
0x356: {  	v58 =	vadd.s32 v60, v2;
	v60 =	vadd.s32 v19, v2;
	v19 =	vld [tilespmem:$0x1FF40];
	v3 =	vor.u32 v53, v3  }
0x357: {  	v13 =	vor.u32 v30, v3  }
0x358: {  	v0 =	vld.idx.msk [tilespmem:v0+s19+$0x0], $0xffff;
	v6 =	vor.u32 v26, v6  }
0x359: {  	v61 =	vadd.s32 v62, v55;
	v62 =	vadd.s32 v34, v55;
	v56 =	vadd.s32 v59, v2;
	[tilespmem:s15+$0x50] =	vst v4  }
0x35a: {  	p3 =	slt.u32 s8, $0x36;
	v17 =	vmovc v18;
	v34 =	vmovc v43;
	v59 =	vadd.s32 v63, v2;
	v7 =	vmov s8;
	[tilespmem:s11+$0x70] =	vst v11;
	v14 =	vor.u32 v22, v9  }
.Ltmp4:
0x35b: {  	v63 =	vadd.s32 v23, v2;
	v15 =	vshll.u32 v7, $0x7;
	v3 =	vadd.s32 v19, v2;
	[tilespmem:s21+$0x60] =	vst v10;
	v4 =	vld.idx.msk [tilespmem:v5+s19+$0x0], $0xffff;
	(pc) =	sbr.rel @p3 .LBB2_7-.Ltmp4, $4  }
0x35c: {  	v11 =	vshrl.u32 v7, $0x3;
	v2 =	vadd.s32 v57, v2;
	v5 =	vadd.s32 v31, v55;
	[tilespmem:s3+$0x60] =	vst v8;
	v8 =	vld.idx.msk [tilespmem:v13+s19+$0x0], $0xffff  }
0x35d: {  	v57 =	vand.u32 $0x300, v15;
	v7 =	vld.idx.msk [tilespmem:v6+s19+$0x0], $0xffff;
	[tilespmem:s10+$0x70] =	vst v0;
	v0 =	vor.u32 v51, v2;
	v2 =	vadd.s32 v32, v52  }
0x35e: {  	s22 =	smov.u32 s8;
	v5 =	vor.u32 v54, v5;
	v10 =	vor.u32 v53, v2;
	v2 =	vadd.s32 v19, v49;
	[tilespmem:s12+$0x70] =	vst v12  }
0x35f: {  	s8 =	sadd.s32 $0x2, s8;
	s10 =	sadd.s32 $0x1, s22;
	v9 =	vor.u32 v30, v5;
	v5 =	vor.u32 v22, v0;
	v0 =	vadd.s32 v43, v55;
	v6 =	vld.idx.msk [tilespmem:v14+s19+$0x0], $0xffff  }
0x360: {  	v12 =	vmov s10  }
0x361: {  	v13 =	vshrl.u32 v12, $0x3  }
0x362: {  	v22 =	vmul.u32 $0xC00, v13  }
0x363: {  	v15 =	vmul.u32 $0xC00, v11;
	v12 =	vshll.u32 v12, $0x7  }
0x364: {  	v18 =	vand.u32 $0x380, v12;
	v43 =	vadd.s32 v20, v22  }
0x365: {  	v12 =	vadd.s32 v20, v15;
	v11 =	vor.u32 v18, v43  }
0x366: {  	v12 =	vor.u32 v57, v12;
	v11 =	vor.u32 v17, v11  }
0x367: {  	v12 =	vor.u32 v17, v12;
	_ =	sdelay $0x2  }
0x368: {  	s8 =	sshrl.u32 s22, $0x3;
	v13 =	vadd.s32 v21, v22  }
0x369: {  	s8 =	smul.u32 $0x3000, s8;
	v13 =	vor.u32 v18, v13;
	v11 =	vld.idx.msk [tilespmem:v11+s19+$0x0], $0xffff  }
0x36a: {  	v14 =	vadd.s32 v21, v15;
	v13 =	vor.u32 v39, v13;
	v12 =	vld.idx.msk [tilespmem:v12+s19+$0x0], $0xffff  }
0x36b: {  	s13 =	sadd.s32 $0x100, s16;
	v14 =	vor.u32 v57, v14;
	s22 =	sshra.s32 s8, $0x2  }
0x36c: {  	s11 =	sadd.s32 $0xFFFFFF80, s13;
	s10 =	sand.u32 $0x380, s13;
	v14 =	vor.u32 v39, v14;
	s12 =	sadd.s32 $0xFD80, s22  }
0x36d: {  	s16 =	sand.u32 $0x300, s11;
	s11 =	sadd.s32 s10, s12  }
0x36e: {  	s8 =	sadd.s32 s16, s12;
	[tilespmem:s11+$0x0] =	vst v11  }
0x36f: {  	v43 =	vadd.s32 v33, v22;
	[tilespmem:s8+$0x0] =	vst v12;
	v13 =	vld.idx.msk [tilespmem:v13+s19+$0x0], $0xffff  }
0x370: {  	v20 =	vmov v18;
	v11 =	vor.u32 v18, v43;
	v18 =	vld [tilespmem:$0x1FFB0]  }
0x371: {  	v14 =	vld.idx.msk [tilespmem:v14+s19+$0x0], $0xffff;
	_ =	sdelay $0x1  }
0x372: {  	v12 =	vadd.s32 v33, v15  }
0x373: {  	v12 =	vor.u32 v57, v12;
	[tilespmem:s11+$0x10] =	vst v13  }
0x374: {  	v11 =	vor.u32 v18, v11;
	v12 =	vor.u32 v18, v12;
	v18 =	vld [tilespmem:$0x1FFA0]  }
0x375: {  	[tilespmem:s8+$0x10] =	vst v14  }
0x376: {  	v39 =	vld [tilespmem:$0x1FF90];
	_ =	sdelay $0x2  }
0x377: {  	v11 =	vld.idx.msk [tilespmem:v11+s19+$0x0], $0xffff;
	v13 =	vadd.s32 v18, v22  }
0x378: {  	v13 =	vor.u32 v20, v13  }
0x379: {  	v13 =	vor.u32 v39, v13;
	_ =	sdelay $0x2  }
0x37a: {  	v12 =	vld.idx.msk [tilespmem:v12+s19+$0x0], $0xffff;
	[tilespmem:s11+$0x20] =	vst v11  }
0x37b: {  	v43 =	vld [tilespmem:$0x1FEB0]  }
0x37c: {  	v14 =	vadd.s32 v18, v15;
	v13 =	vld.idx.msk [tilespmem:v13+s19+$0x0], $0xffff  }
0x37d: {  	v14 =	vor.u32 v57, v14  }
0x37e: {  	v14 =	vor.u32 v39, v14;
	_ =	sdelay $0x1  }
0x37f: {  	[tilespmem:s8+$0x20] =	vst v12  }
0x380: {  	v33 =	vadd.s32 v43, v22;
	[tilespmem:s11+$0x30] =	vst v13  }
0x381: {  	v12 =	vadd.s32 v43, v15;
	v11 =	vor.u32 v20, v33;
	v23 =	vld [tilespmem:$0x1FE90]  }
0x382: {  	v14 =	vld.idx.msk [tilespmem:v14+s19+$0x0], $0xffff;
	v12 =	vor.u32 v57, v12;
	v11 =	vor.u32 v16, v11  }
0x383: {  	v12 =	vor.u32 v16, v12;
	_ =	sdelay $0x2  }
0x384: {  	v13 =	vadd.s32 v23, v22  }
0x385: {  	[tilespmem:s8+$0x30] =	vst v14;
	v11 =	vld.idx.msk [tilespmem:v11+s19+$0x0], $0xffff;
	v14 =	vadd.s32 v23, v15;
	v13 =	vor.u32 v20, v13  }
0x386: {  	v12 =	vld.idx.msk [tilespmem:v12+s19+$0x0], $0xffff;
	v14 =	vor.u32 v57, v14;
	v13 =	vor.u32 v27, v13  }
0x387: {  	v14 =	vor.u32 v27, v14;
	_ =	sdelay $0x2  }
0x388: {  	v10 =	vor.u32 v38, v10;
	v33 =	vadd.s32 v24, v22;
	[tilespmem:s11+$0x40] =	vst v11  }
0x389: {  	v11 =	vor.u32 v20, v33;
	[tilespmem:s8+$0x40] =	vst v12;
	v12 =	vadd.s32 v24, v15;
	v13 =	vld.idx.msk [tilespmem:v13+s19+$0x0], $0xffff  }
0x38a: {  	v11 =	vor.u32 v25, v11;
	v12 =	vor.u32 v57, v12;
	v14 =	vld.idx.msk [tilespmem:v14+s19+$0x0], $0xffff  }
0x38b: {  	v33 =	vadd.s32 v32, v55;
	v12 =	vor.u32 v25, v12  }
0x38c: {  	[tilespmem:s15+$0x60] =	vst v4;
	v4 =	vor.u32 v54, v33;
	v33 =	vadd.s32 v28, v52  }
0x38d: {  	[tilespmem:s21+$0x70] =	vst v8;
	v9 =	vld.idx.msk [tilespmem:v9+s19+$0x0], $0xffff;
	v8 =	vor.u32 v53, v33  }
0x38e: {  	v10 =	vld.idx.msk [tilespmem:v10+s19+$0x0], $0xffff;
	v8 =	vor.u32 v36, v8;
	[tilespmem:s11+$0x50] =	vst v13;
	v13 =	vadd.s32 v31, v22  }
0x38f: {  	[tilespmem:s8+$0x50] =	vst v14;
	v14 =	vadd.s32 v31, v15;
	v11 =	vld.idx.msk [tilespmem:v11+s19+$0x0], $0xffff;
	v13 =	vor.u32 v20, v13  }
0x390: {  	v12 =	vld.idx.msk [tilespmem:v12+s19+$0x0], $0xffff;
	v14 =	vor.u32 v57, v14;
	v13 =	vor.u32 v30, v13  }
0x391: {  	s13 =	sadd.s32 $0x10180, s2;
	v14 =	vor.u32 v30, v14  }
0x392: {  	s12 =	sadd.s32 s0, s13;
	[tilespmem:s15+$0x70] =	vst v9;
	v4 =	vor.u32 v38, v4  }
0x393: {  	[tilespmem:s12+$0x0] =	vst v10  }
0x394: {  	v33 =	vadd.s32 v32, v22;
	v8 =	vld.idx.msk [tilespmem:v8+s19+$0x0], $0xffff;
	[tilespmem:s11+$0x60] =	vst v11  }
0x395: {  	v11 =	vor.u32 v20, v33;
	[tilespmem:s8+$0x60] =	vst v12;
	v12 =	vadd.s32 v32, v15;
	v13 =	vld.idx.msk [tilespmem:v13+s19+$0x0], $0xffff  }
0x396: {  	v33 =	vadd.s32 v28, v55;
	v11 =	vor.u32 v38, v11;
	v14 =	vld.idx.msk [tilespmem:v14+s19+$0x0], $0xffff;
	v12 =	vor.u32 v57, v12  }
0x397: {  	v4 =	vld.idx.msk [tilespmem:v4+s19+$0x0], $0xffff;
	v32 =	vadd.s32 v40, v52;
	v9 =	vor.u32 v54, v33;
	v12 =	vor.u32 v38, v12  }
0x398: {  	[tilespmem:s3+$0x70] =	vst v7;
	v10 =	vor.u32 v53, v32;
	v9 =	vor.u32 v36, v9  }
0x399: {  	[tilespmem:s12+$0x10] =	vst v8;
	v10 =	vor.u32 v35, v10  }
0x39a: {  	v33 =	vadd.s32 v40, v55;
	[tilespmem:s11+$0x70] =	vst v13;
	v13 =	vadd.s32 v28, v22  }
0x39b: {  	[tilespmem:s8+$0x70] =	vst v14;
	v14 =	vadd.s32 v28, v15;
	s11 =	sadd.s32 s31, s13;
	v11 =	vld.idx.msk [tilespmem:v11+s19+$0x0], $0xffff;
	v13 =	vor.u32 v20, v13  }
0x39c: {  	v12 =	vld.idx.msk [tilespmem:v12+s19+$0x0], $0xffff;
	[tilespmem:s11+$0x0] =	vst v4;
	v7 =	vor.u32 v36, v13;
	v13 =	vor.u32 v57, v14  }
0x39d: {  	v4 =	vor.u32 v54, v33;
	v9 =	vld.idx.msk [tilespmem:v9+s19+$0x0], $0xffff;
	v13 =	vor.u32 v36, v13;
	v36 =	vadd.s32 v42, v52  }
0x39e: {  	s21 =	sadd.s32 $0x10180, s22;
	s15 =	sadd.s32 $0x10580, s30;
	v38 =	vld.idx.msk [tilespmem:v10+s19+$0x0], $0xffff;
	v4 =	vor.u32 v35, v4;
	v8 =	vor.u32 v53, v36  }
0x39f: {  	s3 =	sadd.s32 s29, s15;
	s29 =	sadd.s32 s10, s21;
	v8 =	vor.u32 v37, v8  }
0x3a0: {  	v5 =	vld.idx.msk [tilespmem:v5+s19+$0x0], $0xffff;
	s30 =	sadd.s32 s16, s21;
	[tilespmem:s29+$0x0] =	vst v11  }
0x3a1: {  	[tilespmem:s30+$0x0] =	vst v12;
	v7 =	vld.idx.msk [tilespmem:v7+s19+$0x0], $0xffff  }
0x3a2: {  	[tilespmem:s11+$0x10] =	vst v9;
	v13 =	vld.idx.msk [tilespmem:v13+s19+$0x0], $0xffff  }
0x3a3: {  	[tilespmem:s12+$0x20] =	vst v38;
	v4 =	vld.idx.msk [tilespmem:v4+s19+$0x0], $0xffff  }
0x3a4: {  	[tilespmem:s3+$0x0] =	vst v6;
	v32 =	vadd.s32 v40, v22;
	s8 =	sadd.s32 s28, s15;
	v8 =	vld.idx.msk [tilespmem:v8+s19+$0x0], $0xffff  }
0x3a5: {  	v2 =	vor.u32 v50, v2;
	v33 =	vadd.s32 v40, v15;
	v10 =	vor.u32 v20, v32;
	[tilespmem:s8+$0x0] =	vst v5  }
0x3a6: {  	v2 =	vor.u32 v48, v2;
	v10 =	vor.u32 v35, v10;
	v11 =	vor.u32 v57, v33;
	[tilespmem:s29+$0x10] =	vst v7  }
0x3a7: {  	v12 =	vadd.s32 v42, v55;
	v9 =	vor.u32 v35, v11;
	v35 =	vadd.s32 v42, v22;
	[tilespmem:s30+$0x10] =	vst v13  }
0x3a8: {  	v38 =	vadd.s32 v34, v52;
	v36 =	vor.u32 v54, v12;
	v7 =	vor.u32 v20, v35;
	v35 =	vld [tilespmem:$0x1FF50];
	[tilespmem:s11+$0x20] =	vst v4  }
0x3a9: {  	v6 =	vor.u32 v53, v38;
	v40 =	vor.u32 v37, v36;
	[tilespmem:s12+$0x30] =	vst v8  }
0x3aa: {  	v6 =	vor.u32 v41, v6;
	v18 =	vld [tilespmem:$0x1FED0]  }
0x3ab: {  	v3 =	vor.u32 v51, v3;
	v2 =	vld.idx.msk [tilespmem:v2+s19+$0x0], $0xffff  }
0x3ac: {  	v3 =	vor.u32 v48, v3;
	v36 =	vadd.s32 v42, v15;
	v10 =	vld.idx.msk [tilespmem:v10+s19+$0x0], $0xffff  }
0x3ad: {  	v11 =	vor.u32 v57, v36;
	v7 =	vor.u32 v37, v7;
	v9 =	vld.idx.msk [tilespmem:v9+s19+$0x0], $0xffff  }
0x3ae: {  	v0 =	vor.u32 v54, v0;
	v11 =	vor.u32 v37, v11;
	v5 =	vld.idx.msk [tilespmem:v40+s19+$0x0], $0xffff  }
0x3af: {  	v0 =	vor.u32 v41, v0;
	v6 =	vld.idx.msk [tilespmem:v6+s19+$0x0], $0xffff;
	v40 =	vadd.s32 v18, v52  }
0x3b0: {  	[tilespmem:s3+$0x10] =	vst v2;
	v8 =	vor.u32 v53, v40  }
0x3b1: {  	v3 =	vld.idx.msk [tilespmem:v3+s19+$0x0], $0xffff;
	[tilespmem:s29+$0x20] =	vst v10;
	v8 =	vor.u32 v46, v8  }
0x3b2: {  	[tilespmem:s30+$0x20] =	vst v9;
	v7 =	vld.idx.msk [tilespmem:v7+s19+$0x0], $0xffff  }
0x3b3: {  	v32 =	vadd.s32 v34, v15;
	v42 =	vadd.s32 v34, v22;
	v34 =	vld.idx.msk [tilespmem:v11+s19+$0x0], $0xffff;
	[tilespmem:s11+$0x30] =	vst v5  }
0x3b4: {  	v0 =	vld.idx.msk [tilespmem:v0+s19+$0x0], $0xffff;
	[tilespmem:s12+$0x40] =	vst v6  }
0x3b5: {  	v27 =	vld [tilespmem:$0x1FEE0]  }
0x3b6: {  	v12 =	vadd.s32 v35, v49;
	v8 =	vld.idx.msk [tilespmem:v8+s19+$0x0], $0xffff  }
0x3b7: {  	v38 =	vor.u32 v50, v12;
	[tilespmem:s8+$0x10] =	vst v3  }
0x3b8: {  	v10 =	vor.u32 v20, v42;
	v4 =	vor.u32 v47, v38;
	[tilespmem:s29+$0x30] =	vst v7  }
0x3b9: {  	v33 =	vor.u32 v41, v10;
	v9 =	vor.u32 v57, v32;
	[tilespmem:s30+$0x30] =	vst v34  }
0x3ba: {  	v37 =	vor.u32 v54, v62;
	v36 =	vor.u32 v41, v9;
	[tilespmem:s11+$0x40] =	vst v0;
	v38 =	vadd.s32 v27, v52  }
0x3bb: {  	v40 =	vor.u32 v46, v37;
	v6 =	vor.u32 v53, v38;
	[tilespmem:s12+$0x50] =	vst v8  }
0x3bc: {  	v6 =	vor.u32 v45, v6;
	v24 =	vld [tilespmem:$0x1FEF0]  }
0x3bd: {  	v41 =	vadd.s32 v18, v22;
	v4 =	vld.idx.msk [tilespmem:v4+s19+$0x0], $0xffff  }
0x3be: {  	v42 =	vadd.s32 v18, v15;
	v7 =	vor.u32 v20, v41;
	v2 =	vld.idx.msk [tilespmem:v33+s19+$0x0], $0xffff  }
0x3bf: {  	v9 =	vor.u32 v57, v42;
	v7 =	vor.u32 v46, v7;
	v5 =	vld.idx.msk [tilespmem:v36+s19+$0x0], $0xffff  }
0x3c0: {  	v32 =	vor.u32 v54, v61;
	v62 =	vor.u32 v46, v9;
	v3 =	vld.idx.msk [tilespmem:v40+s19+$0x0], $0xffff  }
0x3c1: {  	v34 =	vor.u32 v45, v32;
	v6 =	vld.idx.msk [tilespmem:v6+s19+$0x0], $0xffff;
	v33 =	vadd.s32 v24, v52  }
0x3c2: {  	[tilespmem:s3+$0x20] =	vst v4;
	v8 =	vor.u32 v53, v33  }
0x3c3: {  	v14 =	vld [tilespmem:$0x1FF80];
	[tilespmem:s29+$0x40] =	vst v2;
	v8 =	vor.u32 v26, v8  }
0x3c4: {  	v1 =	vor.u32 v51, v1;
	[tilespmem:s30+$0x40] =	vst v5;
	v7 =	vld.idx.msk [tilespmem:v7+s19+$0x0], $0xffff  }
0x3c5: {  	v0 =	vor.u32 v47, v1;
	[tilespmem:s11+$0x50] =	vst v3;
	v1 =	vld.idx.msk [tilespmem:v62+s19+$0x0], $0xffff  }
0x3c6: {  	v4 =	vld.idx.msk [tilespmem:v34+s19+$0x0], $0xffff;
	v40 =	vadd.s32 v24, v55;
	[tilespmem:s12+$0x60] =	vst v6  }
0x3c7: {  	v3 =	vor.u32 v54, v40;
	v40 =	vld [tilespmem:$0x1FF60]  }
0x3c8: {  	v8 =	vld.idx.msk [tilespmem:v8+s19+$0x0], $0xffff;
	_ =	sdelay $0x1  }
0x3c9: {  	v37 =	vadd.s32 v27, v22;
	v31 =	vld [tilespmem:$0x1FF20];
	[tilespmem:s29+$0x50] =	vst v7  }
0x3ca: {  	v38 =	vadd.s32 v27, v15;
	v2 =	vor.u32 v20, v37;
	[tilespmem:s30+$0x50] =	vst v1  }
0x3cb: {  	v5 =	vor.u32 v57, v38;
	v2 =	vor.u32 v45, v2;
	[tilespmem:s11+$0x60] =	vst v4  }
0x3cc: {  	v5 =	vor.u32 v45, v5;
	v41 =	vadd.s32 v40, v52;
	[tilespmem:s12+$0x70] =	vst v8  }
0x3cd: {  	v3 =	vor.u32 v26, v3;
	v6 =	vor.u32 v53, v41;
	v33 =	vld [tilespmem:$0x1FF40]  }
0x3ce: {  	v6 =	vor.u32 v31, v6  }
0x3cf: {  	v42 =	vor.u32 v51, v63;
	v0 =	vld.idx.msk [tilespmem:v0+s19+$0x0], $0xffff;
	v45 =	vadd.s32 v24, v22  }
0x3d0: {  	v10 =	vor.u32 v29, v42;
	v46 =	vadd.s32 v24, v15;
	v7 =	vor.u32 v20, v45;
	v2 =	vld.idx.msk [tilespmem:v2+s19+$0x0], $0xffff  }
0x3d1: {  	v1 =	vor.u32 v57, v46;
	v7 =	vor.u32 v26, v7;
	v5 =	vld.idx.msk [tilespmem:v5+s19+$0x0], $0xffff;
	v61 =	vadd.s32 v40, v55  }
0x3d2: {  	v1 =	vor.u32 v26, v1;
	v3 =	vld.idx.msk [tilespmem:v3+s19+$0x0], $0xffff;
	v4 =	vor.u32 v54, v61;
	v62 =	vadd.s32 v33, v52  }
0x3d3: {  	v36 =	vadd.s32 v14, v49;
	v63 =	vor.u32 v31, v4;
	v32 =	vld.idx.msk [tilespmem:v6+s19+$0x0], $0xffff;
	v34 =	vor.u32 v53, v62  }
0x3d4: {  	v42 =	vadd.s32 v35, v52;
	v9 =	vor.u32 v50, v36;
	[tilespmem:s8+$0x20] =	vst v0;
	v6 =	vor.u32 v48, v34  }
0x3d5: {  	v9 =	vor.u32 v29, v9;
	v37 =	vadd.s32 v40, v22;
	v38 =	vadd.s32 v40, v15;
	v45 =	vld [tilespmem:$0x1FF70];
	[tilespmem:s29+$0x60] =	vst v2  }
0x3d6: {  	s13 =	sadd.s32 $0x10580, s2;
	v2 =	vor.u32 v20, v37;
	[tilespmem:s30+$0x60] =	vst v5;
	v5 =	vor.u32 v57, v38;
	v7 =	vld.idx.msk [tilespmem:v7+s19+$0x0], $0xffff  }
0x3d7: {  	s28 =	sadd.s32 s0, s13;
	[tilespmem:s11+$0x70] =	vst v3;
	v2 =	vor.u32 v31, v2;
	v1 =	vld.idx.msk [tilespmem:v1+s19+$0x0], $0xffff;
	v41 =	vadd.s32 v33, v55  }
0x3d8: {  	v5 =	vor.u32 v31, v5;
	v0 =	vld.idx.msk [tilespmem:v63+s19+$0x0], $0xffff;
	[tilespmem:s28+$0x0] =	vst v32;
	v3 =	vor.u32 v54, v41  }
0x3d9: {  	v4 =	vor.u32 v53, v42;
	v3 =	vor.u32 v48, v3;
	v6 =	vld.idx.msk [tilespmem:v6+s19+$0x0], $0xffff  }
0x3da: {  	v9 =	vld.idx.msk [tilespmem:v9+s19+$0x0], $0xffff;
	v4 =	vor.u32 v47, v4  }
0x3db: {  	v46 =	vld.idx.msk [tilespmem:v10+s19+$0x0], $0xffff;
	v61 =	vadd.s32 v33, v22;
	[tilespmem:s29+$0x70] =	vst v7  }
0x3dc: {  	s2 =	sadd.s32 s31, s13;
	[tilespmem:s30+$0x70] =	vst v1;
	v7 =	vor.u32 v20, v61;
	v2 =	vld.idx.msk [tilespmem:v2+s19+$0x0], $0xffff  }
0x3dd: {  	v62 =	vadd.s32 v33, v15;
	[tilespmem:s2+$0x0] =	vst v0;
	v7 =	vor.u32 v48, v7;
	v5 =	vld.idx.msk [tilespmem:v5+s19+$0x0], $0xffff  }
0x3de: {  	v1 =	vor.u32 v57, v62;
	v3 =	vld.idx.msk [tilespmem:v3+s19+$0x0], $0xffff;
	[tilespmem:s28+$0x10] =	vst v6  }
0x3df: {  	[tilespmem:s3+$0x30] =	vst v9;
	v36 =	vadd.s32 v45, v49;
	s29 =	sadd.s32 $0x10580, s22;
	v32 =	vor.u32 v48, v1;
	v4 =	vld.idx.msk [tilespmem:v4+s19+$0x0], $0xffff  }
0x3e0: {  	[tilespmem:s8+$0x30] =	vst v46;
	v8 =	vor.u32 v50, v36;
	s10 =	sadd.s32 s10, s29  }
0x3e1: {  	v63 =	vor.u32 v51, v60;
	v34 =	vadd.s32 v35, v55;
	v8 =	vor.u32 v44, v8;
	s11 =	sadd.s32 s16, s29;
	[tilespmem:s10+$0x0] =	vst v2  }
0x3e2: {  	v10 =	vor.u32 v44, v63;
	v1 =	vor.u32 v54, v34;
	[tilespmem:s11+$0x0] =	vst v5;
	v7 =	vld.idx.msk [tilespmem:v7+s19+$0x0], $0xffff  }
0x3e3: {  	v1 =	vor.u32 v47, v1;
	v41 =	vld [tilespmem:$0x1FF10];
	[tilespmem:s2+$0x10] =	vst v3  }
0x3e4: {  	v37 =	vadd.s32 v35, v22;
	v0 =	vld.idx.msk [tilespmem:v32+s19+$0x0], $0xffff;
	[tilespmem:s28+$0x20] =	vst v4  }
0x3e5: {  	v38 =	vadd.s32 v35, v15;
	v2 =	vor.u32 v20, v37;
	v19 =	vld [tilespmem:$0x1FEA0]  }
0x3e6: {  	v9 =	vor.u32 v57, v38;
	v36 =	vadd.s32 v14, v52;
	v8 =	vld.idx.msk [tilespmem:v8+s19+$0x0], $0xffff;
	v2 =	vor.u32 v47, v2  }
0x3e7: {  	v9 =	vor.u32 v47, v9;
	v10 =	vld.idx.msk [tilespmem:v10+s19+$0x0], $0xffff;
	v6 =	vor.u32 v53, v36  }
0x3e8: {  	v60 =	vadd.s32 v14, v15;
	v6 =	vor.u32 v29, v6;
	v1 =	vld.idx.msk [tilespmem:v1+s19+$0x0], $0xffff;
	v42 =	vadd.s32 v41, v49  }
0x3e9: {  	v46 =	vadd.s32 v14, v55;
	v48 =	vadd.s32 v14, v22;
	v5 =	vor.u32 v50, v42;
	[tilespmem:s10+$0x10] =	vst v7  }
0x3ea: {  	v47 =	vadd.s32 v45, v52;
	v3 =	vor.u32 v54, v46;
	[tilespmem:s11+$0x10] =	vst v0;
	v5 =	vor.u32 v19, v5  }
0x3eb: {  	v3 =	vor.u32 v29, v3;
	v7 =	vor.u32 v20, v48;
	[tilespmem:s3+$0x40] =	vst v8;
	v2 =	vld.idx.msk [tilespmem:v2+s19+$0x0], $0xffff  }
0x3ec: {  	v0 =	vor.u32 v57, v60;
	[tilespmem:s8+$0x40] =	vst v10;
	v7 =	vor.u32 v29, v7;
	v61 =	vld.idx.msk [tilespmem:v9+s19+$0x0], $0xffff  }
0x3ed: {  	v4 =	vor.u32 v53, v47;
	v6 =	vld.idx.msk [tilespmem:v6+s19+$0x0], $0xffff;
	[tilespmem:s2+$0x20] =	vst v1;
	v0 =	vor.u32 v29, v0  }
0x3ee: {  	v62 =	vor.u32 v51, v59;
	v4 =	vor.u32 v44, v4;
	v34 =	vld [tilespmem:$0x1FF30]  }
0x3ef: {  	v63 =	vadd.s32 v45, v55;
	v38 =	vadd.s32 v45, v22;
	v9 =	vor.u32 v19, v62;
	v5 =	vld.idx.msk [tilespmem:v5+s19+$0x0], $0xffff  }
0x3f0: {  	v10 =	vor.u32 v54, v63;
	v42 =	vadd.s32 v45, v15;
	v3 =	vld.idx.msk [tilespmem:v3+s19+$0x0], $0xffff;
	[tilespmem:s10+$0x20] =	vst v2  }
0x3f1: {  	v37 =	vor.u32 v44, v10;
	v2 =	vor.u32 v20, v38;
	[tilespmem:s11+$0x20] =	vst v61;
	v7 =	vld.idx.msk [tilespmem:v7+s19+$0x0], $0xffff  }
0x3f2: {  	v10 =	vor.u32 v57, v42;
	[tilespmem:s28+$0x30] =	vst v6;
	v2 =	vor.u32 v44, v2;
	v0 =	vld.idx.msk [tilespmem:v0+s19+$0x0], $0xffff  }
0x3f3: {  	v46 =	vadd.s32 v41, v52;
	v48 =	vor.u32 v44, v10;
	v4 =	vld.idx.msk [tilespmem:v4+s19+$0x0], $0xffff  }
0x3f4: {  	v47 =	vor.u32 v53, v46;
	v60 =	vld.idx.msk [tilespmem:v9+s19+$0x0], $0xffff;
	[tilespmem:s3+$0x50] =	vst v5  }
0x3f5: {  	v5 =	vor.u32 v19, v47;
	v32 =	vld [tilespmem:$0x1FF00];
	[tilespmem:s2+$0x30] =	vst v3  }
0x3f6: {  	[tilespmem:s10+$0x30] =	vst v7;
	v6 =	vld.idx.msk [tilespmem:v37+s19+$0x0], $0xffff  }
0x3f7: {  	[tilespmem:s11+$0x30] =	vst v0;
	v2 =	vld.idx.msk [tilespmem:v2+s19+$0x0], $0xffff  }
0x3f8: {  	v36 =	vadd.s32 v34, v49;
	[tilespmem:s28+$0x40] =	vst v4;
	v8 =	vld.idx.msk [tilespmem:v48+s19+$0x0], $0xffff  }
0x3f9: {  	v1 =	vor.u32 v50, v36;
	v36 =	vld [tilespmem:$0x1FEC0]  }
0x3fa: {  	v59 =	vadd.s32 v41, v55;
	v5 =	vld.idx.msk [tilespmem:v5+s19+$0x0], $0xffff  }
0x3fb: {  	v61 =	vadd.s32 v41, v22;
	v3 =	vor.u32 v54, v59;
	[tilespmem:s8+$0x50] =	vst v60  }
0x3fc: {  	v62 =	vadd.s32 v41, v15;
	v7 =	vor.u32 v20, v61;
	v3 =	vor.u32 v19, v3;
	[tilespmem:s2+$0x40] =	vst v6  }
0x3fd: {  	v0 =	vor.u32 v57, v62;
	v7 =	vor.u32 v19, v7;
	[tilespmem:s10+$0x40] =	vst v2  }
0x3fe: {  	v63 =	vor.u32 v51, v58;
	v12 =	vadd.s32 v34, v52;
	v0 =	vor.u32 v19, v0;
	[tilespmem:s11+$0x40] =	vst v8  }
0x3ff: {  	v44 =	vadd.s32 v34, v55;
	v12 =	vor.u32 v53, v12;
	v1 =	vor.u32 v36, v1;
	[tilespmem:s28+$0x50] =	vst v5  }
0x400: {  	v4 =	vor.u32 v54, v44;
	v49 =	vadd.s32 v32, v49;
	v46 =	vor.u32 v36, v63;
	v13 =	vld [tilespmem:$0x1FE80]  }
0x401: {  	v48 =	vadd.s32 v34, v22;
	v10 =	vor.u32 v50, v49;
	v47 =	vor.u32 v36, v12;
	v3 =	vld.idx.msk [tilespmem:v3+s19+$0x0], $0xffff  }
0x402: {  	v4 =	vor.u32 v36, v4;
	v49 =	vadd.s32 v34, v15;
	v2 =	vor.u32 v20, v48;
	v7 =	vld.idx.msk [tilespmem:v7+s19+$0x0], $0xffff  }
0x403: {  	v42 =	vor.u32 v51, v56;
	v50 =	vor.u32 v57, v49;
	v2 =	vor.u32 v36, v2;
	v0 =	vld.idx.msk [tilespmem:v0+s19+$0x0], $0xffff  }
0x404: {  	v51 =	vadd.s32 v32, v55;
	v55 =	vadd.s32 v32, v22;
	v5 =	vor.u32 v36, v50;
	v1 =	vld.idx.msk [tilespmem:v1+s19+$0x0], $0xffff  }
0x405: {  	v12 =	vadd.s32 v32, v52;
	v8 =	vor.u32 v54, v51;
	v6 =	vld.idx.msk [tilespmem:v46+s19+$0x0], $0xffff;
	v10 =	vor.u32 v13, v10  }
0x406: {  	v12 =	vor.u32 v53, v12;
	v9 =	vld.idx.msk [tilespmem:v47+s19+$0x0], $0xffff;
	[tilespmem:s2+$0x50] =	vst v3;
	v54 =	vor.u32 v13, v42  }
0x407: {  	v60 =	vadd.s32 v32, v15;
	[tilespmem:s10+$0x50] =	vst v7;
	v4 =	vld.idx.msk [tilespmem:v4+s19+$0x0], $0xffff;
	v58 =	vor.u32 v13, v12  }
0x408: {  	v56 =	vor.u32 v20, v55;
	[tilespmem:s11+$0x50] =	vst v0;
	v2 =	vld.idx.msk [tilespmem:v2+s19+$0x0], $0xffff;
	v59 =	vor.u32 v13, v8  }
0x409: {  	v61 =	vor.u32 v57, v60;
	v5 =	vld.idx.msk [tilespmem:v5+s19+$0x0], $0xffff;
	v7 =	vor.u32 v13, v56;
	[tilespmem:s3+$0x60] =	vst v1  }
0x40a: {  	[tilespmem:s8+$0x60] =	vst v6;
	v1 =	vor.u32 v13, v61;
	v62 =	vld.idx.msk [tilespmem:v10+s19+$0x0], $0xffff  }
0x40b: {  	[tilespmem:s28+$0x60] =	vst v9;
	v3 =	vld.idx.msk [tilespmem:v54+s19+$0x0], $0xffff  }
0x40c: {  	[tilespmem:s2+$0x60] =	vst v4;
	v63 =	vld.idx.msk [tilespmem:v58+s19+$0x0], $0xffff  }
0x40d: {  	[tilespmem:s10+$0x60] =	vst v2;
	v0 =	vld.idx.msk [tilespmem:v59+s19+$0x0], $0xffff  }
0x40e: {  	[tilespmem:s11+$0x60] =	vst v5;
	v2 =	vld.idx.msk [tilespmem:v7+s19+$0x0], $0xffff  }
0x40f: {  	v1 =	vld.idx.msk [tilespmem:v1+s19+$0x0], $0xffff;
	[tilespmem:s3+$0x70] =	vst v62  }
0x410: {  	[tilespmem:s8+$0x70] =	vst v3  }
0x411: {  	[tilespmem:s28+$0x70] =	vst v63  }
0x412: {  	[tilespmem:s2+$0x70] =	vst v0  }
0x413: {  	[tilespmem:s10+$0x70] =	vst v2  }
0x414: {  	[tilespmem:s11+$0x70] =	vst v1  }
0x415: {  	s30 =	sadd.s32 s26, s7;
	v12 =	vld [tilespmem:$0x1FFC0]  }
.Ltmp5:
0x416: {  	s31 =	sshrl.u32 s30, $0x3;
	v20 =	vld [tilespmem:$0x1FFF0];
	(pc) =	sbr.rel @p4 .LBB2_10-.Ltmp5, $4  }
0x417: {  	s0 =	smul.u32 $0x180, s31;
	v42 =	vld [tilespmem:$0x1FFD0]  }
0x418: {  	v13 =	vld [tilespmem:$0x1FFB0]  }
0x419: {  	s0 =	sadd.s32 s4, s0;
	v16 =	vld [tilespmem:$0x1FFE0]  }
0x41a: {  	[hbm4b:s0+s6] =	stream.linear.scatter [tilespmem:s20], [sflag:$0x4], $0x5400, $0x38;
	v25 =	vld [tilespmem:$0x1FFA0]  }
0x41b: {  	s0 =	sadd.s32 $0x3, s25  }
0x41c: {  	s2 =	smul.u32 @!p0 $0x38, s0;
	_ =	sdelay $0x1  }
0x41d: {  	s2 =	sadd.s32 @!p0 s5, s2  }
0x41e: {  	s2 =	sshrl.u32 @!p0 s2, $0x3  }
0x41f: {  	s2 =	smul.u32 @!p0 $0x180, s2;
	_ =	sdelay $0x1  }
0x420: {  	s3 =	simm.s32 @!p0 $0x0;
	s8 =	simm.s32 @!p0 $0x5580;
	s2 =	sadd.s32 @!p0 s1, s2  }
0x421: {  	[tilespmem:s8], [sflag:$0x2] =	stream.linear.gather @!p0 [hbm4b:s2+s3], $0x400, $0x38;
	[tilespmem:$0x15180] =	vst v63  }
0x422: {  	s10 =	simm.s32 @!p0 $0x6180;
	s8 =	sadd.s32 @!p0 $0x180, s2  }
0x423: {  	[tilespmem:s10], [sflag:$0x2] =	stream.linear.gather @!p0 [hbm4b:s8+s3], $0x400, $0x38;
	[tilespmem:$0x15180] =	vst v63  }
0x424: {  	s8 =	sadd.s32 @!p0 $0x300, s2;
	s10 =	simm.s32 @!p0 $0x6D80  }
0x425: {  	[tilespmem:s10], [sflag:$0x2] =	stream.linear.gather @!p0 [hbm4b:s8+s3], $0x400, $0x38;
	[tilespmem:$0x15180] =	vst v63  }
0x426: {  	s8 =	sadd.s32 @!p0 $0x480, s2;
	s10 =	simm.s32 @!p0 $0x7980  }
0x427: {  	[tilespmem:s10], [sflag:$0x2] =	stream.linear.gather @!p0 [hbm4b:s8+s3], $0x400, $0x38;
	[tilespmem:$0x15180] =	vst v63  }
0x428: {  	s8 =	sadd.s32 @!p0 $0x600, s2;
	s10 =	simm.s32 @!p0 $0x8580  }
0x429: {  	[tilespmem:s10], [sflag:$0x2] =	stream.linear.gather @!p0 [hbm4b:s8+s3], $0x400, $0x38;
	[tilespmem:$0x15180] =	vst v63  }
0x42a: {  	s11 =	smul.u32 @!p1 $0x38, s0;
	s8 =	sadd.s32 @!p0 $0x780, s2;
	s10 =	simm.s32 @!p0 $0x9180  }
0x42b: {  	[tilespmem:s10], [sflag:$0x2] =	stream.linear.gather @!p0 [hbm4b:s8+s3], $0x400, $0x38;
	[tilespmem:$0x15180] =	vst v63  }
0x42c: {  	s8 =	sadd.s32 @!p1 s5, s11  }
0x42d: {  	s8 =	sshrl.u32 @!p1 s8, $0x3  }
0x42e: {  	s2 =	sadd.s32 @!p0 $0x900, s2;
	s10 =	simm.s32 @!p0 $0x9D80;
	s8 =	smul.u32 @!p1 $0xC00, s8  }
0x42f: {  	[tilespmem:s10], [sflag:$0x2] =	stream.linear.gather @!p0 [hbm4b:s2+s3], $0x400, $0x38;
	[tilespmem:$0x15180] =	vst v63  }
0x430: {  	s2 =	sshrl.u32 @!p1 s8, $0x3  }
0x431: {  	s2 =	sadd.s32 @!p1 s1, s2  }
0x432: {  	s10 =	simm.s32 @!p1 $0x5980;
	s8 =	simm.s32 @!p1 $0x0;
	s3 =	sadd.s32 @!p1 $0x80, s2  }
0x433: {  	[tilespmem:s10], [sflag:$0x2] =	stream.linear.gather @!p1 [hbm4b:s3+s8], $0x400, $0x38;
	[tilespmem:$0x15180] =	vst v63  }
0x434: {  	s0 =	smul.u32 @!p2 $0x38, s0;
	s3 =	sadd.s32 @!p1 $0x200, s2;
	s10 =	simm.s32 @!p1 $0x6580  }
0x435: {  	[tilespmem:s10], [sflag:$0x2] =	stream.linear.gather @!p1 [hbm4b:s3+s8], $0x400, $0x38;
	[tilespmem:$0x15180] =	vst v63  }
0x436: {  	s0 =	sadd.s32 @!p2 s5, s0;
	s3 =	sadd.s32 @!p1 $0x380, s2;
	s10 =	simm.s32 @!p1 $0x7180  }
0x437: {  	[tilespmem:s10], [sflag:$0x2] =	stream.linear.gather @!p1 [hbm4b:s3+s8], $0x400, $0x38;
	[tilespmem:$0x15180] =	vst v63  }
0x438: {  	s0 =	sshrl.u32 @!p2 s0, $0x3;
	s3 =	sadd.s32 @!p1 $0x500, s2;
	s10 =	simm.s32 @!p1 $0x7D80  }
0x439: {  	[tilespmem:s10], [sflag:$0x2] =	stream.linear.gather @!p1 [hbm4b:s3+s8], $0x400, $0x38;
	[tilespmem:$0x15180] =	vst v63  }
0x43a: {  	s0 =	smul.u32 @!p2 $0xC00, s0;
	s3 =	sadd.s32 @!p1 $0x680, s2;
	s10 =	simm.s32 @!p1 $0x8980  }
0x43b: {  	[tilespmem:s10], [sflag:$0x2] =	stream.linear.gather @!p1 [hbm4b:s3+s8], $0x400, $0x38;
	[tilespmem:$0x15180] =	vst v63  }
0x43c: {  	s0 =	sshrl.u32 @!p2 s0, $0x3;
	s3 =	sadd.s32 @!p1 $0x800, s2;
	s10 =	simm.s32 @!p1 $0x9580  }
0x43d: {  	[tilespmem:s10], [sflag:$0x2] =	stream.linear.gather @!p1 [hbm4b:s3+s8], $0x400, $0x38;
	[tilespmem:$0x15180] =	vst v63  }
0x43e: {  	s0 =	sadd.s32 @!p2 s1, s0;
	s2 =	sadd.s32 @!p1 $0x980, s2;
	s3 =	simm.s32 @!p1 $0xA180  }
0x43f: {  	[tilespmem:s3], [sflag:$0x2] =	stream.linear.gather @!p1 [hbm4b:s2+s8], $0x400, $0x38;
	[tilespmem:$0x15180] =	vst v63  }
0x440: {  	s2 =	sadd.s32 @!p2 $0x100, s0;
	s3 =	simm.s32 @!p2 $0x0;
	s8 =	simm.s32 @!p2 $0x5D80  }
0x441: {  	[tilespmem:s8], [sflag:$0x2] =	stream.linear.gather @!p2 [hbm4b:s2+s3], $0x400, $0x38;
	[tilespmem:$0x15180] =	vst v63  }
0x442: {  	s2 =	sadd.s32 @!p2 $0x280, s0;
	s8 =	simm.s32 @!p2 $0x6980  }
0x443: {  	[tilespmem:s8], [sflag:$0x2] =	stream.linear.gather @!p2 [hbm4b:s2+s3], $0x400, $0x38;
	[tilespmem:$0x15180] =	vst v63  }
0x444: {  	s2 =	sadd.s32 @!p2 $0x400, s0;
	s8 =	simm.s32 @!p2 $0x7580  }
0x445: {  	[tilespmem:s8], [sflag:$0x2] =	stream.linear.gather @!p2 [hbm4b:s2+s3], $0x400, $0x38;
	[tilespmem:$0x15180] =	vst v63  }
0x446: {  	s2 =	sadd.s32 @!p2 $0x580, s0;
	s8 =	simm.s32 @!p2 $0x8180  }
0x447: {  	[tilespmem:s8], [sflag:$0x2] =	stream.linear.gather @!p2 [hbm4b:s2+s3], $0x400, $0x38;
	[tilespmem:$0x15180] =	vst v63  }
0x448: {  	s2 =	sadd.s32 @!p2 $0x700, s0;
	s8 =	simm.s32 @!p2 $0x8D80  }
0x449: {  	[tilespmem:s8], [sflag:$0x2] =	stream.linear.gather @!p2 [hbm4b:s2+s3], $0x400, $0x38;
	[tilespmem:$0x15180] =	vst v63  }
.Ltmp6:
0x44a: {  	_ = 	snop;
	(pc) =	sbr.rel .LBB2_2-.Ltmp6, $4  }
0x44b: {  	s2 =	sadd.s32 @!p2 $0x880, s0;
	s8 =	simm.s32 @!p2 $0x9980  }
0x44c: {  	[tilespmem:s8], [sflag:$0x2] =	stream.linear.gather @!p2 [hbm4b:s2+s3], $0x400, $0x38;
	[tilespmem:$0x15180] =	vst v63  }
0x44d: {  	v28 =	vmov v23;
	s24 =	sadd.s32 $0x1, s24;
	s0 =	sadd.s32 @!p2 $0xA00, s0;
	s2 =	simm.s32 @!p2 $0xA580  }
0x44e: {  	v44 =	vmovc v18;
	v48 =	vmovc v24;
	v46 =	vmov v27;
	v26 =	vmov v43;
	v27 =	vmov v19;
	[tilespmem:s2], [sflag:$0x2] =	stream.linear.gather @!p2 [hbm4b:s0+s3], $0x400, $0x38;
	[tilespmem:$0x15180] =	vst v63  }
.LBB2_11:
0x44f: {  	_ =	sfence.sel $0x180000  }
0x450: {  	[bflag:$0x0] =	sbarrier.arrive $0xFFFF  }
0x451: {  	_ =	strace $0x90000047  }
0x452: {  	s0 =	stileid.u32;
	[bflag:$0x2] =	sbarrier.arrive $0xFFFF  }
0x453: {  	p0 =	sne.s32 s0, $0x0;
	s0 =	rddreg [dreg:$0x3]  }
0x454: {  	s0 =	sadd.s32 @!p0 $0x100000, s0  }
0x455: {  	[sflag:s0] =	ssyncadd.tile.s32 @!p0 $0x1;
	_ =	shalt  }
.Lfunc_end2:
_tile_overlayer_lowered:
.L_overlay_start_2:
0x456: {  	(tag) =	ssettag $0x2  }
0x457: {  	s0 =	rddreg [dreg:$0x0];
	s2 =	stileid.u32  }
0x458: {  	s1 =	rddreg [dreg:$0x1];
	p0 =	sne.s32 s2, $0x0  }
0x459: {  	s3 =	rddreg [dreg:$0x2];
	[bflag:$0x3] =	sbarrier.arrive $0xFFFF;
	s2 =	simm.s32 @!p0 $0x1C05  }
0x45a: {  	[timem:s3], [sflag:s2] =	dma.local @!p0 [hbm:s0], s1  }
0x45b: {  	s0 =	simm.s32 @!p0 $0x5  }
0x45c: {  	_ =	swait.ge @!p0 [sflag:s0], s1  }
0x45d: {  	s1 =	ssub.s32 @!p0 $0x0, s1;
	[sflag:s0] =	ssyncset.done @!p0 $0x0  }
0x45e: {  	[sflag:s0] =	ssyncadd.s32 @!p0 s1  }
0x45f: {  	[bflag:$0x3] =	sbarrier.arrive $0xFFFF  }
0x460: {  	_ =	shalt  }

</sc_bundles>
